<compile_context>
chip_gen: v7x
topology: tpu7x:2x2x1
jax: 0.10.2.dev20260603
libtpu: 0.0.44.dev20260713+nightly
codegen_flags: <defaults>
</compile_context>

<pallas_src>
import functools

import jax
import jax.numpy as jnp
from jax import lax
from jax.experimental import pallas as pl
from jax.experimental.pallas import tpu as pltpu
from jax.experimental.pallas import tpu_sc as plsc

N = 10000
D = 128
E = 320000
DH = D // 2

NC = 2
NS = 16
EPW = E // NS
CH = 125
NCHUNK = EPW // CH
NBUF = 5
NP = 10240
ROWS_PT = NP // NS
STAGE = 128
LANES = 16


def _sc_agg_body(h2_hbm, src_hbm, dst_hbm, agg_hbm,
                 src_v, dst_v, rows, stage_v, agg_sh, gsems, ssems):
    c = lax.axis_index("c")
    s = lax.axis_index("s")

    pltpu.sync_copy(src_hbm.at[s], src_v)
    pltpu.sync_copy(dst_hbm.at[s], dst_v)

    h_half = h2_hbm.at[pl.ds(c, 2 * N - 1)]

    for b in range(NBUF - 1):
        pltpu.async_copy(h_half.at[src_v.at[b]], rows.at[b], gsems.at[b])

    def _zrow(r, carry):
        for cc in range(DH // LANES):
            stage_v[r, pl.ds(cc * LANES, LANES)] = jnp.zeros((LANES,), jnp.float32)
        return carry
    lax.fori_loop(0, STAGE, _zrow, 0)
    for k in range(ROWS_PT // STAGE):
        pltpu.sync_copy(stage_v, agg_sh.at[pl.ds(s * ROWS_PT + k * STAGE, STAGE)])

    plsc.subcore_barrier()

    def _group(g, carry):
        j0 = g * NBUF
        for b in range(NBUF):
            j = j0 + b
            pltpu.make_async_copy(h_half.at[src_v.at[j]],
                                  rows.at[b], gsems.at[b]).wait()
            pltpu.async_copy(rows.at[b], agg_sh.at[dst_v.at[j]], ssems.at[b],
                             add=True)
            bp = (b + NBUF - 1) % NBUF

            @pl.when(j + NBUF - 1 < NCHUNK)
            def _refill():
                @pl.when(j >= 1)
                def _():
                    pltpu.make_async_copy(rows.at[bp], agg_sh.at[dst_v.at[j - 1]],
                                          ssems.at[bp]).wait()
                pltpu.async_copy(h_half.at[src_v.at[j + NBUF - 1]],
                                 rows.at[bp], gsems.at[bp])
        return carry

    lax.fori_loop(0, NCHUNK // NBUF, _group, 0)

    for b in range(NBUF):
        j = NCHUNK - NBUF + b
        pltpu.make_async_copy(rows.at[b], agg_sh.at[dst_v.at[j]],
                              ssems.at[b]).wait()

    plsc.subcore_barrier()
    for k in range(ROWS_PT // STAGE):
        base = s * ROWS_PT + k * STAGE
        pltpu.sync_copy(agg_sh.at[pl.ds(base, STAGE)],
                        agg_hbm.at[pl.ds(base, STAGE), pl.ds(c * DH, DH)])


@functools.cache
def _sc_agg():
    return pl.kernel(
        _sc_agg_body,
        out_type=jax.ShapeDtypeStruct((NP, D), jnp.float32),
        mesh=plsc.VectorSubcoreMesh(core_axis_name="c", subcore_axis_name="s",
                                    num_cores=NC, num_subcores=NS),
        scratch_types=[
            pltpu.VMEM((NCHUNK, CH), jnp.int32),
            pltpu.VMEM((NCHUNK, CH), jnp.int32),
            pltpu.VMEM((NBUF, CH, DH), jnp.float32),
            pltpu.VMEM((STAGE, DH), jnp.float32),
            pltpu.VMEM_SHARED((NP, DH), jnp.float32),
            pltpu.SemaphoreType.DMA((NBUF,)),
            pltpu.SemaphoreType.DMA((NBUF,)),
        ],
        compiler_params=pltpu.CompilerParams(use_tc_tiling_on_sc=False),
    )


def _tc_layer_body(x_ref, agg_ref, w1_ref, b1_ref, al_ref, g_ref, be_ref,
                   w2_ref, b2_ref, o_ref):
    h = x_ref[...] + agg_ref[:N]
    h = jnp.dot(h, w1_ref[...], preferred_element_type=jnp.float32) + b1_ref[...]
    m = jnp.mean(h, axis=0, keepdims=True)
    o = h - al_ref[...] * m
    v = jnp.mean(o * o, axis=0, keepdims=True)
    h = g_ref[...] * o * lax.rsqrt(v + 1e-5) + be_ref[...]
    h = jnp.maximum(h, 0.0)
    h = jnp.dot(h, w2_ref[...], preferred_element_type=jnp.float32) + b2_ref[...]
    o_ref[...] = jnp.maximum(h, 0.0)


def _tc_layer(x, agg, w1, b1, al, g, be, w2, b2):
    return pl.pallas_call(
        _tc_layer_body,
        out_shape=jax.ShapeDtypeStruct((N, D), jnp.float32),
    )(x, agg, w1, b1.reshape(1, D), al.reshape(1, D),
      g.reshape(1, D), be.reshape(1, D), w2, b2.reshape(1, D))


def kernel(x, edge_index, W1_0, b1_0, alpha_0, gamma_0, beta_0, W2_0, b2_0,
           W1_1, b1_1, alpha_1, gamma_1, beta_1, W2_1, b2_1):
    src = (edge_index[0] * 2).reshape(NS, NCHUNK, CH)
    dst = edge_index[1].reshape(NS, NCHUNK, CH)

    agg = _sc_agg()(x.reshape(2 * N, DH), src, dst)
    h = _tc_layer(x, agg, W1_0, b1_0, alpha_0, gamma_0, beta_0, W2_0, b2_0)
    agg = _sc_agg()(h.reshape(2 * N, DH), src, dst)
    h = _tc_layer(h, agg, W1_1, b1_1, alpha_1, gamma_1, beta_1, W2_1, b2_1)
    return h

# --- scband reference (transcript-rebuilt; emitter-appended) ---
"""Pipeline reference for scband-gnn-18176301596804 (READ-ONLY COPY).

The authoritative reference and input builder live on the scoring server;
editing this copy changes nothing except your own understanding.
"""

import jax, jax.numpy as jnp
import numpy as np

N = 10000
E = 320000
D = 128
NUM_LAYER = 2


def setup_inputs(seed: int = 0) -> dict:
    key = jax.random.key(seed)
    ks = jax.random.split(key, 2 + NUM_LAYER * 7)
    inp = {}
    inp["x"] = jax.random.normal(ks[0], (N, D), dtype=jnp.float32)
    inp["edge_index"] = jax.random.randint(ks[1], (2, E), 0, N, dtype=jnp.int32)
    s = 1.0 / np.sqrt(D)
    ki = 2
    for l in range(NUM_LAYER):
        inp[f"W1_{l}"] = jax.random.normal(ks[ki], (D, D), dtype=jnp.float32) * s; ki += 1
        inp[f"b1_{l}"] = jnp.zeros((D,), dtype=jnp.float32)
        inp[f"alpha_{l}"] = jnp.ones((D,), dtype=jnp.float32)
        inp[f"gamma_{l}"] = jnp.ones((D,), dtype=jnp.float32)
        inp[f"beta_{l}"] = jnp.zeros((D,), dtype=jnp.float32)
        inp[f"W2_{l}"] = jax.random.normal(ks[ki], (D, D), dtype=jnp.float32) * s; ki += 1
        inp[f"b2_{l}"] = jnp.zeros((D,), dtype=jnp.float32)
    return inp


def _graph_norm(h, alpha, gamma, beta, eps=1e-5):
    # PyG GraphNorm with a single graph: per-feature mean/var over all nodes
    mean = jnp.mean(h, axis=0, keepdims=True)
    out = h - alpha * mean
    var = jnp.mean(out * out, axis=0, keepdims=True)
    return gamma * out / jnp.sqrt(var + eps) + beta


def _gin_layer(x, src, dst, W1, b1, alpha, gamma, beta, W2, b2):
    # GINConv: h_i = MLP((1+eps)*x_i + sum_{j in N(i)} x_j), eps=0
    msgs = jnp.take(x, src, axis=0)
    agg = jax.ops.segment_sum(msgs, dst, num_segments=N)
    h = x + agg
    h = h @ W1 + b1
    h = _graph_norm(h, alpha, gamma, beta)
    h = jax.nn.relu(h)
    h = h @ W2 + b2
    return jax.nn.relu(h)


def reference(x, edge_index, W1_0, b1_0, alpha_0, gamma_0, beta_0, W2_0, b2_0,
              W1_1, b1_1, alpha_1, gamma_1, beta_1, W2_1, b2_1):
    src = edge_index[0]
    dst = edge_index[1]
    h = _gin_layer(x, src, dst, W1_0, b1_0, alpha_0, gamma_0, beta_0, W2_0, b2_0)
    h = _gin_layer(h, src, dst, W1_1, b1_1, alpha_1, gamma_1, beta_1, W2_1, b2_1)
    # JK == 'last' -> return last layer representation
    return h

if __name__ == "__main__":
    import jax
    _d = setup_inputs()
    print(jax.jit(kernel)(*tuple(_d.values())))

</pallas_src>

<mosaic_0001>
#map = affine_map<(d0, d1) -> (0, 0)>
#map1 = affine_map<(d0, d1) -> (0, 0, 0)>
module attributes {stable_mosaic.version = 14 : i64} {
  func.func @_sc_agg_body(%arg0: i32, %arg1: i32, %arg2: memref<20000x64xf32, #tpu.memory_space<hbm>>, %arg3: memref<16x160x125xi32, #tpu.memory_space<hbm>>, %arg4: memref<16x160x125xi32, #tpu.memory_space<hbm>>, %arg5: memref<10240x128xf32, #tpu.memory_space<hbm>>, %arg6: memref<160x125xi32, #tpu.memory_space<vmem>>, %arg7: memref<160x125xi32, #tpu.memory_space<vmem>>, %arg8: memref<5x125x64xf32, #tpu.memory_space<vmem>>, %arg9: memref<128x64xf32, #tpu.memory_space<vmem>>, %arg10: memref<10240x64xf32, #tpu.memory_space<vmem_shared>>, %arg11: memref<5x!tpu.dma_semaphore, #tpu.memory_space<semaphore_mem>>, %arg12: memref<5x!tpu.dma_semaphore, #tpu.memory_space<semaphore_mem>>) attributes {dimension_semantics = [#tpu.dimension_semantics<core_parallel>, #tpu.dimension_semantics<subcore_parallel>], iteration_bounds = array<i64: 2, 16>, scalar_prefetch = 0 : i64, scratch_operands = 7 : i64, tpu.core_type = #tpu.core_type<sc_vector_subcore>, window_params = [{transform_indices = #map}, {transform_indices = #map1}, {transform_indices = #map1}, {transform_indices = #map}]} {
    "tpu.region"() ({
      %run_scoped3A = tpu.sem_alloc : memref<!tpu.dma_semaphore, #tpu.memory_space<semaphore_mem>>
      %dma_start3A_201 = arith.constant 0 : i32
      %dma_start3A_202 = arith.constant 0 : i32
      %dma_start3A_203 = tpu.memref_slice %arg3[%arg1, %dma_start3A_201, %dma_start3A_202] : memref<16x160x125xi32, #tpu.memory_space<hbm>> -> memref<1x160x125xi32, #tpu.memory_space<hbm>>
      %dma_start3A_204 = tpu.memref_squeeze %dma_start3A_203 : memref<1x160x125xi32, #tpu.memory_space<hbm>> -> memref<160x125xi32, #tpu.memory_space<hbm>>
      %dma_start3A_205 = arith.constant 0 : i32
      %dma_start3A_206 = arith.constant 0 : i32
      %dma_start3A_207 = tpu.memref_slice %arg3[%arg1, %dma_start3A_205, %dma_start3A_206] : memref<16x160x125xi32, #tpu.memory_space<hbm>> -> memref<1x160x125xi32, #tpu.memory_space<hbm>>
      %dma_start3A_208 = tpu.memref_squeeze %dma_start3A_207 : memref<1x160x125xi32, #tpu.memory_space<hbm>> -> memref<160x125xi32, #tpu.memory_space<hbm>>
      tpu.enqueue_dma source(%dma_start3A_208 : memref<160x125xi32, #tpu.memory_space<hbm>>) target(%arg6 : memref<160x125xi32, #tpu.memory_space<vmem>>) target_semaphore(%run_scoped3A : memref<!tpu.dma_semaphore, #tpu.memory_space<semaphore_mem>>)
      %dma_wait3A_209 = arith.constant 0 : i32
      %dma_wait3A_210 = arith.constant 0 : i32
      %dma_wait3A_211 = tpu.memref_slice %arg3[%arg1, %dma_wait3A_209, %dma_wait3A_210] : memref<16x160x125xi32, #tpu.memory_space<hbm>> -> memref<1x160x125xi32, #tpu.memory_space<hbm>>
      %dma_wait3A_212 = tpu.memref_squeeze %dma_wait3A_211 : memref<1x160x125xi32, #tpu.memory_space<hbm>> -> memref<160x125xi32, #tpu.memory_space<hbm>>
      %dma_wait3A_213 = arith.constant 0 : i32
      %dma_wait3A_214 = arith.constant 0 : i32
      %dma_wait3A_215 = tpu.memref_slice %arg3[%arg1, %dma_wait3A_213, %dma_wait3A_214] : memref<16x160x125xi32, #tpu.memory_space<hbm>> -> memref<1x160x125xi32, #tpu.memory_space<hbm>>
      %dma_wait3A_216 = tpu.memref_squeeze %dma_wait3A_215 : memref<1x160x125xi32, #tpu.memory_space<hbm>> -> memref<160x125xi32, #tpu.memory_space<hbm>>
      tpu.wait_dma2 semaphore(%run_scoped3A : memref<!tpu.dma_semaphore, #tpu.memory_space<semaphore_mem>>) src(%dma_wait3A_216 : memref<160x125xi32, #tpu.memory_space<hbm>>) dst(%arg6 : memref<160x125xi32, #tpu.memory_space<vmem>>)
      tpu.yield
    }) : () -> ()
    "tpu.region"() ({
      %run_scoped3A = tpu.sem_alloc : memref<!tpu.dma_semaphore, #tpu.memory_space<semaphore_mem>>
      %dma_start3A_201 = arith.constant 0 : i32
      %dma_start3A_202 = arith.constant 0 : i32
      %dma_start3A_203 = tpu.memref_slice %arg4[%arg1, %dma_start3A_201, %dma_start3A_202] : memref<16x160x125xi32, #tpu.memory_space<hbm>> -> memref<1x160x125xi32, #tpu.memory_space<hbm>>
      %dma_start3A_204 = tpu.memref_squeeze %dma_start3A_203 : memref<1x160x125xi32, #tpu.memory_space<hbm>> -> memref<160x125xi32, #tpu.memory_space<hbm>>
      %dma_start3A_205 = arith.constant 0 : i32
      %dma_start3A_206 = arith.constant 0 : i32
      %dma_start3A_207 = tpu.memref_slice %arg4[%arg1, %dma_start3A_205, %dma_start3A_206] : memref<16x160x125xi32, #tpu.memory_space<hbm>> -> memref<1x160x125xi32, #tpu.memory_space<hbm>>
      %dma_start3A_208 = tpu.memref_squeeze %dma_start3A_207 : memref<1x160x125xi32, #tpu.memory_space<hbm>> -> memref<160x125xi32, #tpu.memory_space<hbm>>
      tpu.enqueue_dma source(%dma_start3A_208 : memref<160x125xi32, #tpu.memory_space<hbm>>) target(%arg7 : memref<160x125xi32, #tpu.memory_space<vmem>>) target_semaphore(%run_scoped3A : memref<!tpu.dma_semaphore, #tpu.memory_space<semaphore_mem>>)
      %dma_wait3A_209 = arith.constant 0 : i32
      %dma_wait3A_210 = arith.constant 0 : i32
      %dma_wait3A_211 = tpu.memref_slice %arg4[%arg1, %dma_wait3A_209, %dma_wait3A_210] : memref<16x160x125xi32, #tpu.memory_space<hbm>> -> memref<1x160x125xi32, #tpu.memory_space<hbm>>
      %dma_wait3A_212 = tpu.memref_squeeze %dma_wait3A_211 : memref<1x160x125xi32, #tpu.memory_space<hbm>> -> memref<160x125xi32, #tpu.memory_space<hbm>>
      %dma_wait3A_213 = arith.constant 0 : i32
      %dma_wait3A_214 = arith.constant 0 : i32
      %dma_wait3A_215 = tpu.memref_slice %arg4[%arg1, %dma_wait3A_213, %dma_wait3A_214] : memref<16x160x125xi32, #tpu.memory_space<hbm>> -> memref<1x160x125xi32, #tpu.memory_space<hbm>>
      %dma_wait3A_216 = tpu.memref_squeeze %dma_wait3A_215 : memref<1x160x125xi32, #tpu.memory_space<hbm>> -> memref<160x125xi32, #tpu.memory_space<hbm>>
      tpu.wait_dma2 semaphore(%run_scoped3A : memref<!tpu.dma_semaphore, #tpu.memory_space<semaphore_mem>>) src(%dma_wait3A_216 : memref<160x125xi32, #tpu.memory_space<hbm>>) dst(%arg7 : memref<160x125xi32, #tpu.memory_space<vmem>>)
      tpu.yield
    }) : () -> ()
    %dma_start3A = arith.constant 0 : i32
    %dma_start3A_0 = arith.constant 0 : i32
    %dma_start3A_1 = arith.constant 0 : i32
    %dma_start3A_2 = arith.constant 0 : i32
    %dma_start3A_3 = arith.constant 0 : i32
    %dma_start3A_4 = tpu.memref_slice %arg8[%dma_start3A_0, %dma_start3A_2, %dma_start3A_3] : memref<5x125x64xf32, #tpu.memory_space<vmem>> -> memref<1x125x64xf32, #tpu.memory_space<vmem>>
    %dma_start3A_5 = tpu.memref_squeeze %dma_start3A_4 : memref<1x125x64xf32, #tpu.memory_space<vmem>> -> memref<125x64xf32, #tpu.memory_space<vmem>>
    %dma_start3A_6 = arith.constant 0 : i32
    %dma_start3A_7 = tpu.memref_slice %arg6[%dma_start3A, %dma_start3A_6] : memref<160x125xi32, #tpu.memory_space<vmem>> -> memref<1x125xi32, #tpu.memory_space<vmem>>
    %dma_start3A_8 = tpu.memref_squeeze %dma_start3A_7 : memref<1x125xi32, #tpu.memory_space<vmem>> -> memref<125xi32, #tpu.memory_space<vmem>>
    %dma_start3A_9 = arith.constant 0 : i32
    %dma_start3A_10 = tpu.memref_slice %arg2[%arg0, %dma_start3A_9] : memref<20000x64xf32, #tpu.memory_space<hbm>> -> memref<19999x64xf32, #tpu.memory_space<hbm>>
    %dma_start3A_11 = arith.constant 0 : i32
    %dma_start3A_12 = arith.constant 0 : i32
    %dma_start3A_13 = tpu.memref_slice %dma_start3A_10[%dma_start3A_11, %dma_start3A_12] : memref<19999x64xf32, #tpu.memory_space<hbm>> -> memref<19999x64xf32, #tpu.memory_space<hbm>>
    %dma_start3A_14 = tpu.memref_slice %arg11[%dma_start3A_1] : memref<5x!tpu.dma_semaphore, #tpu.memory_space<semaphore_mem>> -> memref<1x!tpu.dma_semaphore, #tpu.memory_space<semaphore_mem>>
    %dma_start3A_15 = tpu.memref_squeeze %dma_start3A_14 : memref<1x!tpu.dma_semaphore, #tpu.memory_space<semaphore_mem>> -> memref<!tpu.dma_semaphore, #tpu.memory_space<semaphore_mem>>
    tpu.enqueue_indirect_dma source(%dma_start3A_13 : memref<19999x64xf32, #tpu.memory_space<hbm>>) target(%dma_start3A_5 : memref<125x64xf32, #tpu.memory_space<vmem>>) offsets(%dma_start3A_8 : memref<125xi32, #tpu.memory_space<vmem>>) semaphore(%dma_start3A_15 : memref<!tpu.dma_semaphore, #tpu.memory_space<semaphore_mem>>)
    %dma_start3A_16 = arith.constant 1 : i32
    %dma_start3A_17 = arith.constant 1 : i32
    %dma_start3A_18 = arith.constant 1 : i32
    %dma_start3A_19 = arith.constant 0 : i32
    %dma_start3A_20 = arith.constant 0 : i32
    %dma_start3A_21 = tpu.memref_slice %arg8[%dma_start3A_17, %dma_start3A_19, %dma_start3A_20] : memref<5x125x64xf32, #tpu.memory_space<vmem>> -> memref<1x125x64xf32, #tpu.memory_space<vmem>>
    %dma_start3A_22 = tpu.memref_squeeze %dma_start3A_21 : memref<1x125x64xf32, #tpu.memory_space<vmem>> -> memref<125x64xf32, #tpu.memory_space<vmem>>
    %dma_start3A_23 = arith.constant 0 : i32
    %dma_start3A_24 = tpu.memref_slice %arg6[%dma_start3A_16, %dma_start3A_23] : memref<160x125xi32, #tpu.memory_space<vmem>> -> memref<1x125xi32, #tpu.memory_space<vmem>>
    %dma_start3A_25 = tpu.memref_squeeze %dma_start3A_24 : memref<1x125xi32, #tpu.memory_space<vmem>> -> memref<125xi32, #tpu.memory_space<vmem>>
    %dma_start3A_26 = arith.constant 0 : i32
    %dma_start3A_27 = tpu.memref_slice %arg2[%arg0, %dma_start3A_26] : memref<20000x64xf32, #tpu.memory_space<hbm>> -> memref<19999x64xf32, #tpu.memory_space<hbm>>
    %dma_start3A_28 = arith.constant 0 : i32
    %dma_start3A_29 = arith.constant 0 : i32
    %dma_start3A_30 = tpu.memref_slice %dma_start3A_27[%dma_start3A_28, %dma_start3A_29] : memref<19999x64xf32, #tpu.memory_space<hbm>> -> memref<19999x64xf32, #tpu.memory_space<hbm>>
    %dma_start3A_31 = tpu.memref_slice %arg11[%dma_start3A_18] : memref<5x!tpu.dma_semaphore, #tpu.memory_space<semaphore_mem>> -> memref<1x!tpu.dma_semaphore, #tpu.memory_space<semaphore_mem>>
    %dma_start3A_32 = tpu.memref_squeeze %dma_start3A_31 : memref<1x!tpu.dma_semaphore, #tpu.memory_space<semaphore_mem>> -> memref<!tpu.dma_semaphore, #tpu.memory_space<semaphore_mem>>
    tpu.enqueue_indirect_dma source(%dma_start3A_30 : memref<19999x64xf32, #tpu.memory_space<hbm>>) target(%dma_start3A_22 : memref<125x64xf32, #tpu.memory_space<vmem>>) offsets(%dma_start3A_25 : memref<125xi32, #tpu.memory_space<vmem>>) semaphore(%dma_start3A_32 : memref<!tpu.dma_semaphore, #tpu.memory_space<semaphore_mem>>)
    %dma_start3A_33 = arith.constant 2 : i32
    %dma_start3A_34 = arith.constant 2 : i32
    %dma_start3A_35 = arith.constant 2 : i32
    %dma_start3A_36 = arith.constant 0 : i32
    %dma_start3A_37 = arith.constant 0 : i32
    %dma_start3A_38 = tpu.memref_slice %arg8[%dma_start3A_34, %dma_start3A_36, %dma_start3A_37] : memref<5x125x64xf32, #tpu.memory_space<vmem>> -> memref<1x125x64xf32, #tpu.memory_space<vmem>>
    %dma_start3A_39 = tpu.memref_squeeze %dma_start3A_38 : memref<1x125x64xf32, #tpu.memory_space<vmem>> -> memref<125x64xf32, #tpu.memory_space<vmem>>
    %dma_start3A_40 = arith.constant 0 : i32
    %dma_start3A_41 = tpu.memref_slice %arg6[%dma_start3A_33, %dma_start3A_40] : memref<160x125xi32, #tpu.memory_space<vmem>> -> memref<1x125xi32, #tpu.memory_space<vmem>>
    %dma_start3A_42 = tpu.memref_squeeze %dma_start3A_41 : memref<1x125xi32, #tpu.memory_space<vmem>> -> memref<125xi32, #tpu.memory_space<vmem>>
    %dma_start3A_43 = arith.constant 0 : i32
    %dma_start3A_44 = tpu.memref_slice %arg2[%arg0, %dma_start3A_43] : memref<20000x64xf32, #tpu.memory_space<hbm>> -> memref<19999x64xf32, #tpu.memory_space<hbm>>
    %dma_start3A_45 = arith.constant 0 : i32
    %dma_start3A_46 = arith.constant 0 : i32
    %dma_start3A_47 = tpu.memref_slice %dma_start3A_44[%dma_start3A_45, %dma_start3A_46] : memref<19999x64xf32, #tpu.memory_space<hbm>> -> memref<19999x64xf32, #tpu.memory_space<hbm>>
    %dma_start3A_48 = tpu.memref_slice %arg11[%dma_start3A_35] : memref<5x!tpu.dma_semaphore, #tpu.memory_space<semaphore_mem>> -> memref<1x!tpu.dma_semaphore, #tpu.memory_space<semaphore_mem>>
    %dma_start3A_49 = tpu.memref_squeeze %dma_start3A_48 : memref<1x!tpu.dma_semaphore, #tpu.memory_space<semaphore_mem>> -> memref<!tpu.dma_semaphore, #tpu.memory_space<semaphore_mem>>
    tpu.enqueue_indirect_dma source(%dma_start3A_47 : memref<19999x64xf32, #tpu.memory_space<hbm>>) target(%dma_start3A_39 : memref<125x64xf32, #tpu.memory_space<vmem>>) offsets(%dma_start3A_42 : memref<125xi32, #tpu.memory_space<vmem>>) semaphore(%dma_start3A_49 : memref<!tpu.dma_semaphore, #tpu.memory_space<semaphore_mem>>)
    %dma_start3A_50 = arith.constant 3 : i32
    %dma_start3A_51 = arith.constant 3 : i32
    %dma_start3A_52 = arith.constant 3 : i32
    %dma_start3A_53 = arith.constant 0 : i32
    %dma_start3A_54 = arith.constant 0 : i32
    %dma_start3A_55 = tpu.memref_slice %arg8[%dma_start3A_51, %dma_start3A_53, %dma_start3A_54] : memref<5x125x64xf32, #tpu.memory_space<vmem>> -> memref<1x125x64xf32, #tpu.memory_space<vmem>>
    %dma_start3A_56 = tpu.memref_squeeze %dma_start3A_55 : memref<1x125x64xf32, #tpu.memory_space<vmem>> -> memref<125x64xf32, #tpu.memory_space<vmem>>
    %dma_start3A_57 = arith.constant 0 : i32
    %dma_start3A_58 = tpu.memref_slice %arg6[%dma_start3A_50, %dma_start3A_57] : memref<160x125xi32, #tpu.memory_space<vmem>> -> memref<1x125xi32, #tpu.memory_space<vmem>>
    %dma_start3A_59 = tpu.memref_squeeze %dma_start3A_58 : memref<1x125xi32, #tpu.memory_space<vmem>> -> memref<125xi32, #tpu.memory_space<vmem>>
    %dma_start3A_60 = arith.constant 0 : i32
    %dma_start3A_61 = tpu.memref_slice %arg2[%arg0, %dma_start3A_60] : memref<20000x64xf32, #tpu.memory_space<hbm>> -> memref<19999x64xf32, #tpu.memory_space<hbm>>
    %dma_start3A_62 = arith.constant 0 : i32
    %dma_start3A_63 = arith.constant 0 : i32
    %dma_start3A_64 = tpu.memref_slice %dma_start3A_61[%dma_start3A_62, %dma_start3A_63] : memref<19999x64xf32, #tpu.memory_space<hbm>> -> memref<19999x64xf32, #tpu.memory_space<hbm>>
    %dma_start3A_65 = tpu.memref_slice %arg11[%dma_start3A_52] : memref<5x!tpu.dma_semaphore, #tpu.memory_space<semaphore_mem>> -> memref<1x!tpu.dma_semaphore, #tpu.memory_space<semaphore_mem>>
    %dma_start3A_66 = tpu.memref_squeeze %dma_start3A_65 : memref<1x!tpu.dma_semaphore, #tpu.memory_space<semaphore_mem>> -> memref<!tpu.dma_semaphore, #tpu.memory_space<semaphore_mem>>
    tpu.enqueue_indirect_dma source(%dma_start3A_64 : memref<19999x64xf32, #tpu.memory_space<hbm>>) target(%dma_start3A_56 : memref<125x64xf32, #tpu.memory_space<vmem>>) offsets(%dma_start3A_59 : memref<125xi32, #tpu.memory_space<vmem>>) semaphore(%dma_start3A_66 : memref<!tpu.dma_semaphore, #tpu.memory_space<semaphore_mem>>)
    %scan3A = arith.constant 0 : i32
    %scan3A_67 = arith.constant 0 : i32
    %scan3A_68 = arith.constant 128 : i32
    %scan3A_69 = arith.addi %scan3A_67, %scan3A_68 : i32
    %scan3A_70 = arith.constant 1 : i32
    scf.for %scan3A_201 = %scan3A_67 to %scan3A_69 step %scan3A_70  : i32 {
      %broadcast_in_dim3A = arith.constant 0.000000e+00 : f32
      %broadcast_in_dim3A_202 = vector.broadcast %broadcast_in_dim3A : f32 to vector<16xf32>
      %swap3A = arith.index_cast %scan3A_201 : i32 to index
      %swap3A_203 = arith.constant 0 : index
      %swap3A_204 = tpu.vector_load %arg9[%swap3A, %swap3A_203] {strides = array<i32>} : memref<128x64xf32, #tpu.memory_space<vmem>>, vector<1x16xf32>,
      %swap3A_205 = vector.shape_cast %swap3A_204 : vector<1x16xf32> to vector<16xf32>
      %swap3A_206 = vector.shape_cast %broadcast_in_dim3A_202 : vector<16xf32> to vector<1x16xf32>
      tpu.vector_store %arg9[%swap3A, %swap3A_203], %swap3A_206 {strides = array<i32>} : memref<128x64xf32, #tpu.memory_space<vmem>>, vector<1x16xf32>,
      %broadcast_in_dim3A_207 = arith.constant 0.000000e+00 : f32
      %broadcast_in_dim3A_208 = vector.broadcast %broadcast_in_dim3A_207 : f32 to vector<16xf32>
      %swap3A_209 = arith.index_cast %scan3A_201 : i32 to index
      %swap3A_210 = arith.constant 16 : index
      %swap3A_211 = tpu.vector_load %arg9[%swap3A_209, %swap3A_210] {strides = array<i32>} : memref<128x64xf32, #tpu.memory_space<vmem>>, vector<1x16xf32>,
      %swap3A_212 = vector.shape_cast %swap3A_211 : vector<1x16xf32> to vector<16xf32>
      %swap3A_213 = vector.shape_cast %broadcast_in_dim3A_208 : vector<16xf32> to vector<1x16xf32>
      tpu.vector_store %arg9[%swap3A_209, %swap3A_210], %swap3A_213 {strides = array<i32>} : memref<128x64xf32, #tpu.memory_space<vmem>>, vector<1x16xf32>,
      %broadcast_in_dim3A_214 = arith.constant 0.000000e+00 : f32
      %broadcast_in_dim3A_215 = vector.broadcast %broadcast_in_dim3A_214 : f32 to vector<16xf32>
      %swap3A_216 = arith.index_cast %scan3A_201 : i32 to index
      %swap3A_217 = arith.constant 32 : index
      %swap3A_218 = tpu.vector_load %arg9[%swap3A_216, %swap3A_217] {strides = array<i32>} : memref<128x64xf32, #tpu.memory_space<vmem>>, vector<1x16xf32>,
      %swap3A_219 = vector.shape_cast %swap3A_218 : vector<1x16xf32> to vector<16xf32>
      %swap3A_220 = vector.shape_cast %broadcast_in_dim3A_215 : vector<16xf32> to vector<1x16xf32>
      tpu.vector_store %arg9[%swap3A_216, %swap3A_217], %swap3A_220 {strides = array<i32>} : memref<128x64xf32, #tpu.memory_space<vmem>>, vector<1x16xf32>,
      %broadcast_in_dim3A_221 = arith.constant 0.000000e+00 : f32
      %broadcast_in_dim3A_222 = vector.broadcast %broadcast_in_dim3A_221 : f32 to vector<16xf32>
      %swap3A_223 = arith.index_cast %scan3A_201 : i32 to index
      %swap3A_224 = arith.constant 48 : index
      %swap3A_225 = tpu.vector_load %arg9[%swap3A_223, %swap3A_224] {strides = array<i32>} : memref<128x64xf32, #tpu.memory_space<vmem>>, vector<1x16xf32>,
      %swap3A_226 = vector.shape_cast %swap3A_225 : vector<1x16xf32> to vector<16xf32>
      %swap3A_227 = vector.shape_cast %broadcast_in_dim3A_222 : vector<16xf32> to vector<1x16xf32>
      tpu.vector_store %arg9[%swap3A_223, %swap3A_224], %swap3A_227 {strides = array<i32>} : memref<128x64xf32, #tpu.memory_space<vmem>>, vector<1x16xf32>,
    }
    %scan3A_71 = arith.constant 128 : i32
    %mul3A = arith.constant 640 : i32
    %mul3A_72 = arith.muli %arg1, %mul3A : i32
    %add3A = arith.constant 0 : i32
    %add3A_73 = arith.addi %mul3A_72, %add3A : i32
    "tpu.region"() ({
      %run_scoped3A = tpu.sem_alloc : memref<!tpu.dma_semaphore, #tpu.memory_space<semaphore_mem>>
      %dma_start3A_201 = arith.constant 0 : i32
      %dma_start3A_202 = tpu.memref_slice %arg10[%add3A_73, %dma_start3A_201] : memref<10240x64xf32, #tpu.memory_space<vmem_shared>> -> memref<128x64xf32, #tpu.memory_space<vmem_shared>>
      %dma_start3A_203 = arith.constant 0 : i32
      %dma_start3A_204 = tpu.memref_slice %arg10[%add3A_73, %dma_start3A_203] : memref<10240x64xf32, #tpu.memory_space<vmem_shared>> -> memref<128x64xf32, #tpu.memory_space<vmem_shared>>
      tpu.enqueue_dma source(%arg9 : memref<128x64xf32, #tpu.memory_space<vmem>>) target(%dma_start3A_204 : memref<128x64xf32, #tpu.memory_space<vmem_shared>>) target_semaphore(%run_scoped3A : memref<!tpu.dma_semaphore, #tpu.memory_space<semaphore_mem>>)
      %dma_wait3A_205 = arith.constant 0 : i32
      %dma_wait3A_206 = tpu.memref_slice %arg10[%add3A_73, %dma_wait3A_205] : memref<10240x64xf32, #tpu.memory_space<vmem_shared>> -> memref<128x64xf32, #tpu.memory_space<vmem_shared>>
      %dma_wait3A_207 = arith.constant 0 : i32
      %dma_wait3A_208 = tpu.memref_slice %arg10[%add3A_73, %dma_wait3A_207] : memref<10240x64xf32, #tpu.memory_space<vmem_shared>> -> memref<128x64xf32, #tpu.memory_space<vmem_shared>>
      tpu.wait_dma2 semaphore(%run_scoped3A : memref<!tpu.dma_semaphore, #tpu.memory_space<semaphore_mem>>) src(%arg9 : memref<128x64xf32, #tpu.memory_space<vmem>>) dst(%dma_wait3A_208 : memref<128x64xf32, #tpu.memory_space<vmem_shared>>)
      tpu.yield
    }) : () -> ()
    %mul3A_74 = arith.constant 640 : i32
    %mul3A_75 = arith.muli %arg1, %mul3A_74 : i32
    %add3A_76 = arith.constant 128 : i32
    %add3A_77 = arith.addi %mul3A_75, %add3A_76 : i32
    "tpu.region"() ({
      %run_scoped3A = tpu.sem_alloc : memref<!tpu.dma_semaphore, #tpu.memory_space<semaphore_mem>>
      %dma_start3A_201 = arith.constant 0 : i32
      %dma_start3A_202 = tpu.memref_slice %arg10[%add3A_77, %dma_start3A_201] : memref<10240x64xf32, #tpu.memory_space<vmem_shared>> -> memref<128x64xf32, #tpu.memory_space<vmem_shared>>
      %dma_start3A_203 = arith.constant 0 : i32
      %dma_start3A_204 = tpu.memref_slice %arg10[%add3A_77, %dma_start3A_203] : memref<10240x64xf32, #tpu.memory_space<vmem_shared>> -> memref<128x64xf32, #tpu.memory_space<vmem_shared>>
      tpu.enqueue_dma source(%arg9 : memref<128x64xf32, #tpu.memory_space<vmem>>) target(%dma_start3A_204 : memref<128x64xf32, #tpu.memory_space<vmem_shared>>) target_semaphore(%run_scoped3A : memref<!tpu.dma_semaphore, #tpu.memory_space<semaphore_mem>>)
      %dma_wait3A_205 = arith.constant 0 : i32
      %dma_wait3A_206 = tpu.memref_slice %arg10[%add3A_77, %dma_wait3A_205] : memref<10240x64xf32, #tpu.memory_space<vmem_shared>> -> memref<128x64xf32, #tpu.memory_space<vmem_shared>>
      %dma_wait3A_207 = arith.constant 0 : i32
      %dma_wait3A_208 = tpu.memref_slice %arg10[%add3A_77, %dma_wait3A_207] : memref<10240x64xf32, #tpu.memory_space<vmem_shared>> -> memref<128x64xf32, #tpu.memory_space<vmem_shared>>
      tpu.wait_dma2 semaphore(%run_scoped3A : memref<!tpu.dma_semaphore, #tpu.memory_space<semaphore_mem>>) src(%arg9 : memref<128x64xf32, #tpu.memory_space<vmem>>) dst(%dma_wait3A_208 : memref<128x64xf32, #tpu.memory_space<vmem_shared>>)
      tpu.yield
    }) : () -> ()
    %mul3A_78 = arith.constant 640 : i32
    %mul3A_79 = arith.muli %arg1, %mul3A_78 : i32
    %add3A_80 = arith.constant 256 : i32
    %add3A_81 = arith.addi %mul3A_79, %add3A_80 : i32
    "tpu.region"() ({
      %run_scoped3A = tpu.sem_alloc : memref<!tpu.dma_semaphore, #tpu.memory_space<semaphore_mem>>
      %dma_start3A_201 = arith.constant 0 : i32
      %dma_start3A_202 = tpu.memref_slice %arg10[%add3A_81, %dma_start3A_201] : memref<10240x64xf32, #tpu.memory_space<vmem_shared>> -> memref<128x64xf32, #tpu.memory_space<vmem_shared>>
      %dma_start3A_203 = arith.constant 0 : i32
      %dma_start3A_204 = tpu.memref_slice %arg10[%add3A_81, %dma_start3A_203] : memref<10240x64xf32, #tpu.memory_space<vmem_shared>> -> memref<128x64xf32, #tpu.memory_space<vmem_shared>>
      tpu.enqueue_dma source(%arg9 : memref<128x64xf32, #tpu.memory_space<vmem>>) target(%dma_start3A_204 : memref<128x64xf32, #tpu.memory_space<vmem_shared>>) target_semaphore(%run_scoped3A : memref<!tpu.dma_semaphore, #tpu.memory_space<semaphore_mem>>)
      %dma_wait3A_205 = arith.constant 0 : i32
      %dma_wait3A_206 = tpu.memref_slice %arg10[%add3A_81, %dma_wait3A_205] : memref<10240x64xf32, #tpu.memory_space<vmem_shared>> -> memref<128x64xf32, #tpu.memory_space<vmem_shared>>
      %dma_wait3A_207 = arith.constant 0 : i32
      %dma_wait3A_208 = tpu.memref_slice %arg10[%add3A_81, %dma_wait3A_207] : memref<10240x64xf32, #tpu.memory_space<vmem_shared>> -> memref<128x64xf32, #tpu.memory_space<vmem_shared>>
      tpu.wait_dma2 semaphore(%run_scoped3A : memref<!tpu.dma_semaphore, #tpu.memory_space<semaphore_mem>>) src(%arg9 : memref<128x64xf32, #tpu.memory_space<vmem>>) dst(%dma_wait3A_208 : memref<128x64xf32, #tpu.memory_space<vmem_shared>>)
      tpu.yield
    }) : () -> ()
    %mul3A_82 = arith.constant 640 : i32
    %mul3A_83 = arith.muli %arg1, %mul3A_82 : i32
    %add3A_84 = arith.constant 384 : i32
    %add3A_85 = arith.addi %mul3A_83, %add3A_84 : i32
    "tpu.region"() ({
      %run_scoped3A = tpu.sem_alloc : memref<!tpu.dma_semaphore, #tpu.memory_space<semaphore_mem>>
      %dma_start3A_201 = arith.constant 0 : i32
      %dma_start3A_202 = tpu.memref_slice %arg10[%add3A_85, %dma_start3A_201] : memref<10240x64xf32, #tpu.memory_space<vmem_shared>> -> memref<128x64xf32, #tpu.memory_space<vmem_shared>>
      %dma_start3A_203 = arith.constant 0 : i32
      %dma_start3A_204 = tpu.memref_slice %arg10[%add3A_85, %dma_start3A_203] : memref<10240x64xf32, #tpu.memory_space<vmem_shared>> -> memref<128x64xf32, #tpu.memory_space<vmem_shared>>
      tpu.enqueue_dma source(%arg9 : memref<128x64xf32, #tpu.memory_space<vmem>>) target(%dma_start3A_204 : memref<128x64xf32, #tpu.memory_space<vmem_shared>>) target_semaphore(%run_scoped3A : memref<!tpu.dma_semaphore, #tpu.memory_space<semaphore_mem>>)
      %dma_wait3A_205 = arith.constant 0 : i32
      %dma_wait3A_206 = tpu.memref_slice %arg10[%add3A_85, %dma_wait3A_205] : memref<10240x64xf32, #tpu.memory_space<vmem_shared>> -> memref<128x64xf32, #tpu.memory_space<vmem_shared>>
      %dma_wait3A_207 = arith.constant 0 : i32
      %dma_wait3A_208 = tpu.memref_slice %arg10[%add3A_85, %dma_wait3A_207] : memref<10240x64xf32, #tpu.memory_space<vmem_shared>> -> memref<128x64xf32, #tpu.memory_space<vmem_shared>>
      tpu.wait_dma2 semaphore(%run_scoped3A : memref<!tpu.dma_semaphore, #tpu.memory_space<semaphore_mem>>) src(%arg9 : memref<128x64xf32, #tpu.memory_space<vmem>>) dst(%dma_wait3A_208 : memref<128x64xf32, #tpu.memory_space<vmem_shared>>)
      tpu.yield
    }) : () -> ()
    %mul3A_86 = arith.constant 640 : i32
    %mul3A_87 = arith.muli %arg1, %mul3A_86 : i32
    %add3A_88 = arith.constant 512 : i32
    %add3A_89 = arith.addi %mul3A_87, %add3A_88 : i32
    "tpu.region"() ({
      %run_scoped3A = tpu.sem_alloc : memref<!tpu.dma_semaphore, #tpu.memory_space<semaphore_mem>>
      %dma_start3A_201 = arith.constant 0 : i32
      %dma_start3A_202 = tpu.memref_slice %arg10[%add3A_89, %dma_start3A_201] : memref<10240x64xf32, #tpu.memory_space<vmem_shared>> -> memref<128x64xf32, #tpu.memory_space<vmem_shared>>
      %dma_start3A_203 = arith.constant 0 : i32
      %dma_start3A_204 = tpu.memref_slice %arg10[%add3A_89, %dma_start3A_203] : memref<10240x64xf32, #tpu.memory_space<vmem_shared>> -> memref<128x64xf32, #tpu.memory_space<vmem_shared>>
      tpu.enqueue_dma source(%arg9 : memref<128x64xf32, #tpu.memory_space<vmem>>) target(%dma_start3A_204 : memref<128x64xf32, #tpu.memory_space<vmem_shared>>) target_semaphore(%run_scoped3A : memref<!tpu.dma_semaphore, #tpu.memory_space<semaphore_mem>>)
      %dma_wait3A_205 = arith.constant 0 : i32
      %dma_wait3A_206 = tpu.memref_slice %arg10[%add3A_89, %dma_wait3A_205] : memref<10240x64xf32, #tpu.memory_space<vmem_shared>> -> memref<128x64xf32, #tpu.memory_space<vmem_shared>>
      %dma_wait3A_207 = arith.constant 0 : i32
      %dma_wait3A_208 = tpu.memref_slice %arg10[%add3A_89, %dma_wait3A_207] : memref<10240x64xf32, #tpu.memory_space<vmem_shared>> -> memref<128x64xf32, #tpu.memory_space<vmem_shared>>
      tpu.wait_dma2 semaphore(%run_scoped3A : memref<!tpu.dma_semaphore, #tpu.memory_space<semaphore_mem>>) src(%arg9 : memref<128x64xf32, #tpu.memory_space<vmem>>) dst(%dma_wait3A_208 : memref<128x64xf32, #tpu.memory_space<vmem_shared>>)
      tpu.yield
    }) : () -> ()
    %barrier3A = arith.constant 0 : index
    tpu.barrier barrier_id(%barrier3A)
    %scan3A_90 = arith.constant 0 : i32
    %scan3A_91 = arith.constant 0 : i32
    %scan3A_92 = arith.constant 32 : i32
    %scan3A_93 = arith.addi %scan3A_91, %scan3A_92 : i32
    %scan3A_94 = arith.constant 1 : i32
    scf.for %scan3A_201 = %scan3A_91 to %scan3A_93 step %scan3A_94  : i32 {
      %mul3A_202 = arith.constant 5 : i32
      %mul3A_203 = arith.muli %scan3A_201, %mul3A_202 : i32
      %add3A_204 = arith.constant 0 : i32
      %add3A_205 = arith.addi %mul3A_203, %add3A_204 : i32
      %dma_wait3A_206 = arith.constant 0 : i32
      %dma_wait3A_207 = arith.constant 0 : i32
      %dma_wait3A_208 = arith.constant 0 : i32
      %dma_wait3A_209 = arith.constant 0 : i32
      %dma_wait3A_210 = tpu.memref_slice %arg8[%dma_wait3A_206, %dma_wait3A_208, %dma_wait3A_209] : memref<5x125x64xf32, #tpu.memory_space<vmem>> -> memref<1x125x64xf32, #tpu.memory_space<vmem>>
      %dma_wait3A_211 = tpu.memref_squeeze %dma_wait3A_210 : memref<1x125x64xf32, #tpu.memory_space<vmem>> -> memref<125x64xf32, #tpu.memory_space<vmem>>
      %dma_wait3A_212 = arith.constant 0 : i32
      %dma_wait3A_213 = tpu.memref_slice %arg6[%add3A_205, %dma_wait3A_212] : memref<160x125xi32, #tpu.memory_space<vmem>> -> memref<1x125xi32, #tpu.memory_space<vmem>>
      %dma_wait3A_214 = tpu.memref_squeeze %dma_wait3A_213 : memref<1x125xi32, #tpu.memory_space<vmem>> -> memref<125xi32, #tpu.memory_space<vmem>>
      %dma_wait3A_215 = arith.constant 0 : i32
      %dma_wait3A_216 = tpu.memref_slice %arg2[%arg0, %dma_wait3A_215] : memref<20000x64xf32, #tpu.memory_space<hbm>> -> memref<19999x64xf32, #tpu.memory_space<hbm>>
      %dma_wait3A_217 = arith.constant 0 : i32
      %dma_wait3A_218 = arith.constant 0 : i32
      %dma_wait3A_219 = tpu.memref_slice %dma_wait3A_216[%dma_wait3A_217, %dma_wait3A_218] : memref<19999x64xf32, #tpu.memory_space<hbm>> -> memref<19999x64xf32, #tpu.memory_space<hbm>>
      %dma_wait3A_220 = tpu.memref_slice %arg11[%dma_wait3A_207] : memref<5x!tpu.dma_semaphore, #tpu.memory_space<semaphore_mem>> -> memref<1x!tpu.dma_semaphore, #tpu.memory_space<semaphore_mem>>
      %dma_wait3A_221 = tpu.memref_squeeze %dma_wait3A_220 : memref<1x!tpu.dma_semaphore, #tpu.memory_space<semaphore_mem>> -> memref<!tpu.dma_semaphore, #tpu.memory_space<semaphore_mem>>
      tpu.wait_indirect_dma semaphore(%dma_wait3A_221 : memref<!tpu.dma_semaphore, #tpu.memory_space<semaphore_mem>>) src(%dma_wait3A_219 : memref<19999x64xf32, #tpu.memory_space<hbm>>) dst(%dma_wait3A_211 : memref<125x64xf32, #tpu.memory_space<vmem>>)
      %dma_start3A_222 = arith.constant 0 : i32
      %dma_start3A_223 = arith.constant 0 : i32
      %dma_start3A_224 = arith.constant 0 : i32
      %dma_start3A_225 = arith.constant 0 : i32
      %dma_start3A_226 = tpu.memref_slice %arg8[%dma_start3A_222, %dma_start3A_224, %dma_start3A_225] : memref<5x125x64xf32, #tpu.memory_space<vmem>> -> memref<1x125x64xf32, #tpu.memory_space<vmem>>
      %dma_start3A_227 = tpu.memref_squeeze %dma_start3A_226 : memref<1x125x64xf32, #tpu.memory_space<vmem>> -> memref<125x64xf32, #tpu.memory_space<vmem>>
      %dma_start3A_228 = arith.constant 0 : i32
      %dma_start3A_229 = tpu.memref_slice %arg7[%add3A_205, %dma_start3A_228] : memref<160x125xi32, #tpu.memory_space<vmem>> -> memref<1x125xi32, #tpu.memory_space<vmem>>
      %dma_start3A_230 = tpu.memref_squeeze %dma_start3A_229 : memref<1x125xi32, #tpu.memory_space<vmem>> -> memref<125xi32, #tpu.memory_space<vmem>>
      %dma_start3A_231 = arith.constant 0 : i32
      %dma_start3A_232 = arith.constant 0 : i32
      %dma_start3A_233 = tpu.memref_slice %arg10[%dma_start3A_231, %dma_start3A_232] : memref<10240x64xf32, #tpu.memory_space<vmem_shared>> -> memref<10240x64xf32, #tpu.memory_space<vmem_shared>>
      %dma_start3A_234 = tpu.memref_slice %arg12[%dma_start3A_223] : memref<5x!tpu.dma_semaphore, #tpu.memory_space<semaphore_mem>> -> memref<1x!tpu.dma_semaphore, #tpu.memory_space<semaphore_mem>>
      %dma_start3A_235 = tpu.memref_squeeze %dma_start3A_234 : memref<1x!tpu.dma_semaphore, #tpu.memory_space<semaphore_mem>> -> memref<!tpu.dma_semaphore, #tpu.memory_space<semaphore_mem>>
      tpu.enqueue_indirect_dma source(%dma_start3A_227 : memref<125x64xf32, #tpu.memory_space<vmem>>) target(%dma_start3A_233 : memref<10240x64xf32, #tpu.memory_space<vmem_shared>>) offsets(%dma_start3A_230 : memref<125xi32, #tpu.memory_space<vmem>>) semaphore(%dma_start3A_235 : memref<!tpu.dma_semaphore, #tpu.memory_space<semaphore_mem>>) {add = true}
      %add3A_236 = arith.constant 5 : i32
      %add3A_237 = arith.addi %add3A_205, %add3A_236 : i32
      %sub3A = arith.constant 1 : i32
      %sub3A_238 = arith.subi %add3A_237, %sub3A : i32
      %lt3A = arith.constant 160 : i32
      %lt3A_239 = arith.cmpi slt, %sub3A_238, %lt3A : i32
      %convert_element_type3A = arith.extui %lt3A_239 : i1 to i32
      %cond3A = arith.constant 0 : i32
      %cond3A_240 = arith.cmpi ne, %convert_element_type3A, %cond3A : i32
      scf.if %cond3A_240 {
        %ge3A = arith.constant 1 : i32
        %ge3A_405 = arith.cmpi sge, %add3A_205, %ge3A : i32
        %convert_element_type3A_406 = arith.extui %ge3A_405 : i1 to i32
        %cond3A_407 = arith.constant 0 : i32
        %cond3A_408 = arith.cmpi ne, %convert_element_type3A_406, %cond3A_407 : i32
        scf.if %cond3A_408 {
          %sub3A_429 = arith.constant 1 : i32
          %sub3A_430 = arith.subi %add3A_205, %sub3A_429 : i32
          %dma_wait3A_431 = arith.constant 4 : i32
          %dma_wait3A_432 = arith.constant 4 : i32
          %dma_wait3A_433 = arith.constant 0 : i32
          %dma_wait3A_434 = arith.constant 0 : i32
          %dma_wait3A_435 = tpu.memref_slice %arg8[%dma_wait3A_431, %dma_wait3A_433, %dma_wait3A_434] : memref<5x125x64xf32, #tpu.memory_space<vmem>> -> memref<1x125x64xf32, #tpu.memory_space<vmem>>
          %dma_wait3A_436 = tpu.memref_squeeze %dma_wait3A_435 : memref<1x125x64xf32, #tpu.memory_space<vmem>> -> memref<125x64xf32, #tpu.memory_space<vmem>>
          %dma_wait3A_437 = arith.constant 0 : i32
          %dma_wait3A_438 = tpu.memref_slice %arg7[%sub3A_430, %dma_wait3A_437] : memref<160x125xi32, #tpu.memory_space<vmem>> -> memref<1x125xi32, #tpu.memory_space<vmem>>
          %dma_wait3A_439 = tpu.memref_squeeze %dma_wait3A_438 : memref<1x125xi32, #tpu.memory_space<vmem>> -> memref<125xi32, #tpu.memory_space<vmem>>
          %dma_wait3A_440 = arith.constant 0 : i32
          %dma_wait3A_441 = arith.constant 0 : i32
          %dma_wait3A_442 = tpu.memref_slice %arg10[%dma_wait3A_440, %dma_wait3A_441] : memref<10240x64xf32, #tpu.memory_space<vmem_shared>> -> memref<10240x64xf32, #tpu.memory_space<vmem_shared>>
          %dma_wait3A_443 = tpu.memref_slice %arg12[%dma_wait3A_432] : memref<5x!tpu.dma_semaphore, #tpu.memory_space<semaphore_mem>> -> memref<1x!tpu.dma_semaphore, #tpu.memory_space<semaphore_mem>>
          %dma_wait3A_444 = tpu.memref_squeeze %dma_wait3A_443 : memref<1x!tpu.dma_semaphore, #tpu.memory_space<semaphore_mem>> -> memref<!tpu.dma_semaphore, #tpu.memory_space<semaphore_mem>>
          tpu.wait_indirect_dma semaphore(%dma_wait3A_444 : memref<!tpu.dma_semaphore, #tpu.memory_space<semaphore_mem>>) src(%dma_wait3A_436 : memref<125x64xf32, #tpu.memory_space<vmem>>) dst(%dma_wait3A_442 : memref<10240x64xf32, #tpu.memory_space<vmem_shared>>)
        } else {
        }
        %add3A_409 = arith.constant 5 : i32
        %add3A_410 = arith.addi %add3A_205, %add3A_409 : i32
        %sub3A_411 = arith.constant 1 : i32
        %sub3A_412 = arith.subi %add3A_410, %sub3A_411 : i32
        %dma_start3A_413 = arith.constant 4 : i32
        %dma_start3A_414 = arith.constant 4 : i32
        %dma_start3A_415 = arith.constant 0 : i32
        %dma_start3A_416 = arith.constant 0 : i32
        %dma_start3A_417 = tpu.memref_slice %arg8[%dma_start3A_413, %dma_start3A_415, %dma_start3A_416] : memref<5x125x64xf32, #tpu.memory_space<vmem>> -> memref<1x125x64xf32, #tpu.memory_space<vmem>>
        %dma_start3A_418 = tpu.memref_squeeze %dma_start3A_417 : memref<1x125x64xf32, #tpu.memory_space<vmem>> -> memref<125x64xf32, #tpu.memory_space<vmem>>
        %dma_start3A_419 = arith.constant 0 : i32
        %dma_start3A_420 = tpu.memref_slice %arg6[%sub3A_412, %dma_start3A_419] : memref<160x125xi32, #tpu.memory_space<vmem>> -> memref<1x125xi32, #tpu.memory_space<vmem>>
        %dma_start3A_421 = tpu.memref_squeeze %dma_start3A_420 : memref<1x125xi32, #tpu.memory_space<vmem>> -> memref<125xi32, #tpu.memory_space<vmem>>
        %dma_start3A_422 = arith.constant 0 : i32
        %dma_start3A_423 = tpu.memref_slice %arg2[%arg0, %dma_start3A_422] : memref<20000x64xf32, #tpu.memory_space<hbm>> -> memref<19999x64xf32, #tpu.memory_space<hbm>>
        %dma_start3A_424 = arith.constant 0 : i32
        %dma_start3A_425 = arith.constant 0 : i32
        %dma_start3A_426 = tpu.memref_slice %dma_start3A_423[%dma_start3A_424, %dma_start3A_425] : memref<19999x64xf32, #tpu.memory_space<hbm>> -> memref<19999x64xf32, #tpu.memory_space<hbm>>
        %dma_start3A_427 = tpu.memref_slice %arg11[%dma_start3A_414] : memref<5x!tpu.dma_semaphore, #tpu.memory_space<semaphore_mem>> -> memref<1x!tpu.dma_semaphore, #tpu.memory_space<semaphore_mem>>
        %dma_start3A_428 = tpu.memref_squeeze %dma_start3A_427 : memref<1x!tpu.dma_semaphore, #tpu.memory_space<semaphore_mem>> -> memref<!tpu.dma_semaphore, #tpu.memory_space<semaphore_mem>>
        tpu.enqueue_indirect_dma source(%dma_start3A_426 : memref<19999x64xf32, #tpu.memory_space<hbm>>) target(%dma_start3A_418 : memref<125x64xf32, #tpu.memory_space<vmem>>) offsets(%dma_start3A_421 : memref<125xi32, #tpu.memory_space<vmem>>) semaphore(%dma_start3A_428 : memref<!tpu.dma_semaphore, #tpu.memory_space<semaphore_mem>>)
      } else {
      }
      %add3A_241 = arith.constant 1 : i32
      %add3A_242 = arith.addi %mul3A_203, %add3A_241 : i32
      %dma_wait3A_243 = arith.constant 1 : i32
      %dma_wait3A_244 = arith.constant 1 : i32
      %dma_wait3A_245 = arith.constant 0 : i32
      %dma_wait3A_246 = arith.constant 0 : i32
      %dma_wait3A_247 = tpu.memref_slice %arg8[%dma_wait3A_243, %dma_wait3A_245, %dma_wait3A_246] : memref<5x125x64xf32, #tpu.memory_space<vmem>> -> memref<1x125x64xf32, #tpu.memory_space<vmem>>
      %dma_wait3A_248 = tpu.memref_squeeze %dma_wait3A_247 : memref<1x125x64xf32, #tpu.memory_space<vmem>> -> memref<125x64xf32, #tpu.memory_space<vmem>>
      %dma_wait3A_249 = arith.constant 0 : i32
      %dma_wait3A_250 = tpu.memref_slice %arg6[%add3A_242, %dma_wait3A_249] : memref<160x125xi32, #tpu.memory_space<vmem>> -> memref<1x125xi32, #tpu.memory_space<vmem>>
      %dma_wait3A_251 = tpu.memref_squeeze %dma_wait3A_250 : memref<1x125xi32, #tpu.memory_space<vmem>> -> memref<125xi32, #tpu.memory_space<vmem>>
      %dma_wait3A_252 = arith.constant 0 : i32
      %dma_wait3A_253 = tpu.memref_slice %arg2[%arg0, %dma_wait3A_252] : memref<20000x64xf32, #tpu.memory_space<hbm>> -> memref<19999x64xf32, #tpu.memory_space<hbm>>
      %dma_wait3A_254 = arith.constant 0 : i32
      %dma_wait3A_255 = arith.constant 0 : i32
      %dma_wait3A_256 = tpu.memref_slice %dma_wait3A_253[%dma_wait3A_254, %dma_wait3A_255] : memref<19999x64xf32, #tpu.memory_space<hbm>> -> memref<19999x64xf32, #tpu.memory_space<hbm>>
      %dma_wait3A_257 = tpu.memref_slice %arg11[%dma_wait3A_244] : memref<5x!tpu.dma_semaphore, #tpu.memory_space<semaphore_mem>> -> memref<1x!tpu.dma_semaphore, #tpu.memory_space<semaphore_mem>>
      %dma_wait3A_258 = tpu.memref_squeeze %dma_wait3A_257 : memref<1x!tpu.dma_semaphore, #tpu.memory_space<semaphore_mem>> -> memref<!tpu.dma_semaphore, #tpu.memory_space<semaphore_mem>>
      tpu.wait_indirect_dma semaphore(%dma_wait3A_258 : memref<!tpu.dma_semaphore, #tpu.memory_space<semaphore_mem>>) src(%dma_wait3A_256 : memref<19999x64xf32, #tpu.memory_space<hbm>>) dst(%dma_wait3A_248 : memref<125x64xf32, #tpu.memory_space<vmem>>)
      %dma_start3A_259 = arith.constant 1 : i32
      %dma_start3A_260 = arith.constant 1 : i32
      %dma_start3A_261 = arith.constant 0 : i32
      %dma_start3A_262 = arith.constant 0 : i32
      %dma_start3A_263 = tpu.memref_slice %arg8[%dma_start3A_259, %dma_start3A_261, %dma_start3A_262] : memref<5x125x64xf32, #tpu.memory_space<vmem>> -> memref<1x125x64xf32, #tpu.memory_space<vmem>>
      %dma_start3A_264 = tpu.memref_squeeze %dma_start3A_263 : memref<1x125x64xf32, #tpu.memory_space<vmem>> -> memref<125x64xf32, #tpu.memory_space<vmem>>
      %dma_start3A_265 = arith.constant 0 : i32
      %dma_start3A_266 = tpu.memref_slice %arg7[%add3A_242, %dma_start3A_265] : memref<160x125xi32, #tpu.memory_space<vmem>> -> memref<1x125xi32, #tpu.memory_space<vmem>>
      %dma_start3A_267 = tpu.memref_squeeze %dma_start3A_266 : memref<1x125xi32, #tpu.memory_space<vmem>> -> memref<125xi32, #tpu.memory_space<vmem>>
      %dma_start3A_268 = arith.constant 0 : i32
      %dma_start3A_269 = arith.constant 0 : i32
      %dma_start3A_270 = tpu.memref_slice %arg10[%dma_start3A_268, %dma_start3A_269] : memref<10240x64xf32, #tpu.memory_space<vmem_shared>> -> memref<10240x64xf32, #tpu.memory_space<vmem_shared>>
      %dma_start3A_271 = tpu.memref_slice %arg12[%dma_start3A_260] : memref<5x!tpu.dma_semaphore, #tpu.memory_space<semaphore_mem>> -> memref<1x!tpu.dma_semaphore, #tpu.memory_space<semaphore_mem>>
      %dma_start3A_272 = tpu.memref_squeeze %dma_start3A_271 : memref<1x!tpu.dma_semaphore, #tpu.memory_space<semaphore_mem>> -> memref<!tpu.dma_semaphore, #tpu.memory_space<semaphore_mem>>
      tpu.enqueue_indirect_dma source(%dma_start3A_264 : memref<125x64xf32, #tpu.memory_space<vmem>>) target(%dma_start3A_270 : memref<10240x64xf32, #tpu.memory_space<vmem_shared>>) offsets(%dma_start3A_267 : memref<125xi32, #tpu.memory_space<vmem>>) semaphore(%dma_start3A_272 : memref<!tpu.dma_semaphore, #tpu.memory_space<semaphore_mem>>) {add = true}
      %add3A_273 = arith.constant 5 : i32
      %add3A_274 = arith.addi %add3A_242, %add3A_273 : i32
      %sub3A_275 = arith.constant 1 : i32
      %sub3A_276 = arith.subi %add3A_274, %sub3A_275 : i32
      %lt3A_277 = arith.constant 160 : i32
      %lt3A_278 = arith.cmpi slt, %sub3A_276, %lt3A_277 : i32
      %convert_element_type3A_279 = arith.extui %lt3A_278 : i1 to i32
      %cond3A_280 = arith.constant 0 : i32
      %cond3A_281 = arith.cmpi ne, %convert_element_type3A_279, %cond3A_280 : i32
      scf.if %cond3A_281 {
        %ge3A = arith.constant 1 : i32
        %ge3A_405 = arith.cmpi sge, %add3A_242, %ge3A : i32
        %convert_element_type3A_406 = arith.extui %ge3A_405 : i1 to i32
        %cond3A_407 = arith.constant 0 : i32
        %cond3A_408 = arith.cmpi ne, %convert_element_type3A_406, %cond3A_407 : i32
        scf.if %cond3A_408 {
          %sub3A_429 = arith.constant 1 : i32
          %sub3A_430 = arith.subi %add3A_242, %sub3A_429 : i32
          %dma_wait3A_431 = arith.constant 0 : i32
          %dma_wait3A_432 = arith.constant 0 : i32
          %dma_wait3A_433 = arith.constant 0 : i32
          %dma_wait3A_434 = arith.constant 0 : i32
          %dma_wait3A_435 = tpu.memref_slice %arg8[%dma_wait3A_431, %dma_wait3A_433, %dma_wait3A_434] : memref<5x125x64xf32, #tpu.memory_space<vmem>> -> memref<1x125x64xf32, #tpu.memory_space<vmem>>
          %dma_wait3A_436 = tpu.memref_squeeze %dma_wait3A_435 : memref<1x125x64xf32, #tpu.memory_space<vmem>> -> memref<125x64xf32, #tpu.memory_space<vmem>>
          %dma_wait3A_437 = arith.constant 0 : i32
          %dma_wait3A_438 = tpu.memref_slice %arg7[%sub3A_430, %dma_wait3A_437] : memref<160x125xi32, #tpu.memory_space<vmem>> -> memref<1x125xi32, #tpu.memory_space<vmem>>
          %dma_wait3A_439 = tpu.memref_squeeze %dma_wait3A_438 : memref<1x125xi32, #tpu.memory_space<vmem>> -> memref<125xi32, #tpu.memory_space<vmem>>
          %dma_wait3A_440 = arith.constant 0 : i32
          %dma_wait3A_441 = arith.constant 0 : i32
          %dma_wait3A_442 = tpu.memref_slice %arg10[%dma_wait3A_440, %dma_wait3A_441] : memref<10240x64xf32, #tpu.memory_space<vmem_shared>> -> memref<10240x64xf32, #tpu.memory_space<vmem_shared>>
          %dma_wait3A_443 = tpu.memref_slice %arg12[%dma_wait3A_432] : memref<5x!tpu.dma_semaphore, #tpu.memory_space<semaphore_mem>> -> memref<1x!tpu.dma_semaphore, #tpu.memory_space<semaphore_mem>>
          %dma_wait3A_444 = tpu.memref_squeeze %dma_wait3A_443 : memref<1x!tpu.dma_semaphore, #tpu.memory_space<semaphore_mem>> -> memref<!tpu.dma_semaphore, #tpu.memory_space<semaphore_mem>>
          tpu.wait_indirect_dma semaphore(%dma_wait3A_444 : memref<!tpu.dma_semaphore, #tpu.memory_space<semaphore_mem>>) src(%dma_wait3A_436 : memref<125x64xf32, #tpu.memory_space<vmem>>) dst(%dma_wait3A_442 : memref<10240x64xf32, #tpu.memory_space<vmem_shared>>)
        } else {
        }
        %add3A_409 = arith.constant 5 : i32
        %add3A_410 = arith.addi %add3A_242, %add3A_409 : i32
        %sub3A_411 = arith.constant 1 : i32
        %sub3A_412 = arith.subi %add3A_410, %sub3A_411 : i32
        %dma_start3A_413 = arith.constant 0 : i32
        %dma_start3A_414 = arith.constant 0 : i32
        %dma_start3A_415 = arith.constant 0 : i32
        %dma_start3A_416 = arith.constant 0 : i32
        %dma_start3A_417 = tpu.memref_slice %arg8[%dma_start3A_413, %dma_start3A_415, %dma_start3A_416] : memref<5x125x64xf32, #tpu.memory_space<vmem>> -> memref<1x125x64xf32, #tpu.memory_space<vmem>>
        %dma_start3A_418 = tpu.memref_squeeze %dma_start3A_417 : memref<1x125x64xf32, #tpu.memory_space<vmem>> -> memref<125x64xf32, #tpu.memory_space<vmem>>
        %dma_start3A_419 = arith.constant 0 : i32
        %dma_start3A_420 = tpu.memref_slice %arg6[%sub3A_412, %dma_start3A_419] : memref<160x125xi32, #tpu.memory_space<vmem>> -> memref<1x125xi32, #tpu.memory_space<vmem>>
        %dma_start3A_421 = tpu.memref_squeeze %dma_start3A_420 : memref<1x125xi32, #tpu.memory_space<vmem>> -> memref<125xi32, #tpu.memory_space<vmem>>
        %dma_start3A_422 = arith.constant 0 : i32
        %dma_start3A_423 = tpu.memref_slice %arg2[%arg0, %dma_start3A_422] : memref<20000x64xf32, #tpu.memory_space<hbm>> -> memref<19999x64xf32, #tpu.memory_space<hbm>>
        %dma_start3A_424 = arith.constant 0 : i32
        %dma_start3A_425 = arith.constant 0 : i32
        %dma_start3A_426 = tpu.memref_slice %dma_start3A_423[%dma_start3A_424, %dma_start3A_425] : memref<19999x64xf32, #tpu.memory_space<hbm>> -> memref<19999x64xf32, #tpu.memory_space<hbm>>
        %dma_start3A_427 = tpu.memref_slice %arg11[%dma_start3A_414] : memref<5x!tpu.dma_semaphore, #tpu.memory_space<semaphore_mem>> -> memref<1x!tpu.dma_semaphore, #tpu.memory_space<semaphore_mem>>
        %dma_start3A_428 = tpu.memref_squeeze %dma_start3A_427 : memref<1x!tpu.dma_semaphore, #tpu.memory_space<semaphore_mem>> -> memref<!tpu.dma_semaphore, #tpu.memory_space<semaphore_mem>>
        tpu.enqueue_indirect_dma source(%dma_start3A_426 : memref<19999x64xf32, #tpu.memory_space<hbm>>) target(%dma_start3A_418 : memref<125x64xf32, #tpu.memory_space<vmem>>) offsets(%dma_start3A_421 : memref<125xi32, #tpu.memory_space<vmem>>) semaphore(%dma_start3A_428 : memref<!tpu.dma_semaphore, #tpu.memory_space<semaphore_mem>>)
      } else {
      }
      %add3A_282 = arith.constant 2 : i32
      %add3A_283 = arith.addi %mul3A_203, %add3A_282 : i32
      %dma_wait3A_284 = arith.constant 2 : i32
      %dma_wait3A_285 = arith.constant 2 : i32
      %dma_wait3A_286 = arith.constant 0 : i32
      %dma_wait3A_287 = arith.constant 0 : i32
      %dma_wait3A_288 = tpu.memref_slice %arg8[%dma_wait3A_284, %dma_wait3A_286, %dma_wait3A_287] : memref<5x125x64xf32, #tpu.memory_space<vmem>> -> memref<1x125x64xf32, #tpu.memory_space<vmem>>
      %dma_wait3A_289 = tpu.memref_squeeze %dma_wait3A_288 : memref<1x125x64xf32, #tpu.memory_space<vmem>> -> memref<125x64xf32, #tpu.memory_space<vmem>>
      %dma_wait3A_290 = arith.constant 0 : i32
      %dma_wait3A_291 = tpu.memref_slice %arg6[%add3A_283, %dma_wait3A_290] : memref<160x125xi32, #tpu.memory_space<vmem>> -> memref<1x125xi32, #tpu.memory_space<vmem>>
      %dma_wait3A_292 = tpu.memref_squeeze %dma_wait3A_291 : memref<1x125xi32, #tpu.memory_space<vmem>> -> memref<125xi32, #tpu.memory_space<vmem>>
      %dma_wait3A_293 = arith.constant 0 : i32
      %dma_wait3A_294 = tpu.memref_slice %arg2[%arg0, %dma_wait3A_293] : memref<20000x64xf32, #tpu.memory_space<hbm>> -> memref<19999x64xf32, #tpu.memory_space<hbm>>
      %dma_wait3A_295 = arith.constant 0 : i32
      %dma_wait3A_296 = arith.constant 0 : i32
      %dma_wait3A_297 = tpu.memref_slice %dma_wait3A_294[%dma_wait3A_295, %dma_wait3A_296] : memref<19999x64xf32, #tpu.memory_space<hbm>> -> memref<19999x64xf32, #tpu.memory_space<hbm>>
      %dma_wait3A_298 = tpu.memref_slice %arg11[%dma_wait3A_285] : memref<5x!tpu.dma_semaphore, #tpu.memory_space<semaphore_mem>> -> memref<1x!tpu.dma_semaphore, #tpu.memory_space<semaphore_mem>>
      %dma_wait3A_299 = tpu.memref_squeeze %dma_wait3A_298 : memref<1x!tpu.dma_semaphore, #tpu.memory_space<semaphore_mem>> -> memref<!tpu.dma_semaphore, #tpu.memory_space<semaphore_mem>>
      tpu.wait_indirect_dma semaphore(%dma_wait3A_299 : memref<!tpu.dma_semaphore, #tpu.memory_space<semaphore_mem>>) src(%dma_wait3A_297 : memref<19999x64xf32, #tpu.memory_space<hbm>>) dst(%dma_wait3A_289 : memref<125x64xf32, #tpu.memory_space<vmem>>)
      %dma_start3A_300 = arith.constant 2 : i32
      %dma_start3A_301 = arith.constant 2 : i32
      %dma_start3A_302 = arith.constant 0 : i32
      %dma_start3A_303 = arith.constant 0 : i32
      %dma_start3A_304 = tpu.memref_slice %arg8[%dma_start3A_300, %dma_start3A_302, %dma_start3A_303] : memref<5x125x64xf32, #tpu.memory_space<vmem>> -> memref<1x125x64xf32, #tpu.memory_space<vmem>>
      %dma_start3A_305 = tpu.memref_squeeze %dma_start3A_304 : memref<1x125x64xf32, #tpu.memory_space<vmem>> -> memref<125x64xf32, #tpu.memory_space<vmem>>
      %dma_start3A_306 = arith.constant 0 : i32
      %dma_start3A_307 = tpu.memref_slice %arg7[%add3A_283, %dma_start3A_306] : memref<160x125xi32, #tpu.memory_space<vmem>> -> memref<1x125xi32, #tpu.memory_space<vmem>>
      %dma_start3A_308 = tpu.memref_squeeze %dma_start3A_307 : memref<1x125xi32, #tpu.memory_space<vmem>> -> memref<125xi32, #tpu.memory_space<vmem>>
      %dma_start3A_309 = arith.constant 0 : i32
      %dma_start3A_310 = arith.constant 0 : i32
      %dma_start3A_311 = tpu.memref_slice %arg10[%dma_start3A_309, %dma_start3A_310] : memref<10240x64xf32, #tpu.memory_space<vmem_shared>> -> memref<10240x64xf32, #tpu.memory_space<vmem_shared>>
      %dma_start3A_312 = tpu.memref_slice %arg12[%dma_start3A_301] : memref<5x!tpu.dma_semaphore, #tpu.memory_space<semaphore_mem>> -> memref<1x!tpu.dma_semaphore, #tpu.memory_space<semaphore_mem>>
      %dma_start3A_313 = tpu.memref_squeeze %dma_start3A_312 : memref<1x!tpu.dma_semaphore, #tpu.memory_space<semaphore_mem>> -> memref<!tpu.dma_semaphore, #tpu.memory_space<semaphore_mem>>
      tpu.enqueue_indirect_dma source(%dma_start3A_305 : memref<125x64xf32, #tpu.memory_space<vmem>>) target(%dma_start3A_311 : memref<10240x64xf32, #tpu.memory_space<vmem_shared>>) offsets(%dma_start3A_308 : memref<125xi32, #tpu.memory_space<vmem>>) semaphore(%dma_start3A_313 : memref<!tpu.dma_semaphore, #tpu.memory_space<semaphore_mem>>) {add = true}
      %add3A_314 = arith.constant 5 : i32
      %add3A_315 = arith.addi %add3A_283, %add3A_314 : i32
      %sub3A_316 = arith.constant 1 : i32
      %sub3A_317 = arith.subi %add3A_315, %sub3A_316 : i32
      %lt3A_318 = arith.constant 160 : i32
      %lt3A_319 = arith.cmpi slt, %sub3A_317, %lt3A_318 : i32
      %convert_element_type3A_320 = arith.extui %lt3A_319 : i1 to i32
      %cond3A_321 = arith.constant 0 : i32
      %cond3A_322 = arith.cmpi ne, %convert_element_type3A_320, %cond3A_321 : i32
      scf.if %cond3A_322 {
        %ge3A = arith.constant 1 : i32
        %ge3A_405 = arith.cmpi sge, %add3A_283, %ge3A : i32
        %convert_element_type3A_406 = arith.extui %ge3A_405 : i1 to i32
        %cond3A_407 = arith.constant 0 : i32
        %cond3A_408 = arith.cmpi ne, %convert_element_type3A_406, %cond3A_407 : i32
        scf.if %cond3A_408 {
          %sub3A_429 = arith.constant 1 : i32
          %sub3A_430 = arith.subi %add3A_283, %sub3A_429 : i32
          %dma_wait3A_431 = arith.constant 1 : i32
          %dma_wait3A_432 = arith.constant 1 : i32
          %dma_wait3A_433 = arith.constant 0 : i32
          %dma_wait3A_434 = arith.constant 0 : i32
          %dma_wait3A_435 = tpu.memref_slice %arg8[%dma_wait3A_431, %dma_wait3A_433, %dma_wait3A_434] : memref<5x125x64xf32, #tpu.memory_space<vmem>> -> memref<1x125x64xf32, #tpu.memory_space<vmem>>
          %dma_wait3A_436 = tpu.memref_squeeze %dma_wait3A_435 : memref<1x125x64xf32, #tpu.memory_space<vmem>> -> memref<125x64xf32, #tpu.memory_space<vmem>>
          %dma_wait3A_437 = arith.constant 0 : i32
          %dma_wait3A_438 = tpu.memref_slice %arg7[%sub3A_430, %dma_wait3A_437] : memref<160x125xi32, #tpu.memory_space<vmem>> -> memref<1x125xi32, #tpu.memory_space<vmem>>
          %dma_wait3A_439 = tpu.memref_squeeze %dma_wait3A_438 : memref<1x125xi32, #tpu.memory_space<vmem>> -> memref<125xi32, #tpu.memory_space<vmem>>
          %dma_wait3A_440 = arith.constant 0 : i32
          %dma_wait3A_441 = arith.constant 0 : i32
          %dma_wait3A_442 = tpu.memref_slice %arg10[%dma_wait3A_440, %dma_wait3A_441] : memref<10240x64xf32, #tpu.memory_space<vmem_shared>> -> memref<10240x64xf32, #tpu.memory_space<vmem_shared>>
          %dma_wait3A_443 = tpu.memref_slice %arg12[%dma_wait3A_432] : memref<5x!tpu.dma_semaphore, #tpu.memory_space<semaphore_mem>> -> memref<1x!tpu.dma_semaphore, #tpu.memory_space<semaphore_mem>>
          %dma_wait3A_444 = tpu.memref_squeeze %dma_wait3A_443 : memref<1x!tpu.dma_semaphore, #tpu.memory_space<semaphore_mem>> -> memref<!tpu.dma_semaphore, #tpu.memory_space<semaphore_mem>>
          tpu.wait_indirect_dma semaphore(%dma_wait3A_444 : memref<!tpu.dma_semaphore, #tpu.memory_space<semaphore_mem>>) src(%dma_wait3A_436 : memref<125x64xf32, #tpu.memory_space<vmem>>) dst(%dma_wait3A_442 : memref<10240x64xf32, #tpu.memory_space<vmem_shared>>)
        } else {
        }
        %add3A_409 = arith.constant 5 : i32
        %add3A_410 = arith.addi %add3A_283, %add3A_409 : i32
        %sub3A_411 = arith.constant 1 : i32
        %sub3A_412 = arith.subi %add3A_410, %sub3A_411 : i32
        %dma_start3A_413 = arith.constant 1 : i32
        %dma_start3A_414 = arith.constant 1 : i32
        %dma_start3A_415 = arith.constant 0 : i32
        %dma_start3A_416 = arith.constant 0 : i32
        %dma_start3A_417 = tpu.memref_slice %arg8[%dma_start3A_413, %dma_start3A_415, %dma_start3A_416] : memref<5x125x64xf32, #tpu.memory_space<vmem>> -> memref<1x125x64xf32, #tpu.memory_space<vmem>>
        %dma_start3A_418 = tpu.memref_squeeze %dma_start3A_417 : memref<1x125x64xf32, #tpu.memory_space<vmem>> -> memref<125x64xf32, #tpu.memory_space<vmem>>
        %dma_start3A_419 = arith.constant 0 : i32
        %dma_start3A_420 = tpu.memref_slice %arg6[%sub3A_412, %dma_start3A_419] : memref<160x125xi32, #tpu.memory_space<vmem>> -> memref<1x125xi32, #tpu.memory_space<vmem>>
        %dma_start3A_421 = tpu.memref_squeeze %dma_start3A_420 : memref<1x125xi32, #tpu.memory_space<vmem>> -> memref<125xi32, #tpu.memory_space<vmem>>
        %dma_start3A_422 = arith.constant 0 : i32
        %dma_start3A_423 = tpu.memref_slice %arg2[%arg0, %dma_start3A_422] : memref<20000x64xf32, #tpu.memory_space<hbm>> -> memref<19999x64xf32, #tpu.memory_space<hbm>>
        %dma_start3A_424 = arith.constant 0 : i32
        %dma_start3A_425 = arith.constant 0 : i32
        %dma_start3A_426 = tpu.memref_slice %dma_start3A_423[%dma_start3A_424, %dma_start3A_425] : memref<19999x64xf32, #tpu.memory_space<hbm>> -> memref<19999x64xf32, #tpu.memory_space<hbm>>
        %dma_start3A_427 = tpu.memref_slice %arg11[%dma_start3A_414] : memref<5x!tpu.dma_semaphore, #tpu.memory_space<semaphore_mem>> -> memref<1x!tpu.dma_semaphore, #tpu.memory_space<semaphore_mem>>
        %dma_start3A_428 = tpu.memref_squeeze %dma_start3A_427 : memref<1x!tpu.dma_semaphore, #tpu.memory_space<semaphore_mem>> -> memref<!tpu.dma_semaphore, #tpu.memory_space<semaphore_mem>>
        tpu.enqueue_indirect_dma source(%dma_start3A_426 : memref<19999x64xf32, #tpu.memory_space<hbm>>) target(%dma_start3A_418 : memref<125x64xf32, #tpu.memory_space<vmem>>) offsets(%dma_start3A_421 : memref<125xi32, #tpu.memory_space<vmem>>) semaphore(%dma_start3A_428 : memref<!tpu.dma_semaphore, #tpu.memory_space<semaphore_mem>>)
      } else {
      }
      %add3A_323 = arith.constant 3 : i32
      %add3A_324 = arith.addi %mul3A_203, %add3A_323 : i32
      %dma_wait3A_325 = arith.constant 3 : i32
      %dma_wait3A_326 = arith.constant 3 : i32
      %dma_wait3A_327 = arith.constant 0 : i32
      %dma_wait3A_328 = arith.constant 0 : i32
      %dma_wait3A_329 = tpu.memref_slice %arg8[%dma_wait3A_325, %dma_wait3A_327, %dma_wait3A_328] : memref<5x125x64xf32, #tpu.memory_space<vmem>> -> memref<1x125x64xf32, #tpu.memory_space<vmem>>
      %dma_wait3A_330 = tpu.memref_squeeze %dma_wait3A_329 : memref<1x125x64xf32, #tpu.memory_space<vmem>> -> memref<125x64xf32, #tpu.memory_space<vmem>>
      %dma_wait3A_331 = arith.constant 0 : i32
      %dma_wait3A_332 = tpu.memref_slice %arg6[%add3A_324, %dma_wait3A_331] : memref<160x125xi32, #tpu.memory_space<vmem>> -> memref<1x125xi32, #tpu.memory_space<vmem>>
      %dma_wait3A_333 = tpu.memref_squeeze %dma_wait3A_332 : memref<1x125xi32, #tpu.memory_space<vmem>> -> memref<125xi32, #tpu.memory_space<vmem>>
      %dma_wait3A_334 = arith.constant 0 : i32
      %dma_wait3A_335 = tpu.memref_slice %arg2[%arg0, %dma_wait3A_334] : memref<20000x64xf32, #tpu.memory_space<hbm>> -> memref<19999x64xf32, #tpu.memory_space<hbm>>
      %dma_wait3A_336 = arith.constant 0 : i32
      %dma_wait3A_337 = arith.constant 0 : i32
      %dma_wait3A_338 = tpu.memref_slice %dma_wait3A_335[%dma_wait3A_336, %dma_wait3A_337] : memref<19999x64xf32, #tpu.memory_space<hbm>> -> memref<19999x64xf32, #tpu.memory_space<hbm>>
      %dma_wait3A_339 = tpu.memref_slice %arg11[%dma_wait3A_326] : memref<5x!tpu.dma_semaphore, #tpu.memory_space<semaphore_mem>> -> memref<1x!tpu.dma_semaphore, #tpu.memory_space<semaphore_mem>>
      %dma_wait3A_340 = tpu.memref_squeeze %dma_wait3A_339 : memref<1x!tpu.dma_semaphore, #tpu.memory_space<semaphore_mem>> -> memref<!tpu.dma_semaphore, #tpu.memory_space<semaphore_mem>>
      tpu.wait_indirect_dma semaphore(%dma_wait3A_340 : memref<!tpu.dma_semaphore, #tpu.memory_space<semaphore_mem>>) src(%dma_wait3A_338 : memref<19999x64xf32, #tpu.memory_space<hbm>>) dst(%dma_wait3A_330 : memref<125x64xf32, #tpu.memory_space<vmem>>)
      %dma_start3A_341 = arith.constant 3 : i32
      %dma_start3A_342 = arith.constant 3 : i32
      %dma_start3A_343 = arith.constant 0 : i32
      %dma_start3A_344 = arith.constant 0 : i32
      %dma_start3A_345 = tpu.memref_slice %arg8[%dma_start3A_341, %dma_start3A_343, %dma_start3A_344] : memref<5x125x64xf32, #tpu.memory_space<vmem>> -> memref<1x125x64xf32, #tpu.memory_space<vmem>>
      %dma_start3A_346 = tpu.memref_squeeze %dma_start3A_345 : memref<1x125x64xf32, #tpu.memory_space<vmem>> -> memref<125x64xf32, #tpu.memory_space<vmem>>
      %dma_start3A_347 = arith.constant 0 : i32
      %dma_start3A_348 = tpu.memref_slice %arg7[%add3A_324, %dma_start3A_347] : memref<160x125xi32, #tpu.memory_space<vmem>> -> memref<1x125xi32, #tpu.memory_space<vmem>>
      %dma_start3A_349 = tpu.memref_squeeze %dma_start3A_348 : memref<1x125xi32, #tpu.memory_space<vmem>> -> memref<125xi32, #tpu.memory_space<vmem>>
      %dma_start3A_350 = arith.constant 0 : i32
      %dma_start3A_351 = arith.constant 0 : i32
      %dma_start3A_352 = tpu.memref_slice %arg10[%dma_start3A_350, %dma_start3A_351] : memref<10240x64xf32, #tpu.memory_space<vmem_shared>> -> memref<10240x64xf32, #tpu.memory_space<vmem_shared>>
      %dma_start3A_353 = tpu.memref_slice %arg12[%dma_start3A_342] : memref<5x!tpu.dma_semaphore, #tpu.memory_space<semaphore_mem>> -> memref<1x!tpu.dma_semaphore, #tpu.memory_space<semaphore_mem>>
      %dma_start3A_354 = tpu.memref_squeeze %dma_start3A_353 : memref<1x!tpu.dma_semaphore, #tpu.memory_space<semaphore_mem>> -> memref<!tpu.dma_semaphore, #tpu.memory_space<semaphore_mem>>
      tpu.enqueue_indirect_dma source(%dma_start3A_346 : memref<125x64xf32, #tpu.memory_space<vmem>>) target(%dma_start3A_352 : memref<10240x64xf32, #tpu.memory_space<vmem_shared>>) offsets(%dma_start3A_349 : memref<125xi32, #tpu.memory_space<vmem>>) semaphore(%dma_start3A_354 : memref<!tpu.dma_semaphore, #tpu.memory_space<semaphore_mem>>) {add = true}
      %add3A_355 = arith.constant 5 : i32
      %add3A_356 = arith.addi %add3A_324, %add3A_355 : i32
      %sub3A_357 = arith.constant 1 : i32
      %sub3A_358 = arith.subi %add3A_356, %sub3A_357 : i32
      %lt3A_359 = arith.constant 160 : i32
      %lt3A_360 = arith.cmpi slt, %sub3A_358, %lt3A_359 : i32
      %convert_element_type3A_361 = arith.extui %lt3A_360 : i1 to i32
      %cond3A_362 = arith.constant 0 : i32
      %cond3A_363 = arith.cmpi ne, %convert_element_type3A_361, %cond3A_362 : i32
      scf.if %cond3A_363 {
        %ge3A = arith.constant 1 : i32
        %ge3A_405 = arith.cmpi sge, %add3A_324, %ge3A : i32
        %convert_element_type3A_406 = arith.extui %ge3A_405 : i1 to i32
        %cond3A_407 = arith.constant 0 : i32
        %cond3A_408 = arith.cmpi ne, %convert_element_type3A_406, %cond3A_407 : i32
        scf.if %cond3A_408 {
          %sub3A_429 = arith.constant 1 : i32
          %sub3A_430 = arith.subi %add3A_324, %sub3A_429 : i32
          %dma_wait3A_431 = arith.constant 2 : i32
          %dma_wait3A_432 = arith.constant 2 : i32
          %dma_wait3A_433 = arith.constant 0 : i32
          %dma_wait3A_434 = arith.constant 0 : i32
          %dma_wait3A_435 = tpu.memref_slice %arg8[%dma_wait3A_431, %dma_wait3A_433, %dma_wait3A_434] : memref<5x125x64xf32, #tpu.memory_space<vmem>> -> memref<1x125x64xf32, #tpu.memory_space<vmem>>
          %dma_wait3A_436 = tpu.memref_squeeze %dma_wait3A_435 : memref<1x125x64xf32, #tpu.memory_space<vmem>> -> memref<125x64xf32, #tpu.memory_space<vmem>>
          %dma_wait3A_437 = arith.constant 0 : i32
          %dma_wait3A_438 = tpu.memref_slice %arg7[%sub3A_430, %dma_wait3A_437] : memref<160x125xi32, #tpu.memory_space<vmem>> -> memref<1x125xi32, #tpu.memory_space<vmem>>
          %dma_wait3A_439 = tpu.memref_squeeze %dma_wait3A_438 : memref<1x125xi32, #tpu.memory_space<vmem>> -> memref<125xi32, #tpu.memory_space<vmem>>
          %dma_wait3A_440 = arith.constant 0 : i32
          %dma_wait3A_441 = arith.constant 0 : i32
          %dma_wait3A_442 = tpu.memref_slice %arg10[%dma_wait3A_440, %dma_wait3A_441] : memref<10240x64xf32, #tpu.memory_space<vmem_shared>> -> memref<10240x64xf32, #tpu.memory_space<vmem_shared>>
          %dma_wait3A_443 = tpu.memref_slice %arg12[%dma_wait3A_432] : memref<5x!tpu.dma_semaphore, #tpu.memory_space<semaphore_mem>> -> memref<1x!tpu.dma_semaphore, #tpu.memory_space<semaphore_mem>>
          %dma_wait3A_444 = tpu.memref_squeeze %dma_wait3A_443 : memref<1x!tpu.dma_semaphore, #tpu.memory_space<semaphore_mem>> -> memref<!tpu.dma_semaphore, #tpu.memory_space<semaphore_mem>>
          tpu.wait_indirect_dma semaphore(%dma_wait3A_444 : memref<!tpu.dma_semaphore, #tpu.memory_space<semaphore_mem>>) src(%dma_wait3A_436 : memref<125x64xf32, #tpu.memory_space<vmem>>) dst(%dma_wait3A_442 : memref<10240x64xf32, #tpu.memory_space<vmem_shared>>)
        } else {
        }
        %add3A_409 = arith.constant 5 : i32
        %add3A_410 = arith.addi %add3A_324, %add3A_409 : i32
        %sub3A_411 = arith.constant 1 : i32
        %sub3A_412 = arith.subi %add3A_410, %sub3A_411 : i32
        %dma_start3A_413 = arith.constant 2 : i32
        %dma_start3A_414 = arith.constant 2 : i32
        %dma_start3A_415 = arith.constant 0 : i32
        %dma_start3A_416 = arith.constant 0 : i32
        %dma_start3A_417 = tpu.memref_slice %arg8[%dma_start3A_413, %dma_start3A_415, %dma_start3A_416] : memref<5x125x64xf32, #tpu.memory_space<vmem>> -> memref<1x125x64xf32, #tpu.memory_space<vmem>>
        %dma_start3A_418 = tpu.memref_squeeze %dma_start3A_417 : memref<1x125x64xf32, #tpu.memory_space<vmem>> -> memref<125x64xf32, #tpu.memory_space<vmem>>
        %dma_start3A_419 = arith.constant 0 : i32
        %dma_start3A_420 = tpu.memref_slice %arg6[%sub3A_412, %dma_start3A_419] : memref<160x125xi32, #tpu.memory_space<vmem>> -> memref<1x125xi32, #tpu.memory_space<vmem>>
        %dma_start3A_421 = tpu.memref_squeeze %dma_start3A_420 : memref<1x125xi32, #tpu.memory_space<vmem>> -> memref<125xi32, #tpu.memory_space<vmem>>
        %dma_start3A_422 = arith.constant 0 : i32
        %dma_start3A_423 = tpu.memref_slice %arg2[%arg0, %dma_start3A_422] : memref<20000x64xf32, #tpu.memory_space<hbm>> -> memref<19999x64xf32, #tpu.memory_space<hbm>>
        %dma_start3A_424 = arith.constant 0 : i32
        %dma_start3A_425 = arith.constant 0 : i32
        %dma_start3A_426 = tpu.memref_slice %dma_start3A_423[%dma_start3A_424, %dma_start3A_425] : memref<19999x64xf32, #tpu.memory_space<hbm>> -> memref<19999x64xf32, #tpu.memory_space<hbm>>
        %dma_start3A_427 = tpu.memref_slice %arg11[%dma_start3A_414] : memref<5x!tpu.dma_semaphore, #tpu.memory_space<semaphore_mem>> -> memref<1x!tpu.dma_semaphore, #tpu.memory_space<semaphore_mem>>
        %dma_start3A_428 = tpu.memref_squeeze %dma_start3A_427 : memref<1x!tpu.dma_semaphore, #tpu.memory_space<semaphore_mem>> -> memref<!tpu.dma_semaphore, #tpu.memory_space<semaphore_mem>>
        tpu.enqueue_indirect_dma source(%dma_start3A_426 : memref<19999x64xf32, #tpu.memory_space<hbm>>) target(%dma_start3A_418 : memref<125x64xf32, #tpu.memory_space<vmem>>) offsets(%dma_start3A_421 : memref<125xi32, #tpu.memory_space<vmem>>) semaphore(%dma_start3A_428 : memref<!tpu.dma_semaphore, #tpu.memory_space<semaphore_mem>>)
      } else {
      }
      %add3A_364 = arith.constant 4 : i32
      %add3A_365 = arith.addi %mul3A_203, %add3A_364 : i32
      %dma_wait3A_366 = arith.constant 4 : i32
      %dma_wait3A_367 = arith.constant 4 : i32
      %dma_wait3A_368 = arith.constant 0 : i32
      %dma_wait3A_369 = arith.constant 0 : i32
      %dma_wait3A_370 = tpu.memref_slice %arg8[%dma_wait3A_366, %dma_wait3A_368, %dma_wait3A_369] : memref<5x125x64xf32, #tpu.memory_space<vmem>> -> memref<1x125x64xf32, #tpu.memory_space<vmem>>
      %dma_wait3A_371 = tpu.memref_squeeze %dma_wait3A_370 : memref<1x125x64xf32, #tpu.memory_space<vmem>> -> memref<125x64xf32, #tpu.memory_space<vmem>>
      %dma_wait3A_372 = arith.constant 0 : i32
      %dma_wait3A_373 = tpu.memref_slice %arg6[%add3A_365, %dma_wait3A_372] : memref<160x125xi32, #tpu.memory_space<vmem>> -> memref<1x125xi32, #tpu.memory_space<vmem>>
      %dma_wait3A_374 = tpu.memref_squeeze %dma_wait3A_373 : memref<1x125xi32, #tpu.memory_space<vmem>> -> memref<125xi32, #tpu.memory_space<vmem>>
      %dma_wait3A_375 = arith.constant 0 : i32
      %dma_wait3A_376 = tpu.memref_slice %arg2[%arg0, %dma_wait3A_375] : memref<20000x64xf32, #tpu.memory_space<hbm>> -> memref<19999x64xf32, #tpu.memory_space<hbm>>
      %dma_wait3A_377 = arith.constant 0 : i32
      %dma_wait3A_378 = arith.constant 0 : i32
      %dma_wait3A_379 = tpu.memref_slice %dma_wait3A_376[%dma_wait3A_377, %dma_wait3A_378] : memref<19999x64xf32, #tpu.memory_space<hbm>> -> memref<19999x64xf32, #tpu.memory_space<hbm>>
      %dma_wait3A_380 = tpu.memref_slice %arg11[%dma_wait3A_367] : memref<5x!tpu.dma_semaphore, #tpu.memory_space<semaphore_mem>> -> memref<1x!tpu.dma_semaphore, #tpu.memory_space<semaphore_mem>>
      %dma_wait3A_381 = tpu.memref_squeeze %dma_wait3A_380 : memref<1x!tpu.dma_semaphore, #tpu.memory_space<semaphore_mem>> -> memref<!tpu.dma_semaphore, #tpu.memory_space<semaphore_mem>>
      tpu.wait_indirect_dma semaphore(%dma_wait3A_381 : memref<!tpu.dma_semaphore, #tpu.memory_space<semaphore_mem>>) src(%dma_wait3A_379 : memref<19999x64xf32, #tpu.memory_space<hbm>>) dst(%dma_wait3A_371 : memref<125x64xf32, #tpu.memory_space<vmem>>)
      %dma_start3A_382 = arith.constant 4 : i32
      %dma_start3A_383 = arith.constant 4 : i32
      %dma_start3A_384 = arith.constant 0 : i32
      %dma_start3A_385 = arith.constant 0 : i32
      %dma_start3A_386 = tpu.memref_slice %arg8[%dma_start3A_382, %dma_start3A_384, %dma_start3A_385] : memref<5x125x64xf32, #tpu.memory_space<vmem>> -> memref<1x125x64xf32, #tpu.memory_space<vmem>>
      %dma_start3A_387 = tpu.memref_squeeze %dma_start3A_386 : memref<1x125x64xf32, #tpu.memory_space<vmem>> -> memref<125x64xf32, #tpu.memory_space<vmem>>
      %dma_start3A_388 = arith.constant 0 : i32
      %dma_start3A_389 = tpu.memref_slice %arg7[%add3A_365, %dma_start3A_388] : memref<160x125xi32, #tpu.memory_space<vmem>> -> memref<1x125xi32, #tpu.memory_space<vmem>>
      %dma_start3A_390 = tpu.memref_squeeze %dma_start3A_389 : memref<1x125xi32, #tpu.memory_space<vmem>> -> memref<125xi32, #tpu.memory_space<vmem>>
      %dma_start3A_391 = arith.constant 0 : i32
      %dma_start3A_392 = arith.constant 0 : i32
      %dma_start3A_393 = tpu.memref_slice %arg10[%dma_start3A_391, %dma_start3A_392] : memref<10240x64xf32, #tpu.memory_space<vmem_shared>> -> memref<10240x64xf32, #tpu.memory_space<vmem_shared>>
      %dma_start3A_394 = tpu.memref_slice %arg12[%dma_start3A_383] : memref<5x!tpu.dma_semaphore, #tpu.memory_space<semaphore_mem>> -> memref<1x!tpu.dma_semaphore, #tpu.memory_space<semaphore_mem>>
      %dma_start3A_395 = tpu.memref_squeeze %dma_start3A_394 : memref<1x!tpu.dma_semaphore, #tpu.memory_space<semaphore_mem>> -> memref<!tpu.dma_semaphore, #tpu.memory_space<semaphore_mem>>
      tpu.enqueue_indirect_dma source(%dma_start3A_387 : memref<125x64xf32, #tpu.memory_space<vmem>>) target(%dma_start3A_393 : memref<10240x64xf32, #tpu.memory_space<vmem_shared>>) offsets(%dma_start3A_390 : memref<125xi32, #tpu.memory_space<vmem>>) semaphore(%dma_start3A_395 : memref<!tpu.dma_semaphore, #tpu.memory_space<semaphore_mem>>) {add = true}
      %add3A_396 = arith.constant 5 : i32
      %add3A_397 = arith.addi %add3A_365, %add3A_396 : i32
      %sub3A_398 = arith.constant 1 : i32
      %sub3A_399 = arith.subi %add3A_397, %sub3A_398 : i32
      %lt3A_400 = arith.constant 160 : i32
      %lt3A_401 = arith.cmpi slt, %sub3A_399, %lt3A_400 : i32
      %convert_element_type3A_402 = arith.extui %lt3A_401 : i1 to i32
      %cond3A_403 = arith.constant 0 : i32
      %cond3A_404 = arith.cmpi ne, %convert_element_type3A_402, %cond3A_403 : i32
      scf.if %cond3A_404 {
        %ge3A = arith.constant 1 : i32
        %ge3A_405 = arith.cmpi sge, %add3A_365, %ge3A : i32
        %convert_element_type3A_406 = arith.extui %ge3A_405 : i1 to i32
        %cond3A_407 = arith.constant 0 : i32
        %cond3A_408 = arith.cmpi ne, %convert_element_type3A_406, %cond3A_407 : i32
        scf.if %cond3A_408 {
          %sub3A_429 = arith.constant 1 : i32
          %sub3A_430 = arith.subi %add3A_365, %sub3A_429 : i32
          %dma_wait3A_431 = arith.constant 3 : i32
          %dma_wait3A_432 = arith.constant 3 : i32
          %dma_wait3A_433 = arith.constant 0 : i32
          %dma_wait3A_434 = arith.constant 0 : i32
          %dma_wait3A_435 = tpu.memref_slice %arg8[%dma_wait3A_431, %dma_wait3A_433, %dma_wait3A_434] : memref<5x125x64xf32, #tpu.memory_space<vmem>> -> memref<1x125x64xf32, #tpu.memory_space<vmem>>
          %dma_wait3A_436 = tpu.memref_squeeze %dma_wait3A_435 : memref<1x125x64xf32, #tpu.memory_space<vmem>> -> memref<125x64xf32, #tpu.memory_space<vmem>>
          %dma_wait3A_437 = arith.constant 0 : i32
          %dma_wait3A_438 = tpu.memref_slice %arg7[%sub3A_430, %dma_wait3A_437] : memref<160x125xi32, #tpu.memory_space<vmem>> -> memref<1x125xi32, #tpu.memory_space<vmem>>
          %dma_wait3A_439 = tpu.memref_squeeze %dma_wait3A_438 : memref<1x125xi32, #tpu.memory_space<vmem>> -> memref<125xi32, #tpu.memory_space<vmem>>
          %dma_wait3A_440 = arith.constant 0 : i32
          %dma_wait3A_441 = arith.constant 0 : i32
          %dma_wait3A_442 = tpu.memref_slice %arg10[%dma_wait3A_440, %dma_wait3A_441] : memref<10240x64xf32, #tpu.memory_space<vmem_shared>> -> memref<10240x64xf32, #tpu.memory_space<vmem_shared>>
          %dma_wait3A_443 = tpu.memref_slice %arg12[%dma_wait3A_432] : memref<5x!tpu.dma_semaphore, #tpu.memory_space<semaphore_mem>> -> memref<1x!tpu.dma_semaphore, #tpu.memory_space<semaphore_mem>>
          %dma_wait3A_444 = tpu.memref_squeeze %dma_wait3A_443 : memref<1x!tpu.dma_semaphore, #tpu.memory_space<semaphore_mem>> -> memref<!tpu.dma_semaphore, #tpu.memory_space<semaphore_mem>>
          tpu.wait_indirect_dma semaphore(%dma_wait3A_444 : memref<!tpu.dma_semaphore, #tpu.memory_space<semaphore_mem>>) src(%dma_wait3A_436 : memref<125x64xf32, #tpu.memory_space<vmem>>) dst(%dma_wait3A_442 : memref<10240x64xf32, #tpu.memory_space<vmem_shared>>)
        } else {
        }
        %add3A_409 = arith.constant 5 : i32
        %add3A_410 = arith.addi %add3A_365, %add3A_409 : i32
        %sub3A_411 = arith.constant 1 : i32
        %sub3A_412 = arith.subi %add3A_410, %sub3A_411 : i32
        %dma_start3A_413 = arith.constant 3 : i32
        %dma_start3A_414 = arith.constant 3 : i32
        %dma_start3A_415 = arith.constant 0 : i32
        %dma_start3A_416 = arith.constant 0 : i32
        %dma_start3A_417 = tpu.memref_slice %arg8[%dma_start3A_413, %dma_start3A_415, %dma_start3A_416] : memref<5x125x64xf32, #tpu.memory_space<vmem>> -> memref<1x125x64xf32, #tpu.memory_space<vmem>>
        %dma_start3A_418 = tpu.memref_squeeze %dma_start3A_417 : memref<1x125x64xf32, #tpu.memory_space<vmem>> -> memref<125x64xf32, #tpu.memory_space<vmem>>
        %dma_start3A_419 = arith.constant 0 : i32
        %dma_start3A_420 = tpu.memref_slice %arg6[%sub3A_412, %dma_start3A_419] : memref<160x125xi32, #tpu.memory_space<vmem>> -> memref<1x125xi32, #tpu.memory_space<vmem>>
        %dma_start3A_421 = tpu.memref_squeeze %dma_start3A_420 : memref<1x125xi32, #tpu.memory_space<vmem>> -> memref<125xi32, #tpu.memory_space<vmem>>
        %dma_start3A_422 = arith.constant 0 : i32
        %dma_start3A_423 = tpu.memref_slice %arg2[%arg0, %dma_start3A_422] : memref<20000x64xf32, #tpu.memory_space<hbm>> -> memref<19999x64xf32, #tpu.memory_space<hbm>>
        %dma_start3A_424 = arith.constant 0 : i32
        %dma_start3A_425 = arith.constant 0 : i32
        %dma_start3A_426 = tpu.memref_slice %dma_start3A_423[%dma_start3A_424, %dma_start3A_425] : memref<19999x64xf32, #tpu.memory_space<hbm>> -> memref<19999x64xf32, #tpu.memory_space<hbm>>
        %dma_start3A_427 = tpu.memref_slice %arg11[%dma_start3A_414] : memref<5x!tpu.dma_semaphore, #tpu.memory_space<semaphore_mem>> -> memref<1x!tpu.dma_semaphore, #tpu.memory_space<semaphore_mem>>
        %dma_start3A_428 = tpu.memref_squeeze %dma_start3A_427 : memref<1x!tpu.dma_semaphore, #tpu.memory_space<semaphore_mem>> -> memref<!tpu.dma_semaphore, #tpu.memory_space<semaphore_mem>>
        tpu.enqueue_indirect_dma source(%dma_start3A_426 : memref<19999x64xf32, #tpu.memory_space<hbm>>) target(%dma_start3A_418 : memref<125x64xf32, #tpu.memory_space<vmem>>) offsets(%dma_start3A_421 : memref<125xi32, #tpu.memory_space<vmem>>) semaphore(%dma_start3A_428 : memref<!tpu.dma_semaphore, #tpu.memory_space<semaphore_mem>>)
      } else {
      }
    }
    %scan3A_95 = arith.constant 32 : i32
    %dma_wait3A = arith.constant 0 : i32
    %dma_wait3A_96 = arith.constant 155 : i32
    %dma_wait3A_97 = arith.constant 0 : i32
    %dma_wait3A_98 = arith.constant 0 : i32
    %dma_wait3A_99 = arith.constant 0 : i32
    %dma_wait3A_100 = tpu.memref_slice %arg8[%dma_wait3A, %dma_wait3A_98, %dma_wait3A_99] : memref<5x125x64xf32, #tpu.memory_space<vmem>> -> memref<1x125x64xf32, #tpu.memory_space<vmem>>
    %dma_wait3A_101 = tpu.memref_squeeze %dma_wait3A_100 : memref<1x125x64xf32, #tpu.memory_space<vmem>> -> memref<125x64xf32, #tpu.memory_space<vmem>>
    %dma_wait3A_102 = arith.constant 0 : i32
    %dma_wait3A_103 = tpu.memref_slice %arg7[%dma_wait3A_96, %dma_wait3A_102] : memref<160x125xi32, #tpu.memory_space<vmem>> -> memref<1x125xi32, #tpu.memory_space<vmem>>
    %dma_wait3A_104 = tpu.memref_squeeze %dma_wait3A_103 : memref<1x125xi32, #tpu.memory_space<vmem>> -> memref<125xi32, #tpu.memory_space<vmem>>
    %dma_wait3A_105 = arith.constant 0 : i32
    %dma_wait3A_106 = arith.constant 0 : i32
    %dma_wait3A_107 = tpu.memref_slice %arg10[%dma_wait3A_105, %dma_wait3A_106] : memref<10240x64xf32, #tpu.memory_space<vmem_shared>> -> memref<10240x64xf32, #tpu.memory_space<vmem_shared>>
    %dma_wait3A_108 = tpu.memref_slice %arg12[%dma_wait3A_97] : memref<5x!tpu.dma_semaphore, #tpu.memory_space<semaphore_mem>> -> memref<1x!tpu.dma_semaphore, #tpu.memory_space<semaphore_mem>>
    %dma_wait3A_109 = tpu.memref_squeeze %dma_wait3A_108 : memref<1x!tpu.dma_semaphore, #tpu.memory_space<semaphore_mem>> -> memref<!tpu.dma_semaphore, #tpu.memory_space<semaphore_mem>>
    tpu.wait_indirect_dma semaphore(%dma_wait3A_109 : memref<!tpu.dma_semaphore, #tpu.memory_space<semaphore_mem>>) src(%dma_wait3A_101 : memref<125x64xf32, #tpu.memory_space<vmem>>) dst(%dma_wait3A_107 : memref<10240x64xf32, #tpu.memory_space<vmem_shared>>)
    %dma_wait3A_110 = arith.constant 1 : i32
    %dma_wait3A_111 = arith.constant 156 : i32
    %dma_wait3A_112 = arith.constant 1 : i32
    %dma_wait3A_113 = arith.constant 0 : i32
    %dma_wait3A_114 = arith.constant 0 : i32
    %dma_wait3A_115 = tpu.memref_slice %arg8[%dma_wait3A_110, %dma_wait3A_113, %dma_wait3A_114] : memref<5x125x64xf32, #tpu.memory_space<vmem>> -> memref<1x125x64xf32, #tpu.memory_space<vmem>>
    %dma_wait3A_116 = tpu.memref_squeeze %dma_wait3A_115 : memref<1x125x64xf32, #tpu.memory_space<vmem>> -> memref<125x64xf32, #tpu.memory_space<vmem>>
    %dma_wait3A_117 = arith.constant 0 : i32
    %dma_wait3A_118 = tpu.memref_slice %arg7[%dma_wait3A_111, %dma_wait3A_117] : memref<160x125xi32, #tpu.memory_space<vmem>> -> memref<1x125xi32, #tpu.memory_space<vmem>>
    %dma_wait3A_119 = tpu.memref_squeeze %dma_wait3A_118 : memref<1x125xi32, #tpu.memory_space<vmem>> -> memref<125xi32, #tpu.memory_space<vmem>>
    %dma_wait3A_120 = arith.constant 0 : i32
    %dma_wait3A_121 = arith.constant 0 : i32
    %dma_wait3A_122 = tpu.memref_slice %arg10[%dma_wait3A_120, %dma_wait3A_121] : memref<10240x64xf32, #tpu.memory_space<vmem_shared>> -> memref<10240x64xf32, #tpu.memory_space<vmem_shared>>
    %dma_wait3A_123 = tpu.memref_slice %arg12[%dma_wait3A_112] : memref<5x!tpu.dma_semaphore, #tpu.memory_space<semaphore_mem>> -> memref<1x!tpu.dma_semaphore, #tpu.memory_space<semaphore_mem>>
    %dma_wait3A_124 = tpu.memref_squeeze %dma_wait3A_123 : memref<1x!tpu.dma_semaphore, #tpu.memory_space<semaphore_mem>> -> memref<!tpu.dma_semaphore, #tpu.memory_space<semaphore_mem>>
    tpu.wait_indirect_dma semaphore(%dma_wait3A_124 : memref<!tpu.dma_semaphore, #tpu.memory_space<semaphore_mem>>) src(%dma_wait3A_116 : memref<125x64xf32, #tpu.memory_space<vmem>>) dst(%dma_wait3A_122 : memref<10240x64xf32, #tpu.memory_space<vmem_shared>>)
    %dma_wait3A_125 = arith.constant 2 : i32
    %dma_wait3A_126 = arith.constant 157 : i32
    %dma_wait3A_127 = arith.constant 2 : i32
    %dma_wait3A_128 = arith.constant 0 : i32
    %dma_wait3A_129 = arith.constant 0 : i32
    %dma_wait3A_130 = tpu.memref_slice %arg8[%dma_wait3A_125, %dma_wait3A_128, %dma_wait3A_129] : memref<5x125x64xf32, #tpu.memory_space<vmem>> -> memref<1x125x64xf32, #tpu.memory_space<vmem>>
    %dma_wait3A_131 = tpu.memref_squeeze %dma_wait3A_130 : memref<1x125x64xf32, #tpu.memory_space<vmem>> -> memref<125x64xf32, #tpu.memory_space<vmem>>
    %dma_wait3A_132 = arith.constant 0 : i32
    %dma_wait3A_133 = tpu.memref_slice %arg7[%dma_wait3A_126, %dma_wait3A_132] : memref<160x125xi32, #tpu.memory_space<vmem>> -> memref<1x125xi32, #tpu.memory_space<vmem>>
    %dma_wait3A_134 = tpu.memref_squeeze %dma_wait3A_133 : memref<1x125xi32, #tpu.memory_space<vmem>> -> memref<125xi32, #tpu.memory_space<vmem>>
    %dma_wait3A_135 = arith.constant 0 : i32
    %dma_wait3A_136 = arith.constant 0 : i32
    %dma_wait3A_137 = tpu.memref_slice %arg10[%dma_wait3A_135, %dma_wait3A_136] : memref<10240x64xf32, #tpu.memory_space<vmem_shared>> -> memref<10240x64xf32, #tpu.memory_space<vmem_shared>>
    %dma_wait3A_138 = tpu.memref_slice %arg12[%dma_wait3A_127] : memref<5x!tpu.dma_semaphore, #tpu.memory_space<semaphore_mem>> -> memref<1x!tpu.dma_semaphore, #tpu.memory_space<semaphore_mem>>
    %dma_wait3A_139 = tpu.memref_squeeze %dma_wait3A_138 : memref<1x!tpu.dma_semaphore, #tpu.memory_space<semaphore_mem>> -> memref<!tpu.dma_semaphore, #tpu.memory_space<semaphore_mem>>
    tpu.wait_indirect_dma semaphore(%dma_wait3A_139 : memref<!tpu.dma_semaphore, #tpu.memory_space<semaphore_mem>>) src(%dma_wait3A_131 : memref<125x64xf32, #tpu.memory_space<vmem>>) dst(%dma_wait3A_137 : memref<10240x64xf32, #tpu.memory_space<vmem_shared>>)
    %dma_wait3A_140 = arith.constant 3 : i32
    %dma_wait3A_141 = arith.constant 158 : i32
    %dma_wait3A_142 = arith.constant 3 : i32
    %dma_wait3A_143 = arith.constant 0 : i32
    %dma_wait3A_144 = arith.constant 0 : i32
    %dma_wait3A_145 = tpu.memref_slice %arg8[%dma_wait3A_140, %dma_wait3A_143, %dma_wait3A_144] : memref<5x125x64xf32, #tpu.memory_space<vmem>> -> memref<1x125x64xf32, #tpu.memory_space<vmem>>
    %dma_wait3A_146 = tpu.memref_squeeze %dma_wait3A_145 : memref<1x125x64xf32, #tpu.memory_space<vmem>> -> memref<125x64xf32, #tpu.memory_space<vmem>>
    %dma_wait3A_147 = arith.constant 0 : i32
    %dma_wait3A_148 = tpu.memref_slice %arg7[%dma_wait3A_141, %dma_wait3A_147] : memref<160x125xi32, #tpu.memory_space<vmem>> -> memref<1x125xi32, #tpu.memory_space<vmem>>
    %dma_wait3A_149 = tpu.memref_squeeze %dma_wait3A_148 : memref<1x125xi32, #tpu.memory_space<vmem>> -> memref<125xi32, #tpu.memory_space<vmem>>
    %dma_wait3A_150 = arith.constant 0 : i32
    %dma_wait3A_151 = arith.constant 0 : i32
    %dma_wait3A_152 = tpu.memref_slice %arg10[%dma_wait3A_150, %dma_wait3A_151] : memref<10240x64xf32, #tpu.memory_space<vmem_shared>> -> memref<10240x64xf32, #tpu.memory_space<vmem_shared>>
    %dma_wait3A_153 = tpu.memref_slice %arg12[%dma_wait3A_142] : memref<5x!tpu.dma_semaphore, #tpu.memory_space<semaphore_mem>> -> memref<1x!tpu.dma_semaphore, #tpu.memory_space<semaphore_mem>>
    %dma_wait3A_154 = tpu.memref_squeeze %dma_wait3A_153 : memref<1x!tpu.dma_semaphore, #tpu.memory_space<semaphore_mem>> -> memref<!tpu.dma_semaphore, #tpu.memory_space<semaphore_mem>>
    tpu.wait_indirect_dma semaphore(%dma_wait3A_154 : memref<!tpu.dma_semaphore, #tpu.memory_space<semaphore_mem>>) src(%dma_wait3A_146 : memref<125x64xf32, #tpu.memory_space<vmem>>) dst(%dma_wait3A_152 : memref<10240x64xf32, #tpu.memory_space<vmem_shared>>)
    %dma_wait3A_155 = arith.constant 4 : i32
    %dma_wait3A_156 = arith.constant 159 : i32
    %dma_wait3A_157 = arith.constant 4 : i32
    %dma_wait3A_158 = arith.constant 0 : i32
    %dma_wait3A_159 = arith.constant 0 : i32
    %dma_wait3A_160 = tpu.memref_slice %arg8[%dma_wait3A_155, %dma_wait3A_158, %dma_wait3A_159] : memref<5x125x64xf32, #tpu.memory_space<vmem>> -> memref<1x125x64xf32, #tpu.memory_space<vmem>>
    %dma_wait3A_161 = tpu.memref_squeeze %dma_wait3A_160 : memref<1x125x64xf32, #tpu.memory_space<vmem>> -> memref<125x64xf32, #tpu.memory_space<vmem>>
    %dma_wait3A_162 = arith.constant 0 : i32
    %dma_wait3A_163 = tpu.memref_slice %arg7[%dma_wait3A_156, %dma_wait3A_162] : memref<160x125xi32, #tpu.memory_space<vmem>> -> memref<1x125xi32, #tpu.memory_space<vmem>>
    %dma_wait3A_164 = tpu.memref_squeeze %dma_wait3A_163 : memref<1x125xi32, #tpu.memory_space<vmem>> -> memref<125xi32, #tpu.memory_space<vmem>>
    %dma_wait3A_165 = arith.constant 0 : i32
    %dma_wait3A_166 = arith.constant 0 : i32
    %dma_wait3A_167 = tpu.memref_slice %arg10[%dma_wait3A_165, %dma_wait3A_166] : memref<10240x64xf32, #tpu.memory_space<vmem_shared>> -> memref<10240x64xf32, #tpu.memory_space<vmem_shared>>
    %dma_wait3A_168 = tpu.memref_slice %arg12[%dma_wait3A_157] : memref<5x!tpu.dma_semaphore, #tpu.memory_space<semaphore_mem>> -> memref<1x!tpu.dma_semaphore, #tpu.memory_space<semaphore_mem>>
    %dma_wait3A_169 = tpu.memref_squeeze %dma_wait3A_168 : memref<1x!tpu.dma_semaphore, #tpu.memory_space<semaphore_mem>> -> memref<!tpu.dma_semaphore, #tpu.memory_space<semaphore_mem>>
    tpu.wait_indirect_dma semaphore(%dma_wait3A_169 : memref<!tpu.dma_semaphore, #tpu.memory_space<semaphore_mem>>) src(%dma_wait3A_161 : memref<125x64xf32, #tpu.memory_space<vmem>>) dst(%dma_wait3A_167 : memref<10240x64xf32, #tpu.memory_space<vmem_shared>>)
    %barrier3A_170 = arith.constant 0 : index
    tpu.barrier barrier_id(%barrier3A_170)
    %mul3A_171 = arith.constant 640 : i32
    %mul3A_172 = arith.muli %arg1, %mul3A_171 : i32
    %add3A_173 = arith.constant 0 : i32
    %add3A_174 = arith.addi %mul3A_172, %add3A_173 : i32
    %mul3A_175 = arith.constant 64 : i32
    %mul3A_176 = arith.muli %arg0, %mul3A_175 : i32
    "tpu.region"() ({
      %run_scoped3A = tpu.sem_alloc : memref<!tpu.dma_semaphore, #tpu.memory_space<semaphore_mem>>
      %dma_start3A_201 = tpu.memref_slice %arg5[%add3A_174, %mul3A_176] : memref<10240x128xf32, #tpu.memory_space<hbm>> -> memref<128x64xf32, #tpu.memory_space<hbm>>
      %dma_start3A_202 = arith.constant 0 : i32
      %dma_start3A_203 = tpu.memref_slice %arg10[%add3A_174, %dma_start3A_202] : memref<10240x64xf32, #tpu.memory_space<vmem_shared>> -> memref<128x64xf32, #tpu.memory_space<vmem_shared>>
      tpu.enqueue_dma source(%dma_start3A_203 : memref<128x64xf32, #tpu.memory_space<vmem_shared>>) target(%dma_start3A_201 : memref<128x64xf32, #tpu.memory_space<hbm>>) target_semaphore(%run_scoped3A : memref<!tpu.dma_semaphore, #tpu.memory_space<semaphore_mem>>)
      %dma_wait3A_204 = tpu.memref_slice %arg5[%add3A_174, %mul3A_176] : memref<10240x128xf32, #tpu.memory_space<hbm>> -> memref<128x64xf32, #tpu.memory_space<hbm>>
      %dma_wait3A_205 = arith.constant 0 : i32
      %dma_wait3A_206 = tpu.memref_slice %arg10[%add3A_174, %dma_wait3A_205] : memref<10240x64xf32, #tpu.memory_space<vmem_shared>> -> memref<128x64xf32, #tpu.memory_space<vmem_shared>>
      tpu.wait_dma2 semaphore(%run_scoped3A : memref<!tpu.dma_semaphore, #tpu.memory_space<semaphore_mem>>) src(%dma_wait3A_206 : memref<128x64xf32, #tpu.memory_space<vmem_shared>>) dst(%dma_wait3A_204 : memref<128x64xf32, #tpu.memory_space<hbm>>)
      tpu.yield
    }) : () -> ()
    %mul3A_177 = arith.constant 640 : i32
    %mul3A_178 = arith.muli %arg1, %mul3A_177 : i32
    %add3A_179 = arith.constant 128 : i32
    %add3A_180 = arith.addi %mul3A_178, %add3A_179 : i32
    %mul3A_181 = arith.constant 64 : i32
    %mul3A_182 = arith.muli %arg0, %mul3A_181 : i32
    "tpu.region"() ({
      %run_scoped3A = tpu.sem_alloc : memref<!tpu.dma_semaphore, #tpu.memory_space<semaphore_mem>>
      %dma_start3A_201 = tpu.memref_slice %arg5[%add3A_180, %mul3A_182] : memref<10240x128xf32, #tpu.memory_space<hbm>> -> memref<128x64xf32, #tpu.memory_space<hbm>>
      %dma_start3A_202 = arith.constant 0 : i32
      %dma_start3A_203 = tpu.memref_slice %arg10[%add3A_180, %dma_start3A_202] : memref<10240x64xf32, #tpu.memory_space<vmem_shared>> -> memref<128x64xf32, #tpu.memory_space<vmem_shared>>
      tpu.enqueue_dma source(%dma_start3A_203 : memref<128x64xf32, #tpu.memory_space<vmem_shared>>) target(%dma_start3A_201 : memref<128x64xf32, #tpu.memory_space<hbm>>) target_semaphore(%run_scoped3A : memref<!tpu.dma_semaphore, #tpu.memory_space<semaphore_mem>>)
      %dma_wait3A_204 = tpu.memref_slice %arg5[%add3A_180, %mul3A_182] : memref<10240x128xf32, #tpu.memory_space<hbm>> -> memref<128x64xf32, #tpu.memory_space<hbm>>
      %dma_wait3A_205 = arith.constant 0 : i32
      %dma_wait3A_206 = tpu.memref_slice %arg10[%add3A_180, %dma_wait3A_205] : memref<10240x64xf32, #tpu.memory_space<vmem_shared>> -> memref<128x64xf32, #tpu.memory_space<vmem_shared>>
      tpu.wait_dma2 semaphore(%run_scoped3A : memref<!tpu.dma_semaphore, #tpu.memory_space<semaphore_mem>>) src(%dma_wait3A_206 : memref<128x64xf32, #tpu.memory_space<vmem_shared>>) dst(%dma_wait3A_204 : memref<128x64xf32, #tpu.memory_space<hbm>>)
      tpu.yield
    }) : () -> ()
    %mul3A_183 = arith.constant 640 : i32
    %mul3A_184 = arith.muli %arg1, %mul3A_183 : i32
    %add3A_185 = arith.constant 256 : i32
    %add3A_186 = arith.addi %mul3A_184, %add3A_185 : i32
    %mul3A_187 = arith.constant 64 : i32
    %mul3A_188 = arith.muli %arg0, %mul3A_187 : i32
    "tpu.region"() ({
      %run_scoped3A = tpu.sem_alloc : memref<!tpu.dma_semaphore, #tpu.memory_space<semaphore_mem>>
      %dma_start3A_201 = tpu.memref_slice %arg5[%add3A_186, %mul3A_188] : memref<10240x128xf32, #tpu.memory_space<hbm>> -> memref<128x64xf32, #tpu.memory_space<hbm>>
      %dma_start3A_202 = arith.constant 0 : i32
      %dma_start3A_203 = tpu.memref_slice %arg10[%add3A_186, %dma_start3A_202] : memref<10240x64xf32, #tpu.memory_space<vmem_shared>> -> memref<128x64xf32, #tpu.memory_space<vmem_shared>>
      tpu.enqueue_dma source(%dma_start3A_203 : memref<128x64xf32, #tpu.memory_space<vmem_shared>>) target(%dma_start3A_201 : memref<128x64xf32, #tpu.memory_space<hbm>>) target_semaphore(%run_scoped3A : memref<!tpu.dma_semaphore, #tpu.memory_space<semaphore_mem>>)
      %dma_wait3A_204 = tpu.memref_slice %arg5[%add3A_186, %mul3A_188] : memref<10240x128xf32, #tpu.memory_space<hbm>> -> memref<128x64xf32, #tpu.memory_space<hbm>>
      %dma_wait3A_205 = arith.constant 0 : i32
      %dma_wait3A_206 = tpu.memref_slice %arg10[%add3A_186, %dma_wait3A_205] : memref<10240x64xf32, #tpu.memory_space<vmem_shared>> -> memref<128x64xf32, #tpu.memory_space<vmem_shared>>
      tpu.wait_dma2 semaphore(%run_scoped3A : memref<!tpu.dma_semaphore, #tpu.memory_space<semaphore_mem>>) src(%dma_wait3A_206 : memref<128x64xf32, #tpu.memory_space<vmem_shared>>) dst(%dma_wait3A_204 : memref<128x64xf32, #tpu.memory_space<hbm>>)
      tpu.yield
    }) : () -> ()
    %mul3A_189 = arith.constant 640 : i32
    %mul3A_190 = arith.muli %arg1, %mul3A_189 : i32
    %add3A_191 = arith.constant 384 : i32
    %add3A_192 = arith.addi %mul3A_190, %add3A_191 : i32
    %mul3A_193 = arith.constant 64 : i32
    %mul3A_194 = arith.muli %arg0, %mul3A_193 : i32
    "tpu.region"() ({
      %run_scoped3A = tpu.sem_alloc : memref<!tpu.dma_semaphore, #tpu.memory_space<semaphore_mem>>
      %dma_start3A_201 = tpu.memref_slice %arg5[%add3A_192, %mul3A_194] : memref<10240x128xf32, #tpu.memory_space<hbm>> -> memref<128x64xf32, #tpu.memory_space<hbm>>
      %dma_start3A_202 = arith.constant 0 : i32
      %dma_start3A_203 = tpu.memref_slice %arg10[%add3A_192, %dma_start3A_202] : memref<10240x64xf32, #tpu.memory_space<vmem_shared>> -> memref<128x64xf32, #tpu.memory_space<vmem_shared>>
      tpu.enqueue_dma source(%dma_start3A_203 : memref<128x64xf32, #tpu.memory_space<vmem_shared>>) target(%dma_start3A_201 : memref<128x64xf32, #tpu.memory_space<hbm>>) target_semaphore(%run_scoped3A : memref<!tpu.dma_semaphore, #tpu.memory_space<semaphore_mem>>)
      %dma_wait3A_204 = tpu.memref_slice %arg5[%add3A_192, %mul3A_194] : memref<10240x128xf32, #tpu.memory_space<hbm>> -> memref<128x64xf32, #tpu.memory_space<hbm>>
      %dma_wait3A_205 = arith.constant 0 : i32
      %dma_wait3A_206 = tpu.memref_slice %arg10[%add3A_192, %dma_wait3A_205] : memref<10240x64xf32, #tpu.memory_space<vmem_shared>> -> memref<128x64xf32, #tpu.memory_space<vmem_shared>>
      tpu.wait_dma2 semaphore(%run_scoped3A : memref<!tpu.dma_semaphore, #tpu.memory_space<semaphore_mem>>) src(%dma_wait3A_206 : memref<128x64xf32, #tpu.memory_space<vmem_shared>>) dst(%dma_wait3A_204 : memref<128x64xf32, #tpu.memory_space<hbm>>)
      tpu.yield
    }) : () -> ()
    %mul3A_195 = arith.constant 640 : i32
    %mul3A_196 = arith.muli %arg1, %mul3A_195 : i32
    %add3A_197 = arith.constant 512 : i32
    %add3A_198 = arith.addi %mul3A_196, %add3A_197 : i32
    %mul3A_199 = arith.constant 64 : i32
    %mul3A_200 = arith.muli %arg0, %mul3A_199 : i32
    "tpu.region"() ({
      %run_scoped3A = tpu.sem_alloc : memref<!tpu.dma_semaphore, #tpu.memory_space<semaphore_mem>>
      %dma_start3A_201 = tpu.memref_slice %arg5[%add3A_198, %mul3A_200] : memref<10240x128xf32, #tpu.memory_space<hbm>> -> memref<128x64xf32, #tpu.memory_space<hbm>>
      %dma_start3A_202 = arith.constant 0 : i32
      %dma_start3A_203 = tpu.memref_slice %arg10[%add3A_198, %dma_start3A_202] : memref<10240x64xf32, #tpu.memory_space<vmem_shared>> -> memref<128x64xf32, #tpu.memory_space<vmem_shared>>
      tpu.enqueue_dma source(%dma_start3A_203 : memref<128x64xf32, #tpu.memory_space<vmem_shared>>) target(%dma_start3A_201 : memref<128x64xf32, #tpu.memory_space<hbm>>) target_semaphore(%run_scoped3A : memref<!tpu.dma_semaphore, #tpu.memory_space<semaphore_mem>>)
      %dma_wait3A_204 = tpu.memref_slice %arg5[%add3A_198, %mul3A_200] : memref<10240x128xf32, #tpu.memory_space<hbm>> -> memref<128x64xf32, #tpu.memory_space<hbm>>
      %dma_wait3A_205 = arith.constant 0 : i32
      %dma_wait3A_206 = tpu.memref_slice %arg10[%add3A_198, %dma_wait3A_205] : memref<10240x64xf32, #tpu.memory_space<vmem_shared>> -> memref<128x64xf32, #tpu.memory_space<vmem_shared>>
      tpu.wait_dma2 semaphore(%run_scoped3A : memref<!tpu.dma_semaphore, #tpu.memory_space<semaphore_mem>>) src(%dma_wait3A_206 : memref<128x64xf32, #tpu.memory_space<vmem_shared>>) dst(%dma_wait3A_204 : memref<128x64xf32, #tpu.memory_space<hbm>>)
      tpu.yield
    }) : () -> ()
    return
  }
}

#map = affine_map<(d0, d1) -> (0, 0)>
#map1 = affine_map<(d0, d1) -> (0, 0, 0)>
module attributes {stable_mosaic.version = 14 : i64} {
  func.func @_sc_agg_body(%arg0: i32, %arg1: i32, %arg2: memref<20000x64xf32, #tpu.memory_space<hbm>>, %arg3: memref<16x160x125xi32, #tpu.memory_space<hbm>>, %arg4: memref<16x160x125xi32, #tpu.memory_space<hbm>>, %arg5: memref<10240x128xf32, #tpu.memory_space<hbm>>, %arg6: memref<160x125xi32, #tpu.memory_space<vmem>>, %arg7: memref<160x125xi32, #tpu.memory_space<vmem>>, %arg8: memref<5x125x64xf32, #tpu.memory_space<vmem>>, %arg9: memref<128x64xf32, #tpu.memory_space<vmem>>, %arg10: memref<10240x64xf32, #tpu.memory_space<vmem_shared>>, %arg11: memref<5x!tpu.dma_semaphore, #tpu.memory_space<semaphore_mem>>, %arg12: memref<5x!tpu.dma_semaphore, #tpu.memory_space<semaphore_mem>>) attributes {dimension_semantics = [#tpu.dimension_semantics<core_parallel>, #tpu.dimension_semantics<subcore_parallel>], iteration_bounds = array<i64: 2, 16>, scalar_prefetch = 0 : i64, scratch_operands = 7 : i64, tpu.core_type = #tpu.core_type<sc_vector_subcore>, window_params = [{transform_indices = #map}, {transform_indices = #map1}, {transform_indices = #map1}, {transform_indices = #map}]} {
    "tpu.region"() ({
      %run_scoped3A = tpu.sem_alloc : memref<!tpu.dma_semaphore, #tpu.memory_space<semaphore_mem>>
      %dma_start3A_201 = arith.constant 0 : i32
      %dma_start3A_202 = arith.constant 0 : i32
      %dma_start3A_203 = tpu.memref_slice %arg3[%arg1, %dma_start3A_201, %dma_start3A_202] : memref<16x160x125xi32, #tpu.memory_space<hbm>> -> memref<1x160x125xi32, #tpu.memory_space<hbm>>
      %dma_start3A_204 = tpu.memref_squeeze %dma_start3A_203 : memref<1x160x125xi32, #tpu.memory_space<hbm>> -> memref<160x125xi32, #tpu.memory_space<hbm>>
      %dma_start3A_205 = arith.constant 0 : i32
      %dma_start3A_206 = arith.constant 0 : i32
      %dma_start3A_207 = tpu.memref_slice %arg3[%arg1, %dma_start3A_205, %dma_start3A_206] : memref<16x160x125xi32, #tpu.memory_space<hbm>> -> memref<1x160x125xi32, #tpu.memory_space<hbm>>
      %dma_start3A_208 = tpu.memref_squeeze %dma_start3A_207 : memref<1x160x125xi32, #tpu.memory_space<hbm>> -> memref<160x125xi32, #tpu.memory_space<hbm>>
      tpu.enqueue_dma source(%dma_start3A_208 : memref<160x125xi32, #tpu.memory_space<hbm>>) target(%arg6 : memref<160x125xi32, #tpu.memory_space<vmem>>) target_semaphore(%run_scoped3A : memref<!tpu.dma_semaphore, #tpu.memory_space<semaphore_mem>>)
      %dma_wait3A_209 = arith.constant 0 : i32
      %dma_wait3A_210 = arith.constant 0 : i32
      %dma_wait3A_211 = tpu.memref_slice %arg3[%arg1, %dma_wait3A_209, %dma_wait3A_210] : memref<16x160x125xi32, #tpu.memory_space<hbm>> -> memref<1x160x125xi32, #tpu.memory_space<hbm>>
      %dma_wait3A_212 = tpu.memref_squeeze %dma_wait3A_211 : memref<1x160x125xi32, #tpu.memory_space<hbm>> -> memref<160x125xi32, #tpu.memory_space<hbm>>
      %dma_wait3A_213 = arith.constant 0 : i32
      %dma_wait3A_214 = arith.constant 0 : i32
      %dma_wait3A_215 = tpu.memref_slice %arg3[%arg1, %dma_wait3A_213, %dma_wait3A_214] : memref<16x160x125xi32, #tpu.memory_space<hbm>> -> memref<1x160x125xi32, #tpu.memory_space<hbm>>
      %dma_wait3A_216 = tpu.memref_squeeze %dma_wait3A_215 : memref<1x160x125xi32, #tpu.memory_space<hbm>> -> memref<160x125xi32, #tpu.memory_space<hbm>>
      tpu.wait_dma2 semaphore(%run_scoped3A : memref<!tpu.dma_semaphore, #tpu.memory_space<semaphore_mem>>) src(%dma_wait3A_216 : memref<160x125xi32, #tpu.memory_space<hbm>>) dst(%arg6 : memref<160x125xi32, #tpu.memory_space<vmem>>)
      tpu.yield
    }) : () -> ()
    "tpu.region"() ({
      %run_scoped3A = tpu.sem_alloc : memref<!tpu.dma_semaphore, #tpu.memory_space<semaphore_mem>>
      %dma_start3A_201 = arith.constant 0 : i32
      %dma_start3A_202 = arith.constant 0 : i32
      %dma_start3A_203 = tpu.memref_slice %arg4[%arg1, %dma_start3A_201, %dma_start3A_202] : memref<16x160x125xi32, #tpu.memory_space<hbm>> -> memref<1x160x125xi32, #tpu.memory_space<hbm>>
      %dma_start3A_204 = tpu.memref_squeeze %dma_start3A_203 : memref<1x160x125xi32, #tpu.memory_space<hbm>> -> memref<160x125xi32, #tpu.memory_space<hbm>>
      %dma_start3A_205 = arith.constant 0 : i32
      %dma_start3A_206 = arith.constant 0 : i32
      %dma_start3A_207 = tpu.memref_slice %arg4[%arg1, %dma_start3A_205, %dma_start3A_206] : memref<16x160x125xi32, #tpu.memory_space<hbm>> -> memref<1x160x125xi32, #tpu.memory_space<hbm>>
      %dma_start3A_208 = tpu.memref_squeeze %dma_start3A_207 : memref<1x160x125xi32, #tpu.memory_space<hbm>> -> memref<160x125xi32, #tpu.memory_space<hbm>>
      tpu.enqueue_dma source(%dma_start3A_208 : memref<160x125xi32, #tpu.memory_space<hbm>>) target(%arg7 : memref<160x125xi32, #tpu.memory_space<vmem>>) target_semaphore(%run_scoped3A : memref<!tpu.dma_semaphore, #tpu.memory_space<semaphore_mem>>)
      %dma_wait3A_209 = arith.constant 0 : i32
      %dma_wait3A_210 = arith.constant 0 : i32
      %dma_wait3A_211 = tpu.memref_slice %arg4[%arg1, %dma_wait3A_209, %dma_wait3A_210] : memref<16x160x125xi32, #tpu.memory_space<hbm>> -> memref<1x160x125xi32, #tpu.memory_space<hbm>>
      %dma_wait3A_212 = tpu.memref_squeeze %dma_wait3A_211 : memref<1x160x125xi32, #tpu.memory_space<hbm>> -> memref<160x125xi32, #tpu.memory_space<hbm>>
      %dma_wait3A_213 = arith.constant 0 : i32
      %dma_wait3A_214 = arith.constant 0 : i32
      %dma_wait3A_215 = tpu.memref_slice %arg4[%arg1, %dma_wait3A_213, %dma_wait3A_214] : memref<16x160x125xi32, #tpu.memory_space<hbm>> -> memref<1x160x125xi32, #tpu.memory_space<hbm>>
      %dma_wait3A_216 = tpu.memref_squeeze %dma_wait3A_215 : memref<1x160x125xi32, #tpu.memory_space<hbm>> -> memref<160x125xi32, #tpu.memory_space<hbm>>
      tpu.wait_dma2 semaphore(%run_scoped3A : memref<!tpu.dma_semaphore, #tpu.memory_space<semaphore_mem>>) src(%dma_wait3A_216 : memref<160x125xi32, #tpu.memory_space<hbm>>) dst(%arg7 : memref<160x125xi32, #tpu.memory_space<vmem>>)
      tpu.yield
    }) : () -> ()
    %dma_start3A = arith.constant 0 : i32
    %dma_start3A_0 = arith.constant 0 : i32
    %dma_start3A_1 = arith.constant 0 : i32
    %dma_start3A_2 = arith.constant 0 : i32
    %dma_start3A_3 = arith.constant 0 : i32
    %dma_start3A_4 = tpu.memref_slice %arg8[%dma_start3A_0, %dma_start3A_2, %dma_start3A_3] : memref<5x125x64xf32, #tpu.memory_space<vmem>> -> memref<1x125x64xf32, #tpu.memory_space<vmem>>
    %dma_start3A_5 = tpu.memref_squeeze %dma_start3A_4 : memref<1x125x64xf32, #tpu.memory_space<vmem>> -> memref<125x64xf32, #tpu.memory_space<vmem>>
    %dma_start3A_6 = arith.constant 0 : i32
    %dma_start3A_7 = tpu.memref_slice %arg6[%dma_start3A, %dma_start3A_6] : memref<160x125xi32, #tpu.memory_space<vmem>> -> memref<1x125xi32, #tpu.memory_space<vmem>>
    %dma_start3A_8 = tpu.memref_squeeze %dma_start3A_7 : memref<1x125xi32, #tpu.memory_space<vmem>> -> memref<125xi32, #tpu.memory_space<vmem>>
    %dma_start3A_9 = arith.constant 0 : i32
    %dma_start3A_10 = tpu.memref_slice %arg2[%arg0, %dma_start3A_9] : memref<20000x64xf32, #tpu.memory_space<hbm>> -> memref<19999x64xf32, #tpu.memory_space<hbm>>
    %dma_start3A_11 = arith.constant 0 : i32
    %dma_start3A_12 = arith.constant 0 : i32
    %dma_start3A_13 = tpu.memref_slice %dma_start3A_10[%dma_start3A_11, %dma_start3A_12] : memref<19999x64xf32, #tpu.memory_space<hbm>> -> memref<19999x64xf32, #tpu.memory_space<hbm>>
    %dma_start3A_14 = tpu.memref_slice %arg11[%dma_start3A_1] : memref<5x!tpu.dma_semaphore, #tpu.memory_space<semaphore_mem>> -> memref<1x!tpu.dma_semaphore, #tpu.memory_space<semaphore_mem>>
    %dma_start3A_15 = tpu.memref_squeeze %dma_start3A_14 : memref<1x!tpu.dma_semaphore, #tpu.memory_space<semaphore_mem>> -> memref<!tpu.dma_semaphore, #tpu.memory_space<semaphore_mem>>
    tpu.enqueue_indirect_dma source(%dma_start3A_13 : memref<19999x64xf32, #tpu.memory_space<hbm>>) target(%dma_start3A_5 : memref<125x64xf32, #tpu.memory_space<vmem>>) offsets(%dma_start3A_8 : memref<125xi32, #tpu.memory_space<vmem>>) semaphore(%dma_start3A_15 : memref<!tpu.dma_semaphore, #tpu.memory_space<semaphore_mem>>)
    %dma_start3A_16 = arith.constant 1 : i32
    %dma_start3A_17 = arith.constant 1 : i32
    %dma_start3A_18 = arith.constant 1 : i32
    %dma_start3A_19 = arith.constant 0 : i32
    %dma_start3A_20 = arith.constant 0 : i32
    %dma_start3A_21 = tpu.memref_slice %arg8[%dma_start3A_17, %dma_start3A_19, %dma_start3A_20] : memref<5x125x64xf32, #tpu.memory_space<vmem>> -> memref<1x125x64xf32, #tpu.memory_space<vmem>>
    %dma_start3A_22 = tpu.memref_squeeze %dma_start3A_21 : memref<1x125x64xf32, #tpu.memory_space<vmem>> -> memref<125x64xf32, #tpu.memory_space<vmem>>
    %dma_start3A_23 = arith.constant 0 : i32
    %dma_start3A_24 = tpu.memref_slice %arg6[%dma_start3A_16, %dma_start3A_23] : memref<160x125xi32, #tpu.memory_space<vmem>> -> memref<1x125xi32, #tpu.memory_space<vmem>>
    %dma_start3A_25 = tpu.memref_squeeze %dma_start3A_24 : memref<1x125xi32, #tpu.memory_space<vmem>> -> memref<125xi32, #tpu.memory_space<vmem>>
    %dma_start3A_26 = arith.constant 0 : i32
    %dma_start3A_27 = tpu.memref_slice %arg2[%arg0, %dma_start3A_26] : memref<20000x64xf32, #tpu.memory_space<hbm>> -> memref<19999x64xf32, #tpu.memory_space<hbm>>
    %dma_start3A_28 = arith.constant 0 : i32
    %dma_start3A_29 = arith.constant 0 : i32
    %dma_start3A_30 = tpu.memref_slice %dma_start3A_27[%dma_start3A_28, %dma_start3A_29] : memref<19999x64xf32, #tpu.memory_space<hbm>> -> memref<19999x64xf32, #tpu.memory_space<hbm>>
    %dma_start3A_31 = tpu.memref_slice %arg11[%dma_start3A_18] : memref<5x!tpu.dma_semaphore, #tpu.memory_space<semaphore_mem>> -> memref<1x!tpu.dma_semaphore, #tpu.memory_space<semaphore_mem>>
    %dma_start3A_32 = tpu.memref_squeeze %dma_start3A_31 : memref<1x!tpu.dma_semaphore, #tpu.memory_space<semaphore_mem>> -> memref<!tpu.dma_semaphore, #tpu.memory_space<semaphore_mem>>
    tpu.enqueue_indirect_dma source(%dma_start3A_30 : memref<19999x64xf32, #tpu.memory_space<hbm>>) target(%dma_start3A_22 : memref<125x64xf32, #tpu.memory_space<vmem>>) offsets(%dma_start3A_25 : memref<125xi32, #tpu.memory_space<vmem>>) semaphore(%dma_start3A_32 : memref<!tpu.dma_semaphore, #tpu.memory_space<semaphore_mem>>)
    %dma_start3A_33 = arith.constant 2 : i32
    %dma_start3A_34 = arith.constant 2 : i32
    %dma_start3A_35 = arith.constant 2 : i32
    %dma_start3A_36 = arith.constant 0 : i32
    %dma_start3A_37 = arith.constant 0 : i32
    %dma_start3A_38 = tpu.memref_slice %arg8[%dma_start3A_34, %dma_start3A_36, %dma_start3A_37] : memref<5x125x64xf32, #tpu.memory_space<vmem>> -> memref<1x125x64xf32, #tpu.memory_space<vmem>>
    %dma_start3A_39 = tpu.memref_squeeze %dma_start3A_38 : memref<1x125x64xf32, #tpu.memory_space<vmem>> -> memref<125x64xf32, #tpu.memory_space<vmem>>
    %dma_start3A_40 = arith.constant 0 : i32
    %dma_start3A_41 = tpu.memref_slice %arg6[%dma_start3A_33, %dma_start3A_40] : memref<160x125xi32, #tpu.memory_space<vmem>> -> memref<1x125xi32, #tpu.memory_space<vmem>>
    %dma_start3A_42 = tpu.memref_squeeze %dma_start3A_41 : memref<1x125xi32, #tpu.memory_space<vmem>> -> memref<125xi32, #tpu.memory_space<vmem>>
    %dma_start3A_43 = arith.constant 0 : i32
    %dma_start3A_44 = tpu.memref_slice %arg2[%arg0, %dma_start3A_43] : memref<20000x64xf32, #tpu.memory_space<hbm>> -> memref<19999x64xf32, #tpu.memory_space<hbm>>
    %dma_start3A_45 = arith.constant 0 : i32
    %dma_start3A_46 = arith.constant 0 : i32
    %dma_start3A_47 = tpu.memref_slice %dma_start3A_44[%dma_start3A_45, %dma_start3A_46] : memref<19999x64xf32, #tpu.memory_space<hbm>> -> memref<19999x64xf32, #tpu.memory_space<hbm>>
    %dma_start3A_48 = tpu.memref_slice %arg11[%dma_start3A_35] : memref<5x!tpu.dma_semaphore, #tpu.memory_space<semaphore_mem>> -> memref<1x!tpu.dma_semaphore, #tpu.memory_space<semaphore_mem>>
    %dma_start3A_49 = tpu.memref_squeeze %dma_start3A_48 : memref<1x!tpu.dma_semaphore, #tpu.memory_space<semaphore_mem>> -> memref<!tpu.dma_semaphore, #tpu.memory_space<semaphore_mem>>
    tpu.enqueue_indirect_dma source(%dma_start3A_47 : memref<19999x64xf32, #tpu.memory_space<hbm>>) target(%dma_start3A_39 : memref<125x64xf32, #tpu.memory_space<vmem>>) offsets(%dma_start3A_42 : memref<125xi32, #tpu.memory_space<vmem>>) semaphore(%dma_start3A_49 : memref<!tpu.dma_semaphore, #tpu.memory_space<semaphore_mem>>)
    %dma_start3A_50 = arith.constant 3 : i32
    %dma_start3A_51 = arith.constant 3 : i32
    %dma_start3A_52 = arith.constant 3 : i32
    %dma_start3A_53 = arith.constant 0 : i32
    %dma_start3A_54 = arith.constant 0 : i32
    %dma_start3A_55 = tpu.memref_slice %arg8[%dma_start3A_51, %dma_start3A_53, %dma_start3A_54] : memref<5x125x64xf32, #tpu.memory_space<vmem>> -> memref<1x125x64xf32, #tpu.memory_space<vmem>>
    %dma_start3A_56 = tpu.memref_squeeze %dma_start3A_55 : memref<1x125x64xf32, #tpu.memory_space<vmem>> -> memref<125x64xf32, #tpu.memory_space<vmem>>
    %dma_start3A_57 = arith.constant 0 : i32
    %dma_start3A_58 = tpu.memref_slice %arg6[%dma_start3A_50, %dma_start3A_57] : memref<160x125xi32, #tpu.memory_space<vmem>> -> memref<1x125xi32, #tpu.memory_space<vmem>>
    %dma_start3A_59 = tpu.memref_squeeze %dma_start3A_58 : memref<1x125xi32, #tpu.memory_space<vmem>> -> memref<125xi32, #tpu.memory_space<vmem>>
    %dma_start3A_60 = arith.constant 0 : i32
    %dma_start3A_61 = tpu.memref_slice %arg2[%arg0, %dma_start3A_60] : memref<20000x64xf32, #tpu.memory_space<hbm>> -> memref<19999x64xf32, #tpu.memory_space<hbm>>
    %dma_start3A_62 = arith.constant 0 : i32
    %dma_start3A_63 = arith.constant 0 : i32
    %dma_start3A_64 = tpu.memref_slice %dma_start3A_61[%dma_start3A_62, %dma_start3A_63] : memref<19999x64xf32, #tpu.memory_space<hbm>> -> memref<19999x64xf32, #tpu.memory_space<hbm>>
    %dma_start3A_65 = tpu.memref_slice %arg11[%dma_start3A_52] : memref<5x!tpu.dma_semaphore, #tpu.memory_space<semaphore_mem>> -> memref<1x!tpu.dma_semaphore, #tpu.memory_space<semaphore_mem>>
    %dma_start3A_66 = tpu.memref_squeeze %dma_start3A_65 : memref<1x!tpu.dma_semaphore, #tpu.memory_space<semaphore_mem>> -> memref<!tpu.dma_semaphore, #tpu.memory_space<semaphore_mem>>
    tpu.enqueue_indirect_dma source(%dma_start3A_64 : memref<19999x64xf32, #tpu.memory_space<hbm>>) target(%dma_start3A_56 : memref<125x64xf32, #tpu.memory_space<vmem>>) offsets(%dma_start3A_59 : memref<125xi32, #tpu.memory_space<vmem>>) semaphore(%dma_start3A_66 : memref<!tpu.dma_semaphore, #tpu.memory_space<semaphore_mem>>)
    %scan3A = arith.constant 0 : i32
    %scan3A_67 = arith.constant 0 : i32
    %scan3A_68 = arith.constant 128 : i32
    %scan3A_69 = arith.addi %scan3A_67, %scan3A_68 : i32
    %scan3A_70 = arith.constant 1 : i32
    scf.for %scan3A_201 = %scan3A_67 to %scan3A_69 step %scan3A_70  : i32 {
      %broadcast_in_dim3A = arith.constant 0.000000e+00 : f32
      %broadcast_in_dim3A_202 = vector.broadcast %broadcast_in_dim3A : f32 to vector<16xf32>
      %swap3A = arith.index_cast %scan3A_201 : i32 to index
      %swap3A_203 = arith.constant 0 : index
      %swap3A_204 = tpu.vector_load %arg9[%swap3A, %swap3A_203] {strides = array<i32>} : memref<128x64xf32, #tpu.memory_space<vmem>>, vector<1x16xf32>,
      %swap3A_205 = vector.shape_cast %swap3A_204 : vector<1x16xf32> to vector<16xf32>
      %swap3A_206 = vector.shape_cast %broadcast_in_dim3A_202 : vector<16xf32> to vector<1x16xf32>
      tpu.vector_store %arg9[%swap3A, %swap3A_203], %swap3A_206 {strides = array<i32>} : memref<128x64xf32, #tpu.memory_space<vmem>>, vector<1x16xf32>,
      %broadcast_in_dim3A_207 = arith.constant 0.000000e+00 : f32
      %broadcast_in_dim3A_208 = vector.broadcast %broadcast_in_dim3A_207 : f32 to vector<16xf32>
      %swap3A_209 = arith.index_cast %scan3A_201 : i32 to index
      %swap3A_210 = arith.constant 16 : index
      %swap3A_211 = tpu.vector_load %arg9[%swap3A_209, %swap3A_210] {strides = array<i32>} : memref<128x64xf32, #tpu.memory_space<vmem>>, vector<1x16xf32>,
      %swap3A_212 = vector.shape_cast %swap3A_211 : vector<1x16xf32> to vector<16xf32>
      %swap3A_213 = vector.shape_cast %broadcast_in_dim3A_208 : vector<16xf32> to vector<1x16xf32>
      tpu.vector_store %arg9[%swap3A_209, %swap3A_210], %swap3A_213 {strides = array<i32>} : memref<128x64xf32, #tpu.memory_space<vmem>>, vector<1x16xf32>,
      %broadcast_in_dim3A_214 = arith.constant 0.000000e+00 : f32
      %broadcast_in_dim3A_215 = vector.broadcast %broadcast_in_dim3A_214 : f32 to vector<16xf32>
      %swap3A_216 = arith.index_cast %scan3A_201 : i32 to index
      %swap3A_217 = arith.constant 32 : index
      %swap3A_218 = tpu.vector_load %arg9[%swap3A_216, %swap3A_217] {strides = array<i32>} : memref<128x64xf32, #tpu.memory_space<vmem>>, vector<1x16xf32>,
      %swap3A_219 = vector.shape_cast %swap3A_218 : vector<1x16xf32> to vector<16xf32>
      %swap3A_220 = vector.shape_cast %broadcast_in_dim3A_215 : vector<16xf32> to vector<1x16xf32>
      tpu.vector_store %arg9[%swap3A_216, %swap3A_217], %swap3A_220 {strides = array<i32>} : memref<128x64xf32, #tpu.memory_space<vmem>>, vector<1x16xf32>,
      %broadcast_in_dim3A_221 = arith.constant 0.000000e+00 : f32
      %broadcast_in_dim3A_222 = vector.broadcast %broadcast_in_dim3A_221 : f32 to vector<16xf32>
      %swap3A_223 = arith.index_cast %scan3A_201 : i32 to index
      %swap3A_224 = arith.constant 48 : index
      %swap3A_225 = tpu.vector_load %arg9[%swap3A_223, %swap3A_224] {strides = array<i32>} : memref<128x64xf32, #tpu.memory_space<vmem>>, vector<1x16xf32>,
      %swap3A_226 = vector.shape_cast %swap3A_225 : vector<1x16xf32> to vector<16xf32>
      %swap3A_227 = vector.shape_cast %broadcast_in_dim3A_222 : vector<16xf32> to vector<1x16xf32>
      tpu.vector_store %arg9[%swap3A_223, %swap3A_224], %swap3A_227 {strides = array<i32>} : memref<128x64xf32, #tpu.memory_space<vmem>>, vector<1x16xf32>,
    }
    %scan3A_71 = arith.constant 128 : i32
    %mul3A = arith.constant 640 : i32
    %mul3A_72 = arith.muli %arg1, %mul3A : i32
    %add3A = arith.constant 0 : i32
    %add3A_73 = arith.addi %mul3A_72, %add3A : i32
    "tpu.region"() ({
      %run_scoped3A = tpu.sem_alloc : memref<!tpu.dma_semaphore, #tpu.memory_space<semaphore_mem>>
      %dma_start3A_201 = arith.constant 0 : i32
      %dma_start3A_202 = tpu.memref_slice %arg10[%add3A_73, %dma_start3A_201] : memref<10240x64xf32, #tpu.memory_space<vmem_shared>> -> memref<128x64xf32, #tpu.memory_space<vmem_shared>>
      %dma_start3A_203 = arith.constant 0 : i32
      %dma_start3A_204 = tpu.memref_slice %arg10[%add3A_73, %dma_start3A_203] : memref<10240x64xf32, #tpu.memory_space<vmem_shared>> -> memref<128x64xf32, #tpu.memory_space<vmem_shared>>
      tpu.enqueue_dma source(%arg9 : memref<128x64xf32, #tpu.memory_space<vmem>>) target(%dma_start3A_204 : memref<128x64xf32, #tpu.memory_space<vmem_shared>>) target_semaphore(%run_scoped3A : memref<!tpu.dma_semaphore, #tpu.memory_space<semaphore_mem>>)
      %dma_wait3A_205 = arith.constant 0 : i32
      %dma_wait3A_206 = tpu.memref_slice %arg10[%add3A_73, %dma_wait3A_205] : memref<10240x64xf32, #tpu.memory_space<vmem_shared>> -> memref<128x64xf32, #tpu.memory_space<vmem_shared>>
      %dma_wait3A_207 = arith.constant 0 : i32
      %dma_wait3A_208 = tpu.memref_slice %arg10[%add3A_73, %dma_wait3A_207] : memref<10240x64xf32, #tpu.memory_space<vmem_shared>> -> memref<128x64xf32, #tpu.memory_space<vmem_shared>>
      tpu.wait_dma2 semaphore(%run_scoped3A : memref<!tpu.dma_semaphore, #tpu.memory_space<semaphore_mem>>) src(%arg9 : memref<128x64xf32, #tpu.memory_space<vmem>>) dst(%dma_wait3A_208 : memref<128x64xf32, #tpu.memory_space<vmem_shared>>)
      tpu.yield
    }) : () -> ()
    %mul3A_74 = arith.constant 640 : i32
    %mul3A_75 = arith.muli %arg1, %mul3A_74 : i32
    %add3A_76 = arith.constant 128 : i32
    %add3A_77 = arith.addi %mul3A_75, %add3A_76 : i32
    "tpu.region"() ({
      %run_scoped3A = tpu.sem_alloc : memref<!tpu.dma_semaphore, #tpu.memory_space<semaphore_mem>>
      %dma_start3A_201 = arith.constant 0 : i32
      %dma_start3A_202 = tpu.memref_slice %arg10[%add3A_77, %dma_start3A_201] : memref<10240x64xf32, #tpu.memory_space<vmem_shared>> -> memref<128x64xf32, #tpu.memory_space<vmem_shared>>
      %dma_start3A_203 = arith.constant 0 : i32
      %dma_start3A_204 = tpu.memref_slice %arg10[%add3A_77, %dma_start3A_203] : memref<10240x64xf32, #tpu.memory_space<vmem_shared>> -> memref<128x64xf32, #tpu.memory_space<vmem_shared>>
      tpu.enqueue_dma source(%arg9 : memref<128x64xf32, #tpu.memory_space<vmem>>) target(%dma_start3A_204 : memref<128x64xf32, #tpu.memory_space<vmem_shared>>) target_semaphore(%run_scoped3A : memref<!tpu.dma_semaphore, #tpu.memory_space<semaphore_mem>>)
      %dma_wait3A_205 = arith.constant 0 : i32
      %dma_wait3A_206 = tpu.memref_slice %arg10[%add3A_77, %dma_wait3A_205] : memref<10240x64xf32, #tpu.memory_space<vmem_shared>> -> memref<128x64xf32, #tpu.memory_space<vmem_shared>>
      %dma_wait3A_207 = arith.constant 0 : i32
      %dma_wait3A_208 = tpu.memref_slice %arg10[%add3A_77, %dma_wait3A_207] : memref<10240x64xf32, #tpu.memory_space<vmem_shared>> -> memref<128x64xf32, #tpu.memory_space<vmem_shared>>
      tpu.wait_dma2 semaphore(%run_scoped3A : memref<!tpu.dma_semaphore, #tpu.memory_space<semaphore_mem>>) src(%arg9 : memref<128x64xf32, #tpu.memory_space<vmem>>) dst(%dma_wait3A_208 : memref<128x64xf32, #tpu.memory_space<vmem_shared>>)
      tpu.yield
    }) : () -> ()
    %mul3A_78 = arith.constant 640 : i32
    %mul3A_79 = arith.muli %arg1, %mul3A_78 : i32
    %add3A_80 = arith.constant 256 : i32
    %add3A_81 = arith.addi %mul3A_79, %add3A_80 : i32
    "tpu.region"() ({
      %run_scoped3A = tpu.sem_alloc : memref<!tpu.dma_semaphore, #tpu.memory_space<semaphore_mem>>
      %dma_start3A_201 = arith.constant 0 : i32
      %dma_start3A_202 = tpu.memref_slice %arg10[%add3A_81, %dma_start3A_201] : memref<10240x64xf32, #tpu.memory_space<vmem_shared>> -> memref<128x64xf32, #tpu.memory_space<vmem_shared>>
      %dma_start3A_203 = arith.constant 0 : i32
      %dma_start3A_204 = tpu.memref_slice %arg10[%add3A_81, %dma_start3A_203] : memref<10240x64xf32, #tpu.memory_space<vmem_shared>> -> memref<128x64xf32, #tpu.memory_space<vmem_shared>>
      tpu.enqueue_dma source(%arg9 : memref<128x64xf32, #tpu.memory_space<vmem>>) target(%dma_start3A_204 : memref<128x64xf32, #tpu.memory_space<vmem_shared>>) target_semaphore(%run_scoped3A : memref<!tpu.dma_semaphore, #tpu.memory_space<semaphore_mem>>)
      %dma_wait3A_205 = arith.constant 0 : i32
      %dma_wait3A_206 = tpu.memref_slice %arg10[%add3A_81, %dma_wait3A_205] : memref<10240x64xf32, #tpu.memory_space<vmem_shared>> -> memref<128x64xf32, #tpu.memory_space<vmem_shared>>
      %dma_wait3A_207 = arith.constant 0 : i32
      %dma_wait3A_208 = tpu.memref_slice %arg10[%add3A_81, %dma_wait3A_207] : memref<10240x64xf32, #tpu.memory_space<vmem_shared>> -> memref<128x64xf32, #tpu.memory_space<vmem_shared>>
      tpu.wait_dma2 semaphore(%run_scoped3A : memref<!tpu.dma_semaphore, #tpu.memory_space<semaphore_mem>>) src(%arg9 : memref<128x64xf32, #tpu.memory_space<vmem>>) dst(%dma_wait3A_208 : memref<128x64xf32, #tpu.memory_space<vmem_shared>>)
      tpu.yield
    }) : () -> ()
    %mul3A_82 = arith.constant 640 : i32
    %mul3A_83 = arith.muli %arg1, %mul3A_82 : i32
    %add3A_84 = arith.constant 384 : i32
    %add3A_85 = arith.addi %mul3A_83, %add3A_84 : i32
    "tpu.region"() ({
      %run_scoped3A = tpu.sem_alloc : memref<!tpu.dma_semaphore, #tpu.memory_space<semaphore_mem>>
      %dma_start3A_201 = arith.constant 0 : i32
      %dma_start3A_202 = tpu.memref_slice %arg10[%add3A_85, %dma_start3A_201] : memref<10240x64xf32, #tpu.memory_space<vmem_shared>> -> memref<128x64xf32, #tpu.memory_space<vmem_shared>>
      %dma_start3A_203 = arith.constant 0 : i32
      %dma_start3A_204 = tpu.memref_slice %arg10[%add3A_85, %dma_start3A_203] : memref<10240x64xf32, #tpu.memory_space<vmem_shared>> -> memref<128x64xf32, #tpu.memory_space<vmem_shared>>
      tpu.enqueue_dma source(%arg9 : memref<128x64xf32, #tpu.memory_space<vmem>>) target(%dma_start3A_204 : memref<128x64xf32, #tpu.memory_space<vmem_shared>>) target_semaphore(%run_scoped3A : memref<!tpu.dma_semaphore, #tpu.memory_space<semaphore_mem>>)
      %dma_wait3A_205 = arith.constant 0 : i32
      %dma_wait3A_206 = tpu.memref_slice %arg10[%add3A_85, %dma_wait3A_205] : memref<10240x64xf32, #tpu.memory_space<vmem_shared>> -> memref<128x64xf32, #tpu.memory_space<vmem_shared>>
      %dma_wait3A_207 = arith.constant 0 : i32
      %dma_wait3A_208 = tpu.memref_slice %arg10[%add3A_85, %dma_wait3A_207] : memref<10240x64xf32, #tpu.memory_space<vmem_shared>> -> memref<128x64xf32, #tpu.memory_space<vmem_shared>>
      tpu.wait_dma2 semaphore(%run_scoped3A : memref<!tpu.dma_semaphore, #tpu.memory_space<semaphore_mem>>) src(%arg9 : memref<128x64xf32, #tpu.memory_space<vmem>>) dst(%dma_wait3A_208 : memref<128x64xf32, #tpu.memory_space<vmem_shared>>)
      tpu.yield
    }) : () -> ()
    %mul3A_86 = arith.constant 640 : i32
    %mul3A_87 = arith.muli %arg1, %mul3A_86 : i32
    %add3A_88 = arith.constant 512 : i32
    %add3A_89 = arith.addi %mul3A_87, %add3A_88 : i32
    "tpu.region"() ({
      %run_scoped3A = tpu.sem_alloc : memref<!tpu.dma_semaphore, #tpu.memory_space<semaphore_mem>>
      %dma_start3A_201 = arith.constant 0 : i32
      %dma_start3A_202 = tpu.memref_slice %arg10[%add3A_89, %dma_start3A_201] : memref<10240x64xf32, #tpu.memory_space<vmem_shared>> -> memref<128x64xf32, #tpu.memory_space<vmem_shared>>
      %dma_start3A_203 = arith.constant 0 : i32
      %dma_start3A_204 = tpu.memref_slice %arg10[%add3A_89, %dma_start3A_203] : memref<10240x64xf32, #tpu.memory_space<vmem_shared>> -> memref<128x64xf32, #tpu.memory_space<vmem_shared>>
      tpu.enqueue_dma source(%arg9 : memref<128x64xf32, #tpu.memory_space<vmem>>) target(%dma_start3A_204 : memref<128x64xf32, #tpu.memory_space<vmem_shared>>) target_semaphore(%run_scoped3A : memref<!tpu.dma_semaphore, #tpu.memory_space<semaphore_mem>>)
      %dma_wait3A_205 = arith.constant 0 : i32
      %dma_wait3A_206 = tpu.memref_slice %arg10[%add3A_89, %dma_wait3A_205] : memref<10240x64xf32, #tpu.memory_space<vmem_shared>> -> memref<128x64xf32, #tpu.memory_space<vmem_shared>>
      %dma_wait3A_207 = arith.constant 0 : i32
      %dma_wait3A_208 = tpu.memref_slice %arg10[%add3A_89, %dma_wait3A_207] : memref<10240x64xf32, #tpu.memory_space<vmem_shared>> -> memref<128x64xf32, #tpu.memory_space<vmem_shared>>
      tpu.wait_dma2 semaphore(%run_scoped3A : memref<!tpu.dma_semaphore, #tpu.memory_space<semaphore_mem>>) src(%arg9 : memref<128x64xf32, #tpu.memory_space<vmem>>) dst(%dma_wait3A_208 : memref<128x64xf32, #tpu.memory_space<vmem_shared>>)
      tpu.yield
    }) : () -> ()
    %barrier3A = arith.constant 0 : index
    tpu.barrier barrier_id(%barrier3A)
    %scan3A_90 = arith.constant 0 : i32
    %scan3A_91 = arith.constant 0 : i32
    %scan3A_92 = arith.constant 32 : i32
    %scan3A_93 = arith.addi %scan3A_91, %scan3A_92 : i32
    %scan3A_94 = arith.constant 1 : i32
    scf.for %scan3A_201 = %scan3A_91 to %scan3A_93 step %scan3A_94  : i32 {
      %mul3A_202 = arith.constant 5 : i32
      %mul3A_203 = arith.muli %scan3A_201, %mul3A_202 : i32
      %add3A_204 = arith.constant 0 : i32
      %add3A_205 = arith.addi %mul3A_203, %add3A_204 : i32
      %dma_wait3A_206 = arith.constant 0 : i32
      %dma_wait3A_207 = arith.constant 0 : i32
      %dma_wait3A_208 = arith.constant 0 : i32
      %dma_wait3A_209 = arith.constant 0 : i32
      %dma_wait3A_210 = tpu.memref_slice %arg8[%dma_wait3A_206, %dma_wait3A_208, %dma_wait3A_209] : memref<5x125x64xf32, #tpu.memory_space<vmem>> -> memref<1x125x64xf32, #tpu.memory_space<vmem>>
      %dma_wait3A_211 = tpu.memref_squeeze %dma_wait3A_210 : memref<1x125x64xf32, #tpu.memory_space<vmem>> -> memref<125x64xf32, #tpu.memory_space<vmem>>
      %dma_wait3A_212 = arith.constant 0 : i32
      %dma_wait3A_213 = tpu.memref_slice %arg6[%add3A_205, %dma_wait3A_212] : memref<160x125xi32, #tpu.memory_space<vmem>> -> memref<1x125xi32, #tpu.memory_space<vmem>>
      %dma_wait3A_214 = tpu.memref_squeeze %dma_wait3A_213 : memref<1x125xi32, #tpu.memory_space<vmem>> -> memref<125xi32, #tpu.memory_space<vmem>>
      %dma_wait3A_215 = arith.constant 0 : i32
      %dma_wait3A_216 = tpu.memref_slice %arg2[%arg0, %dma_wait3A_215] : memref<20000x64xf32, #tpu.memory_space<hbm>> -> memref<19999x64xf32, #tpu.memory_space<hbm>>
      %dma_wait3A_217 = arith.constant 0 : i32
      %dma_wait3A_218 = arith.constant 0 : i32
      %dma_wait3A_219 = tpu.memref_slice %dma_wait3A_216[%dma_wait3A_217, %dma_wait3A_218] : memref<19999x64xf32, #tpu.memory_space<hbm>> -> memref<19999x64xf32, #tpu.memory_space<hbm>>
      %dma_wait3A_220 = tpu.memref_slice %arg11[%dma_wait3A_207] : memref<5x!tpu.dma_semaphore, #tpu.memory_space<semaphore_mem>> -> memref<1x!tpu.dma_semaphore, #tpu.memory_space<semaphore_mem>>
      %dma_wait3A_221 = tpu.memref_squeeze %dma_wait3A_220 : memref<1x!tpu.dma_semaphore, #tpu.memory_space<semaphore_mem>> -> memref<!tpu.dma_semaphore, #tpu.memory_space<semaphore_mem>>
      tpu.wait_indirect_dma semaphore(%dma_wait3A_221 : memref<!tpu.dma_semaphore, #tpu.memory_space<semaphore_mem>>) src(%dma_wait3A_219 : memref<19999x64xf32, #tpu.memory_space<hbm>>) dst(%dma_wait3A_211 : memref<125x64xf32, #tpu.memory_space<vmem>>)
      %dma_start3A_222 = arith.constant 0 : i32
      %dma_start3A_223 = arith.constant 0 : i32
      %dma_start3A_224 = arith.constant 0 : i32
      %dma_start3A_225 = arith.constant 0 : i32
      %dma_start3A_226 = tpu.memref_slice %arg8[%dma_start3A_222, %dma_start3A_224, %dma_start3A_225] : memref<5x125x64xf32, #tpu.memory_space<vmem>> -> memref<1x125x64xf32, #tpu.memory_space<vmem>>
      %dma_start3A_227 = tpu.memref_squeeze %dma_start3A_226 : memref<1x125x64xf32, #tpu.memory_space<vmem>> -> memref<125x64xf32, #tpu.memory_space<vmem>>
      %dma_start3A_228 = arith.constant 0 : i32
      %dma_start3A_229 = tpu.memref_slice %arg7[%add3A_205, %dma_start3A_228] : memref<160x125xi32, #tpu.memory_space<vmem>> -> memref<1x125xi32, #tpu.memory_space<vmem>>
      %dma_start3A_230 = tpu.memref_squeeze %dma_start3A_229 : memref<1x125xi32, #tpu.memory_space<vmem>> -> memref<125xi32, #tpu.memory_space<vmem>>
      %dma_start3A_231 = arith.constant 0 : i32
      %dma_start3A_232 = arith.constant 0 : i32
      %dma_start3A_233 = tpu.memref_slice %arg10[%dma_start3A_231, %dma_start3A_232] : memref<10240x64xf32, #tpu.memory_space<vmem_shared>> -> memref<10240x64xf32, #tpu.memory_space<vmem_shared>>
      %dma_start3A_234 = tpu.memref_slice %arg12[%dma_start3A_223] : memref<5x!tpu.dma_semaphore, #tpu.memory_space<semaphore_mem>> -> memref<1x!tpu.dma_semaphore, #tpu.memory_space<semaphore_mem>>
      %dma_start3A_235 = tpu.memref_squeeze %dma_start3A_234 : memref<1x!tpu.dma_semaphore, #tpu.memory_space<semaphore_mem>> -> memref<!tpu.dma_semaphore, #tpu.memory_space<semaphore_mem>>
      tpu.enqueue_indirect_dma source(%dma_start3A_227 : memref<125x64xf32, #tpu.memory_space<vmem>>) target(%dma_start3A_233 : memref<10240x64xf32, #tpu.memory_space<vmem_shared>>) offsets(%dma_start3A_230 : memref<125xi32, #tpu.memory_space<vmem>>) semaphore(%dma_start3A_235 : memref<!tpu.dma_semaphore, #tpu.memory_space<semaphore_mem>>) {add = true}
      %add3A_236 = arith.constant 5 : i32
      %add3A_237 = arith.addi %add3A_205, %add3A_236 : i32
      %sub3A = arith.constant 1 : i32
      %sub3A_238 = arith.subi %add3A_237, %sub3A : i32
      %lt3A = arith.constant 160 : i32
      %lt3A_239 = arith.cmpi slt, %sub3A_238, %lt3A : i32
      %convert_element_type3A = arith.extui %lt3A_239 : i1 to i32
      %cond3A = arith.constant 0 : i32
      %cond3A_240 = arith.cmpi ne, %convert_element_type3A, %cond3A : i32
      scf.if %cond3A_240 {
        %ge3A = arith.constant 1 : i32
        %ge3A_405 = arith.cmpi sge, %add3A_205, %ge3A : i32
        %convert_element_type3A_406 = arith.extui %ge3A_405 : i1 to i32
        %cond3A_407 = arith.constant 0 : i32
        %cond3A_408 = arith.cmpi ne, %convert_element_type3A_406, %cond3A_407 : i32
        scf.if %cond3A_408 {
          %sub3A_429 = arith.constant 1 : i32
          %sub3A_430 = arith.subi %add3A_205, %sub3A_429 : i32
          %dma_wait3A_431 = arith.constant 4 : i32
          %dma_wait3A_432 = arith.constant 4 : i32
          %dma_wait3A_433 = arith.constant 0 : i32
          %dma_wait3A_434 = arith.constant 0 : i32
          %dma_wait3A_435 = tpu.memref_slice %arg8[%dma_wait3A_431, %dma_wait3A_433, %dma_wait3A_434] : memref<5x125x64xf32, #tpu.memory_space<vmem>> -> memref<1x125x64xf32, #tpu.memory_space<vmem>>
          %dma_wait3A_436 = tpu.memref_squeeze %dma_wait3A_435 : memref<1x125x64xf32, #tpu.memory_space<vmem>> -> memref<125x64xf32, #tpu.memory_space<vmem>>
          %dma_wait3A_437 = arith.constant 0 : i32
          %dma_wait3A_438 = tpu.memref_slice %arg7[%sub3A_430, %dma_wait3A_437] : memref<160x125xi32, #tpu.memory_space<vmem>> -> memref<1x125xi32, #tpu.memory_space<vmem>>
          %dma_wait3A_439 = tpu.memref_squeeze %dma_wait3A_438 : memref<1x125xi32, #tpu.memory_space<vmem>> -> memref<125xi32, #tpu.memory_space<vmem>>
          %dma_wait3A_440 = arith.constant 0 : i32
          %dma_wait3A_441 = arith.constant 0 : i32
          %dma_wait3A_442 = tpu.memref_slice %arg10[%dma_wait3A_440, %dma_wait3A_441] : memref<10240x64xf32, #tpu.memory_space<vmem_shared>> -> memref<10240x64xf32, #tpu.memory_space<vmem_shared>>
          %dma_wait3A_443 = tpu.memref_slice %arg12[%dma_wait3A_432] : memref<5x!tpu.dma_semaphore, #tpu.memory_space<semaphore_mem>> -> memref<1x!tpu.dma_semaphore, #tpu.memory_space<semaphore_mem>>
          %dma_wait3A_444 = tpu.memref_squeeze %dma_wait3A_443 : memref<1x!tpu.dma_semaphore, #tpu.memory_space<semaphore_mem>> -> memref<!tpu.dma_semaphore, #tpu.memory_space<semaphore_mem>>
          tpu.wait_indirect_dma semaphore(%dma_wait3A_444 : memref<!tpu.dma_semaphore, #tpu.memory_space<semaphore_mem>>) src(%dma_wait3A_436 : memref<125x64xf32, #tpu.memory_space<vmem>>) dst(%dma_wait3A_442 : memref<10240x64xf32, #tpu.memory_space<vmem_shared>>)
        } else {
        }
        %add3A_409 = arith.constant 5 : i32
        %add3A_410 = arith.addi %add3A_205, %add3A_409 : i32
        %sub3A_411 = arith.constant 1 : i32
        %sub3A_412 = arith.subi %add3A_410, %sub3A_411 : i32
        %dma_start3A_413 = arith.constant 4 : i32
        %dma_start3A_414 = arith.constant 4 : i32
        %dma_start3A_415 = arith.constant 0 : i32
        %dma_start3A_416 = arith.constant 0 : i32
        %dma_start3A_417 = tpu.memref_slice %arg8[%dma_start3A_413, %dma_start3A_415, %dma_start3A_416] : memref<5x125x64xf32, #tpu.memory_space<vmem>> -> memref<1x125x64xf32, #tpu.memory_space<vmem>>
        %dma_start3A_418 = tpu.memref_squeeze %dma_start3A_417 : memref<1x125x64xf32, #tpu.memory_space<vmem>> -> memref<125x64xf32, #tpu.memory_space<vmem>>
        %dma_start3A_419 = arith.constant 0 : i32
        %dma_start3A_420 = tpu.memref_slice %arg6[%sub3A_412, %dma_start3A_419] : memref<160x125xi32, #tpu.memory_space<vmem>> -> memref<1x125xi32, #tpu.memory_space<vmem>>
        %dma_start3A_421 = tpu.memref_squeeze %dma_start3A_420 : memref<1x125xi32, #tpu.memory_space<vmem>> -> memref<125xi32, #tpu.memory_space<vmem>>
        %dma_start3A_422 = arith.constant 0 : i32
        %dma_start3A_423 = tpu.memref_slice %arg2[%arg0, %dma_start3A_422] : memref<20000x64xf32, #tpu.memory_space<hbm>> -> memref<19999x64xf32, #tpu.memory_space<hbm>>
        %dma_start3A_424 = arith.constant 0 : i32
        %dma_start3A_425 = arith.constant 0 : i32
        %dma_start3A_426 = tpu.memref_slice %dma_start3A_423[%dma_start3A_424, %dma_start3A_425] : memref<19999x64xf32, #tpu.memory_space<hbm>> -> memref<19999x64xf32, #tpu.memory_space<hbm>>
        %dma_start3A_427 = tpu.memref_slice %arg11[%dma_start3A_414] : memref<5x!tpu.dma_semaphore, #tpu.memory_space<semaphore_mem>> -> memref<1x!tpu.dma_semaphore, #tpu.memory_space<semaphore_mem>>
        %dma_start3A_428 = tpu.memref_squeeze %dma_start3A_427 : memref<1x!tpu.dma_semaphore, #tpu.memory_space<semaphore_mem>> -> memref<!tpu.dma_semaphore, #tpu.memory_space<semaphore_mem>>
        tpu.enqueue_indirect_dma source(%dma_start3A_426 : memref<19999x64xf32, #tpu.memory_space<hbm>>) target(%dma_start3A_418 : memref<125x64xf32, #tpu.memory_space<vmem>>) offsets(%dma_start3A_421 : memref<125xi32, #tpu.memory_space<vmem>>) semaphore(%dma_start3A_428 : memref<!tpu.dma_semaphore, #tpu.memory_space<semaphore_mem>>)
      } else {
      }
      %add3A_241 = arith.constant 1 : i32
      %add3A_242 = arith.addi %mul3A_203, %add3A_241 : i32
      %dma_wait3A_243 = arith.constant 1 : i32
      %dma_wait3A_244 = arith.constant 1 : i32
      %dma_wait3A_245 = arith.constant 0 : i32
      %dma_wait3A_246 = arith.constant 0 : i32
      %dma_wait3A_247 = tpu.memref_slice %arg8[%dma_wait3A_243, %dma_wait3A_245, %dma_wait3A_246] : memref<5x125x64xf32, #tpu.memory_space<vmem>> -> memref<1x125x64xf32, #tpu.memory_space<vmem>>
      %dma_wait3A_248 = tpu.memref_squeeze %dma_wait3A_247 : memref<1x125x64xf32, #tpu.memory_space<vmem>> -> memref<125x64xf32, #tpu.memory_space<vmem>>
      %dma_wait3A_249 = arith.constant 0 : i32
      %dma_wait3A_250 = tpu.memref_slice %arg6[%add3A_242, %dma_wait3A_249] : memref<160x125xi32, #tpu.memory_space<vmem>> -> memref<1x125xi32, #tpu.memory_space<vmem>>
      %dma_wait3A_251 = tpu.memref_squeeze %dma_wait3A_250 : memref<1x125xi32, #tpu.memory_space<vmem>> -> memref<125xi32, #tpu.memory_space<vmem>>
      %dma_wait3A_252 = arith.constant 0 : i32
      %dma_wait3A_253 = tpu.memref_slice %arg2[%arg0, %dma_wait3A_252] : memref<20000x64xf32, #tpu.memory_space<hbm>> -> memref<19999x64xf32, #tpu.memory_space<hbm>>
      %dma_wait3A_254 = arith.constant 0 : i32
      %dma_wait3A_255 = arith.constant 0 : i32
      %dma_wait3A_256 = tpu.memref_slice %dma_wait3A_253[%dma_wait3A_254, %dma_wait3A_255] : memref<19999x64xf32, #tpu.memory_space<hbm>> -> memref<19999x64xf32, #tpu.memory_space<hbm>>
      %dma_wait3A_257 = tpu.memref_slice %arg11[%dma_wait3A_244] : memref<5x!tpu.dma_semaphore, #tpu.memory_space<semaphore_mem>> -> memref<1x!tpu.dma_semaphore, #tpu.memory_space<semaphore_mem>>
      %dma_wait3A_258 = tpu.memref_squeeze %dma_wait3A_257 : memref<1x!tpu.dma_semaphore, #tpu.memory_space<semaphore_mem>> -> memref<!tpu.dma_semaphore, #tpu.memory_space<semaphore_mem>>
      tpu.wait_indirect_dma semaphore(%dma_wait3A_258 : memref<!tpu.dma_semaphore, #tpu.memory_space<semaphore_mem>>) src(%dma_wait3A_256 : memref<19999x64xf32, #tpu.memory_space<hbm>>) dst(%dma_wait3A_248 : memref<125x64xf32, #tpu.memory_space<vmem>>)
      %dma_start3A_259 = arith.constant 1 : i32
      %dma_start3A_260 = arith.constant 1 : i32
      %dma_start3A_261 = arith.constant 0 : i32
      %dma_start3A_262 = arith.constant 0 : i32
      %dma_start3A_263 = tpu.memref_slice %arg8[%dma_start3A_259, %dma_start3A_261, %dma_start3A_262] : memref<5x125x64xf32, #tpu.memory_space<vmem>> -> memref<1x125x64xf32, #tpu.memory_space<vmem>>
      %dma_start3A_264 = tpu.memref_squeeze %dma_start3A_263 : memref<1x125x64xf32, #tpu.memory_space<vmem>> -> memref<125x64xf32, #tpu.memory_space<vmem>>
      %dma_start3A_265 = arith.constant 0 : i32
      %dma_start3A_266 = tpu.memref_slice %arg7[%add3A_242, %dma_start3A_265] : memref<160x125xi32, #tpu.memory_space<vmem>> -> memref<1x125xi32, #tpu.memory_space<vmem>>
      %dma_start3A_267 = tpu.memref_squeeze %dma_start3A_266 : memref<1x125xi32, #tpu.memory_space<vmem>> -> memref<125xi32, #tpu.memory_space<vmem>>
      %dma_start3A_268 = arith.constant 0 : i32
      %dma_start3A_269 = arith.constant 0 : i32
      %dma_start3A_270 = tpu.memref_slice %arg10[%dma_start3A_268, %dma_start3A_269] : memref<10240x64xf32, #tpu.memory_space<vmem_shared>> -> memref<10240x64xf32, #tpu.memory_space<vmem_shared>>
      %dma_start3A_271 = tpu.memref_slice %arg12[%dma_start3A_260] : memref<5x!tpu.dma_semaphore, #tpu.memory_space<semaphore_mem>> -> memref<1x!tpu.dma_semaphore, #tpu.memory_space<semaphore_mem>>
      %dma_start3A_272 = tpu.memref_squeeze %dma_start3A_271 : memref<1x!tpu.dma_semaphore, #tpu.memory_space<semaphore_mem>> -> memref<!tpu.dma_semaphore, #tpu.memory_space<semaphore_mem>>
      tpu.enqueue_indirect_dma source(%dma_start3A_264 : memref<125x64xf32, #tpu.memory_space<vmem>>) target(%dma_start3A_270 : memref<10240x64xf32, #tpu.memory_space<vmem_shared>>) offsets(%dma_start3A_267 : memref<125xi32, #tpu.memory_space<vmem>>) semaphore(%dma_start3A_272 : memref<!tpu.dma_semaphore, #tpu.memory_space<semaphore_mem>>) {add = true}
      %add3A_273 = arith.constant 5 : i32
      %add3A_274 = arith.addi %add3A_242, %add3A_273 : i32
      %sub3A_275 = arith.constant 1 : i32
      %sub3A_276 = arith.subi %add3A_274, %sub3A_275 : i32
      %lt3A_277 = arith.constant 160 : i32
      %lt3A_278 = arith.cmpi slt, %sub3A_276, %lt3A_277 : i32
      %convert_element_type3A_279 = arith.extui %lt3A_278 : i1 to i32
      %cond3A_280 = arith.constant 0 : i32
      %cond3A_281 = arith.cmpi ne, %convert_element_type3A_279, %cond3A_280 : i32
      scf.if %cond3A_281 {
        %ge3A = arith.constant 1 : i32
        %ge3A_405 = arith.cmpi sge, %add3A_242, %ge3A : i32
        %convert_element_type3A_406 = arith.extui %ge3A_405 : i1 to i32
        %cond3A_407 = arith.constant 0 : i32
        %cond3A_408 = arith.cmpi ne, %convert_element_type3A_406, %cond3A_407 : i32
        scf.if %cond3A_408 {
          %sub3A_429 = arith.constant 1 : i32
          %sub3A_430 = arith.subi %add3A_242, %sub3A_429 : i32
          %dma_wait3A_431 = arith.constant 0 : i32
          %dma_wait3A_432 = arith.constant 0 : i32
          %dma_wait3A_433 = arith.constant 0 : i32
          %dma_wait3A_434 = arith.constant 0 : i32
          %dma_wait3A_435 = tpu.memref_slice %arg8[%dma_wait3A_431, %dma_wait3A_433, %dma_wait3A_434] : memref<5x125x64xf32, #tpu.memory_space<vmem>> -> memref<1x125x64xf32, #tpu.memory_space<vmem>>
          %dma_wait3A_436 = tpu.memref_squeeze %dma_wait3A_435 : memref<1x125x64xf32, #tpu.memory_space<vmem>> -> memref<125x64xf32, #tpu.memory_space<vmem>>
          %dma_wait3A_437 = arith.constant 0 : i32
          %dma_wait3A_438 = tpu.memref_slice %arg7[%sub3A_430, %dma_wait3A_437] : memref<160x125xi32, #tpu.memory_space<vmem>> -> memref<1x125xi32, #tpu.memory_space<vmem>>
          %dma_wait3A_439 = tpu.memref_squeeze %dma_wait3A_438 : memref<1x125xi32, #tpu.memory_space<vmem>> -> memref<125xi32, #tpu.memory_space<vmem>>
          %dma_wait3A_440 = arith.constant 0 : i32
          %dma_wait3A_441 = arith.constant 0 : i32
          %dma_wait3A_442 = tpu.memref_slice %arg10[%dma_wait3A_440, %dma_wait3A_441] : memref<10240x64xf32, #tpu.memory_space<vmem_shared>> -> memref<10240x64xf32, #tpu.memory_space<vmem_shared>>
          %dma_wait3A_443 = tpu.memref_slice %arg12[%dma_wait3A_432] : memref<5x!tpu.dma_semaphore, #tpu.memory_space<semaphore_mem>> -> memref<1x!tpu.dma_semaphore, #tpu.memory_space<semaphore_mem>>
          %dma_wait3A_444 = tpu.memref_squeeze %dma_wait3A_443 : memref<1x!tpu.dma_semaphore, #tpu.memory_space<semaphore_mem>> -> memref<!tpu.dma_semaphore, #tpu.memory_space<semaphore_mem>>
          tpu.wait_indirect_dma semaphore(%dma_wait3A_444 : memref<!tpu.dma_semaphore, #tpu.memory_space<semaphore_mem>>) src(%dma_wait3A_436 : memref<125x64xf32, #tpu.memory_space<vmem>>) dst(%dma_wait3A_442 : memref<10240x64xf32, #tpu.memory_space<vmem_shared>>)
        } else {
        }
        %add3A_409 = arith.constant 5 : i32
        %add3A_410 = arith.addi %add3A_242, %add3A_409 : i32
        %sub3A_411 = arith.constant 1 : i32
        %sub3A_412 = arith.subi %add3A_410, %sub3A_411 : i32
        %dma_start3A_413 = arith.constant 0 : i32
        %dma_start3A_414 = arith.constant 0 : i32
        %dma_start3A_415 = arith.constant 0 : i32
        %dma_start3A_416 = arith.constant 0 : i32
        %dma_start3A_417 = tpu.memref_slice %arg8[%dma_start3A_413, %dma_start3A_415, %dma_start3A_416] : memref<5x125x64xf32, #tpu.memory_space<vmem>> -> memref<1x125x64xf32, #tpu.memory_space<vmem>>
        %dma_start3A_418 = tpu.memref_squeeze %dma_start3A_417 : memref<1x125x64xf32, #tpu.memory_space<vmem>> -> memref<125x64xf32, #tpu.memory_space<vmem>>
        %dma_start3A_419 = arith.constant 0 : i32
        %dma_start3A_420 = tpu.memref_slice %arg6[%sub3A_412, %dma_start3A_419] : memref<160x125xi32, #tpu.memory_space<vmem>> -> memref<1x125xi32, #tpu.memory_space<vmem>>
        %dma_start3A_421 = tpu.memref_squeeze %dma_start3A_420 : memref<1x125xi32, #tpu.memory_space<vmem>> -> memref<125xi32, #tpu.memory_space<vmem>>
        %dma_start3A_422 = arith.constant 0 : i32
        %dma_start3A_423 = tpu.memref_slice %arg2[%arg0, %dma_start3A_422] : memref<20000x64xf32, #tpu.memory_space<hbm>> -> memref<19999x64xf32, #tpu.memory_space<hbm>>
        %dma_start3A_424 = arith.constant 0 : i32
        %dma_start3A_425 = arith.constant 0 : i32
        %dma_start3A_426 = tpu.memref_slice %dma_start3A_423[%dma_start3A_424, %dma_start3A_425] : memref<19999x64xf32, #tpu.memory_space<hbm>> -> memref<19999x64xf32, #tpu.memory_space<hbm>>
        %dma_start3A_427 = tpu.memref_slice %arg11[%dma_start3A_414] : memref<5x!tpu.dma_semaphore, #tpu.memory_space<semaphore_mem>> -> memref<1x!tpu.dma_semaphore, #tpu.memory_space<semaphore_mem>>
        %dma_start3A_428 = tpu.memref_squeeze %dma_start3A_427 : memref<1x!tpu.dma_semaphore, #tpu.memory_space<semaphore_mem>> -> memref<!tpu.dma_semaphore, #tpu.memory_space<semaphore_mem>>
        tpu.enqueue_indirect_dma source(%dma_start3A_426 : memref<19999x64xf32, #tpu.memory_space<hbm>>) target(%dma_start3A_418 : memref<125x64xf32, #tpu.memory_space<vmem>>) offsets(%dma_start3A_421 : memref<125xi32, #tpu.memory_space<vmem>>) semaphore(%dma_start3A_428 : memref<!tpu.dma_semaphore, #tpu.memory_space<semaphore_mem>>)
      } else {
      }
      %add3A_282 = arith.constant 2 : i32
      %add3A_283 = arith.addi %mul3A_203, %add3A_282 : i32
      %dma_wait3A_284 = arith.constant 2 : i32
      %dma_wait3A_285 = arith.constant 2 : i32
      %dma_wait3A_286 = arith.constant 0 : i32
      %dma_wait3A_287 = arith.constant 0 : i32
      %dma_wait3A_288 = tpu.memref_slice %arg8[%dma_wait3A_284, %dma_wait3A_286, %dma_wait3A_287] : memref<5x125x64xf32, #tpu.memory_space<vmem>> -> memref<1x125x64xf32, #tpu.memory_space<vmem>>
      %dma_wait3A_289 = tpu.memref_squeeze %dma_wait3A_288 : memref<1x125x64xf32, #tpu.memory_space<vmem>> -> memref<125x64xf32, #tpu.memory_space<vmem>>
      %dma_wait3A_290 = arith.constant 0 : i32
      %dma_wait3A_291 = tpu.memref_slice %arg6[%add3A_283, %dma_wait3A_290] : memref<160x125xi32, #tpu.memory_space<vmem>> -> memref<1x125xi32, #tpu.memory_space<vmem>>
      %dma_wait3A_292 = tpu.memref_squeeze %dma_wait3A_291 : memref<1x125xi32, #tpu.memory_space<vmem>> -> memref<125xi32, #tpu.memory_space<vmem>>
      %dma_wait3A_293 = arith.constant 0 : i32
      %dma_wait3A_294 = tpu.memref_slice %arg2[%arg0, %dma_wait3A_293] : memref<20000x64xf32, #tpu.memory_space<hbm>> -> memref<19999x64xf32, #tpu.memory_space<hbm>>
      %dma_wait3A_295 = arith.constant 0 : i32
      %dma_wait3A_296 = arith.constant 0 : i32
      %dma_wait3A_297 = tpu.memref_slice %dma_wait3A_294[%dma_wait3A_295, %dma_wait3A_296] : memref<19999x64xf32, #tpu.memory_space<hbm>> -> memref<19999x64xf32, #tpu.memory_space<hbm>>
      %dma_wait3A_298 = tpu.memref_slice %arg11[%dma_wait3A_285] : memref<5x!tpu.dma_semaphore, #tpu.memory_space<semaphore_mem>> -> memref<1x!tpu.dma_semaphore, #tpu.memory_space<semaphore_mem>>
      %dma_wait3A_299 = tpu.memref_squeeze %dma_wait3A_298 : memref<1x!tpu.dma_semaphore, #tpu.memory_space<semaphore_mem>> -> memref<!tpu.dma_semaphore, #tpu.memory_space<semaphore_mem>>
      tpu.wait_indirect_dma semaphore(%dma_wait3A_299 : memref<!tpu.dma_semaphore, #tpu.memory_space<semaphore_mem>>) src(%dma_wait3A_297 : memref<19999x64xf32, #tpu.memory_space<hbm>>) dst(%dma_wait3A_289 : memref<125x64xf32, #tpu.memory_space<vmem>>)
      %dma_start3A_300 = arith.constant 2 : i32
      %dma_start3A_301 = arith.constant 2 : i32
      %dma_start3A_302 = arith.constant 0 : i32
      %dma_start3A_303 = arith.constant 0 : i32
      %dma_start3A_304 = tpu.memref_slice %arg8[%dma_start3A_300, %dma_start3A_302, %dma_start3A_303] : memref<5x125x64xf32, #tpu.memory_space<vmem>> -> memref<1x125x64xf32, #tpu.memory_space<vmem>>
      %dma_start3A_305 = tpu.memref_squeeze %dma_start3A_304 : memref<1x125x64xf32, #tpu.memory_space<vmem>> -> memref<125x64xf32, #tpu.memory_space<vmem>>
      %dma_start3A_306 = arith.constant 0 : i32
      %dma_start3A_307 = tpu.memref_slice %arg7[%add3A_283, %dma_start3A_306] : memref<160x125xi32, #tpu.memory_space<vmem>> -> memref<1x125xi32, #tpu.memory_space<vmem>>
      %dma_start3A_308 = tpu.memref_squeeze %dma_start3A_307 : memref<1x125xi32, #tpu.memory_space<vmem>> -> memref<125xi32, #tpu.memory_space<vmem>>
      %dma_start3A_309 = arith.constant 0 : i32
      %dma_start3A_310 = arith.constant 0 : i32
      %dma_start3A_311 = tpu.memref_slice %arg10[%dma_start3A_309, %dma_start3A_310] : memref<10240x64xf32, #tpu.memory_space<vmem_shared>> -> memref<10240x64xf32, #tpu.memory_space<vmem_shared>>
      %dma_start3A_312 = tpu.memref_slice %arg12[%dma_start3A_301] : memref<5x!tpu.dma_semaphore, #tpu.memory_space<semaphore_mem>> -> memref<1x!tpu.dma_semaphore, #tpu.memory_space<semaphore_mem>>
      %dma_start3A_313 = tpu.memref_squeeze %dma_start3A_312 : memref<1x!tpu.dma_semaphore, #tpu.memory_space<semaphore_mem>> -> memref<!tpu.dma_semaphore, #tpu.memory_space<semaphore_mem>>
      tpu.enqueue_indirect_dma source(%dma_start3A_305 : memref<125x64xf32, #tpu.memory_space<vmem>>) target(%dma_start3A_311 : memref<10240x64xf32, #tpu.memory_space<vmem_shared>>) offsets(%dma_start3A_308 : memref<125xi32, #tpu.memory_space<vmem>>) semaphore(%dma_start3A_313 : memref<!tpu.dma_semaphore, #tpu.memory_space<semaphore_mem>>) {add = true}
      %add3A_314 = arith.constant 5 : i32
      %add3A_315 = arith.addi %add3A_283, %add3A_314 : i32
      %sub3A_316 = arith.constant 1 : i32
      %sub3A_317 = arith.subi %add3A_315, %sub3A_316 : i32
      %lt3A_318 = arith.constant 160 : i32
      %lt3A_319 = arith.cmpi slt, %sub3A_317, %lt3A_318 : i32
      %convert_element_type3A_320 = arith.extui %lt3A_319 : i1 to i32
      %cond3A_321 = arith.constant 0 : i32
      %cond3A_322 = arith.cmpi ne, %convert_element_type3A_320, %cond3A_321 : i32
      scf.if %cond3A_322 {
        %ge3A = arith.constant 1 : i32
        %ge3A_405 = arith.cmpi sge, %add3A_283, %ge3A : i32
        %convert_element_type3A_406 = arith.extui %ge3A_405 : i1 to i32
        %cond3A_407 = arith.constant 0 : i32
        %cond3A_408 = arith.cmpi ne, %convert_element_type3A_406, %cond3A_407 : i32
        scf.if %cond3A_408 {
          %sub3A_429 = arith.constant 1 : i32
          %sub3A_430 = arith.subi %add3A_283, %sub3A_429 : i32
          %dma_wait3A_431 = arith.constant 1 : i32
          %dma_wait3A_432 = arith.constant 1 : i32
          %dma_wait3A_433 = arith.constant 0 : i32
          %dma_wait3A_434 = arith.constant 0 : i32
          %dma_wait3A_435 = tpu.memref_slice %arg8[%dma_wait3A_431, %dma_wait3A_433, %dma_wait3A_434] : memref<5x125x64xf32, #tpu.memory_space<vmem>> -> memref<1x125x64xf32, #tpu.memory_space<vmem>>
          %dma_wait3A_436 = tpu.memref_squeeze %dma_wait3A_435 : memref<1x125x64xf32, #tpu.memory_space<vmem>> -> memref<125x64xf32, #tpu.memory_space<vmem>>
          %dma_wait3A_437 = arith.constant 0 : i32
          %dma_wait3A_438 = tpu.memref_slice %arg7[%sub3A_430, %dma_wait3A_437] : memref<160x125xi32, #tpu.memory_space<vmem>> -> memref<1x125xi32, #tpu.memory_space<vmem>>
          %dma_wait3A_439 = tpu.memref_squeeze %dma_wait3A_438 : memref<1x125xi32, #tpu.memory_space<vmem>> -> memref<125xi32, #tpu.memory_space<vmem>>
          %dma_wait3A_440 = arith.constant 0 : i32
          %dma_wait3A_441 = arith.constant 0 : i32
          %dma_wait3A_442 = tpu.memref_slice %arg10[%dma_wait3A_440, %dma_wait3A_441] : memref<10240x64xf32, #tpu.memory_space<vmem_shared>> -> memref<10240x64xf32, #tpu.memory_space<vmem_shared>>
          %dma_wait3A_443 = tpu.memref_slice %arg12[%dma_wait3A_432] : memref<5x!tpu.dma_semaphore, #tpu.memory_space<semaphore_mem>> -> memref<1x!tpu.dma_semaphore, #tpu.memory_space<semaphore_mem>>
          %dma_wait3A_444 = tpu.memref_squeeze %dma_wait3A_443 : memref<1x!tpu.dma_semaphore, #tpu.memory_space<semaphore_mem>> -> memref<!tpu.dma_semaphore, #tpu.memory_space<semaphore_mem>>
          tpu.wait_indirect_dma semaphore(%dma_wait3A_444 : memref<!tpu.dma_semaphore, #tpu.memory_space<semaphore_mem>>) src(%dma_wait3A_436 : memref<125x64xf32, #tpu.memory_space<vmem>>) dst(%dma_wait3A_442 : memref<10240x64xf32, #tpu.memory_space<vmem_shared>>)
        } else {
        }
        %add3A_409 = arith.constant 5 : i32
        %add3A_410 = arith.addi %add3A_283, %add3A_409 : i32
        %sub3A_411 = arith.constant 1 : i32
        %sub3A_412 = arith.subi %add3A_410, %sub3A_411 : i32
        %dma_start3A_413 = arith.constant 1 : i32
        %dma_start3A_414 = arith.constant 1 : i32
        %dma_start3A_415 = arith.constant 0 : i32
        %dma_start3A_416 = arith.constant 0 : i32
        %dma_start3A_417 = tpu.memref_slice %arg8[%dma_start3A_413, %dma_start3A_415, %dma_start3A_416] : memref<5x125x64xf32, #tpu.memory_space<vmem>> -> memref<1x125x64xf32, #tpu.memory_space<vmem>>
        %dma_start3A_418 = tpu.memref_squeeze %dma_start3A_417 : memref<1x125x64xf32, #tpu.memory_space<vmem>> -> memref<125x64xf32, #tpu.memory_space<vmem>>
        %dma_start3A_419 = arith.constant 0 : i32
        %dma_start3A_420 = tpu.memref_slice %arg6[%sub3A_412, %dma_start3A_419] : memref<160x125xi32, #tpu.memory_space<vmem>> -> memref<1x125xi32, #tpu.memory_space<vmem>>
        %dma_start3A_421 = tpu.memref_squeeze %dma_start3A_420 : memref<1x125xi32, #tpu.memory_space<vmem>> -> memref<125xi32, #tpu.memory_space<vmem>>
        %dma_start3A_422 = arith.constant 0 : i32
        %dma_start3A_423 = tpu.memref_slice %arg2[%arg0, %dma_start3A_422] : memref<20000x64xf32, #tpu.memory_space<hbm>> -> memref<19999x64xf32, #tpu.memory_space<hbm>>
        %dma_start3A_424 = arith.constant 0 : i32
        %dma_start3A_425 = arith.constant 0 : i32
        %dma_start3A_426 = tpu.memref_slice %dma_start3A_423[%dma_start3A_424, %dma_start3A_425] : memref<19999x64xf32, #tpu.memory_space<hbm>> -> memref<19999x64xf32, #tpu.memory_space<hbm>>
        %dma_start3A_427 = tpu.memref_slice %arg11[%dma_start3A_414] : memref<5x!tpu.dma_semaphore, #tpu.memory_space<semaphore_mem>> -> memref<1x!tpu.dma_semaphore, #tpu.memory_space<semaphore_mem>>
        %dma_start3A_428 = tpu.memref_squeeze %dma_start3A_427 : memref<1x!tpu.dma_semaphore, #tpu.memory_space<semaphore_mem>> -> memref<!tpu.dma_semaphore, #tpu.memory_space<semaphore_mem>>
        tpu.enqueue_indirect_dma source(%dma_start3A_426 : memref<19999x64xf32, #tpu.memory_space<hbm>>) target(%dma_start3A_418 : memref<125x64xf32, #tpu.memory_space<vmem>>) offsets(%dma_start3A_421 : memref<125xi32, #tpu.memory_space<vmem>>) semaphore(%dma_start3A_428 : memref<!tpu.dma_semaphore, #tpu.memory_space<semaphore_mem>>)
      } else {
      }
      %add3A_323 = arith.constant 3 : i32
      %add3A_324 = arith.addi %mul3A_203, %add3A_323 : i32
      %dma_wait3A_325 = arith.constant 3 : i32
      %dma_wait3A_326 = arith.constant 3 : i32
      %dma_wait3A_327 = arith.constant 0 : i32
      %dma_wait3A_328 = arith.constant 0 : i32
      %dma_wait3A_329 = tpu.memref_slice %arg8[%dma_wait3A_325, %dma_wait3A_327, %dma_wait3A_328] : memref<5x125x64xf32, #tpu.memory_space<vmem>> -> memref<1x125x64xf32, #tpu.memory_space<vmem>>
      %dma_wait3A_330 = tpu.memref_squeeze %dma_wait3A_329 : memref<1x125x64xf32, #tpu.memory_space<vmem>> -> memref<125x64xf32, #tpu.memory_space<vmem>>
      %dma_wait3A_331 = arith.constant 0 : i32
      %dma_wait3A_332 = tpu.memref_slice %arg6[%add3A_324, %dma_wait3A_331] : memref<160x125xi32, #tpu.memory_space<vmem>> -> memref<1x125xi32, #tpu.memory_space<vmem>>
      %dma_wait3A_333 = tpu.memref_squeeze %dma_wait3A_332 : memref<1x125xi32, #tpu.memory_space<vmem>> -> memref<125xi32, #tpu.memory_space<vmem>>
      %dma_wait3A_334 = arith.constant 0 : i32
      %dma_wait3A_335 = tpu.memref_slice %arg2[%arg0, %dma_wait3A_334] : memref<20000x64xf32, #tpu.memory_space<hbm>> -> memref<19999x64xf32, #tpu.memory_space<hbm>>
      %dma_wait3A_336 = arith.constant 0 : i32
      %dma_wait3A_337 = arith.constant 0 : i32
      %dma_wait3A_338 = tpu.memref_slice %dma_wait3A_335[%dma_wait3A_336, %dma_wait3A_337] : memref<19999x64xf32, #tpu.memory_space<hbm>> -> memref<19999x64xf32, #tpu.memory_space<hbm>>
      %dma_wait3A_339 = tpu.memref_slice %arg11[%dma_wait3A_326] : memref<5x!tpu.dma_semaphore, #tpu.memory_space<semaphore_mem>> -> memref<1x!tpu.dma_semaphore, #tpu.memory_space<semaphore_mem>>
      %dma_wait3A_340 = tpu.memref_squeeze %dma_wait3A_339 : memref<1x!tpu.dma_semaphore, #tpu.memory_space<semaphore_mem>> -> memref<!tpu.dma_semaphore, #tpu.memory_space<semaphore_mem>>
      tpu.wait_indirect_dma semaphore(%dma_wait3A_340 : memref<!tpu.dma_semaphore, #tpu.memory_space<semaphore_mem>>) src(%dma_wait3A_338 : memref<19999x64xf32, #tpu.memory_space<hbm>>) dst(%dma_wait3A_330 : memref<125x64xf32, #tpu.memory_space<vmem>>)
      %dma_start3A_341 = arith.constant 3 : i32
      %dma_start3A_342 = arith.constant 3 : i32
      %dma_start3A_343 = arith.constant 0 : i32
      %dma_start3A_344 = arith.constant 0 : i32
      %dma_start3A_345 = tpu.memref_slice %arg8[%dma_start3A_341, %dma_start3A_343, %dma_start3A_344] : memref<5x125x64xf32, #tpu.memory_space<vmem>> -> memref<1x125x64xf32, #tpu.memory_space<vmem>>
      %dma_start3A_346 = tpu.memref_squeeze %dma_start3A_345 : memref<1x125x64xf32, #tpu.memory_space<vmem>> -> memref<125x64xf32, #tpu.memory_space<vmem>>
      %dma_start3A_347 = arith.constant 0 : i32
      %dma_start3A_348 = tpu.memref_slice %arg7[%add3A_324, %dma_start3A_347] : memref<160x125xi32, #tpu.memory_space<vmem>> -> memref<1x125xi32, #tpu.memory_space<vmem>>
      %dma_start3A_349 = tpu.memref_squeeze %dma_start3A_348 : memref<1x125xi32, #tpu.memory_space<vmem>> -> memref<125xi32, #tpu.memory_space<vmem>>
      %dma_start3A_350 = arith.constant 0 : i32
      %dma_start3A_351 = arith.constant 0 : i32
      %dma_start3A_352 = tpu.memref_slice %arg10[%dma_start3A_350, %dma_start3A_351] : memref<10240x64xf32, #tpu.memory_space<vmem_shared>> -> memref<10240x64xf32, #tpu.memory_space<vmem_shared>>
      %dma_start3A_353 = tpu.memref_slice %arg12[%dma_start3A_342] : memref<5x!tpu.dma_semaphore, #tpu.memory_space<semaphore_mem>> -> memref<1x!tpu.dma_semaphore, #tpu.memory_space<semaphore_mem>>
      %dma_start3A_354 = tpu.memref_squeeze %dma_start3A_353 : memref<1x!tpu.dma_semaphore, #tpu.memory_space<semaphore_mem>> -> memref<!tpu.dma_semaphore, #tpu.memory_space<semaphore_mem>>
      tpu.enqueue_indirect_dma source(%dma_start3A_346 : memref<125x64xf32, #tpu.memory_space<vmem>>) target(%dma_start3A_352 : memref<10240x64xf32, #tpu.memory_space<vmem_shared>>) offsets(%dma_start3A_349 : memref<125xi32, #tpu.memory_space<vmem>>) semaphore(%dma_start3A_354 : memref<!tpu.dma_semaphore, #tpu.memory_space<semaphore_mem>>) {add = true}
      %add3A_355 = arith.constant 5 : i32
      %add3A_356 = arith.addi %add3A_324, %add3A_355 : i32
      %sub3A_357 = arith.constant 1 : i32
      %sub3A_358 = arith.subi %add3A_356, %sub3A_357 : i32
      %lt3A_359 = arith.constant 160 : i32
      %lt3A_360 = arith.cmpi slt, %sub3A_358, %lt3A_359 : i32
      %convert_element_type3A_361 = arith.extui %lt3A_360 : i1 to i32
      %cond3A_362 = arith.constant 0 : i32
      %cond3A_363 = arith.cmpi ne, %convert_element_type3A_361, %cond3A_362 : i32
      scf.if %cond3A_363 {
        %ge3A = arith.constant 1 : i32
        %ge3A_405 = arith.cmpi sge, %add3A_324, %ge3A : i32
        %convert_element_type3A_406 = arith.extui %ge3A_405 : i1 to i32
        %cond3A_407 = arith.constant 0 : i32
        %cond3A_408 = arith.cmpi ne, %convert_element_type3A_406, %cond3A_407 : i32
        scf.if %cond3A_408 {
          %sub3A_429 = arith.constant 1 : i32
          %sub3A_430 = arith.subi %add3A_324, %sub3A_429 : i32
          %dma_wait3A_431 = arith.constant 2 : i32
          %dma_wait3A_432 = arith.constant 2 : i32
          %dma_wait3A_433 = arith.constant 0 : i32
          %dma_wait3A_434 = arith.constant 0 : i32
          %dma_wait3A_435 = tpu.memref_slice %arg8[%dma_wait3A_431, %dma_wait3A_433, %dma_wait3A_434] : memref<5x125x64xf32, #tpu.memory_space<vmem>> -> memref<1x125x64xf32, #tpu.memory_space<vmem>>
          %dma_wait3A_436 = tpu.memref_squeeze %dma_wait3A_435 : memref<1x125x64xf32, #tpu.memory_space<vmem>> -> memref<125x64xf32, #tpu.memory_space<vmem>>
          %dma_wait3A_437 = arith.constant 0 : i32
          %dma_wait3A_438 = tpu.memref_slice %arg7[%sub3A_430, %dma_wait3A_437] : memref<160x125xi32, #tpu.memory_space<vmem>> -> memref<1x125xi32, #tpu.memory_space<vmem>>
          %dma_wait3A_439 = tpu.memref_squeeze %dma_wait3A_438 : memref<1x125xi32, #tpu.memory_space<vmem>> -> memref<125xi32, #tpu.memory_space<vmem>>
          %dma_wait3A_440 = arith.constant 0 : i32
          %dma_wait3A_441 = arith.constant 0 : i32
          %dma_wait3A_442 = tpu.memref_slice %arg10[%dma_wait3A_440, %dma_wait3A_441] : memref<10240x64xf32, #tpu.memory_space<vmem_shared>> -> memref<10240x64xf32, #tpu.memory_space<vmem_shared>>
          %dma_wait3A_443 = tpu.memref_slice %arg12[%dma_wait3A_432] : memref<5x!tpu.dma_semaphore, #tpu.memory_space<semaphore_mem>> -> memref<1x!tpu.dma_semaphore, #tpu.memory_space<semaphore_mem>>
          %dma_wait3A_444 = tpu.memref_squeeze %dma_wait3A_443 : memref<1x!tpu.dma_semaphore, #tpu.memory_space<semaphore_mem>> -> memref<!tpu.dma_semaphore, #tpu.memory_space<semaphore_mem>>
          tpu.wait_indirect_dma semaphore(%dma_wait3A_444 : memref<!tpu.dma_semaphore, #tpu.memory_space<semaphore_mem>>) src(%dma_wait3A_436 : memref<125x64xf32, #tpu.memory_space<vmem>>) dst(%dma_wait3A_442 : memref<10240x64xf32, #tpu.memory_space<vmem_shared>>)
        } else {
        }
        %add3A_409 = arith.constant 5 : i32
        %add3A_410 = arith.addi %add3A_324, %add3A_409 : i32
        %sub3A_411 = arith.constant 1 : i32
        %sub3A_412 = arith.subi %add3A_410, %sub3A_411 : i32
        %dma_start3A_413 = arith.constant 2 : i32
        %dma_start3A_414 = arith.constant 2 : i32
        %dma_start3A_415 = arith.constant 0 : i32
        %dma_start3A_416 = arith.constant 0 : i32
        %dma_start3A_417 = tpu.memref_slice %arg8[%dma_start3A_413, %dma_start3A_415, %dma_start3A_416] : memref<5x125x64xf32, #tpu.memory_space<vmem>> -> memref<1x125x64xf32, #tpu.memory_space<vmem>>
        %dma_start3A_418 = tpu.memref_squeeze %dma_start3A_417 : memref<1x125x64xf32, #tpu.memory_space<vmem>> -> memref<125x64xf32, #tpu.memory_space<vmem>>
        %dma_start3A_419 = arith.constant 0 : i32
        %dma_start3A_420 = tpu.memref_slice %arg6[%sub3A_412, %dma_start3A_419] : memref<160x125xi32, #tpu.memory_space<vmem>> -> memref<1x125xi32, #tpu.memory_space<vmem>>
        %dma_start3A_421 = tpu.memref_squeeze %dma_start3A_420 : memref<1x125xi32, #tpu.memory_space<vmem>> -> memref<125xi32, #tpu.memory_space<vmem>>
        %dma_start3A_422 = arith.constant 0 : i32
        %dma_start3A_423 = tpu.memref_slice %arg2[%arg0, %dma_start3A_422] : memref<20000x64xf32, #tpu.memory_space<hbm>> -> memref<19999x64xf32, #tpu.memory_space<hbm>>
        %dma_start3A_424 = arith.constant 0 : i32
        %dma_start3A_425 = arith.constant 0 : i32
        %dma_start3A_426 = tpu.memref_slice %dma_start3A_423[%dma_start3A_424, %dma_start3A_425] : memref<19999x64xf32, #tpu.memory_space<hbm>> -> memref<19999x64xf32, #tpu.memory_space<hbm>>
        %dma_start3A_427 = tpu.memref_slice %arg11[%dma_start3A_414] : memref<5x!tpu.dma_semaphore, #tpu.memory_space<semaphore_mem>> -> memref<1x!tpu.dma_semaphore, #tpu.memory_space<semaphore_mem>>
        %dma_start3A_428 = tpu.memref_squeeze %dma_start3A_427 : memref<1x!tpu.dma_semaphore, #tpu.memory_space<semaphore_mem>> -> memref<!tpu.dma_semaphore, #tpu.memory_space<semaphore_mem>>
        tpu.enqueue_indirect_dma source(%dma_start3A_426 : memref<19999x64xf32, #tpu.memory_space<hbm>>) target(%dma_start3A_418 : memref<125x64xf32, #tpu.memory_space<vmem>>) offsets(%dma_start3A_421 : memref<125xi32, #tpu.memory_space<vmem>>) semaphore(%dma_start3A_428 : memref<!tpu.dma_semaphore, #tpu.memory_space<semaphore_mem>>)
      } else {
      }
      %add3A_364 = arith.constant 4 : i32
      %add3A_365 = arith.addi %mul3A_203, %add3A_364 : i32
      %dma_wait3A_366 = arith.constant 4 : i32
      %dma_wait3A_367 = arith.constant 4 : i32
      %dma_wait3A_368 = arith.constant 0 : i32
      %dma_wait3A_369 = arith.constant 0 : i32
      %dma_wait3A_370 = tpu.memref_slice %arg8[%dma_wait3A_366, %dma_wait3A_368, %dma_wait3A_369] : memref<5x125x64xf32, #tpu.memory_space<vmem>> -> memref<1x125x64xf32, #tpu.memory_space<vmem>>
      %dma_wait3A_371 = tpu.memref_squeeze %dma_wait3A_370 : memref<1x125x64xf32, #tpu.memory_space<vmem>> -> memref<125x64xf32, #tpu.memory_space<vmem>>
      %dma_wait3A_372 = arith.constant 0 : i32
      %dma_wait3A_373 = tpu.memref_slice %arg6[%add3A_365, %dma_wait3A_372] : memref<160x125xi32, #tpu.memory_space<vmem>> -> memref<1x125xi32, #tpu.memory_space<vmem>>
      %dma_wait3A_374 = tpu.memref_squeeze %dma_wait3A_373 : memref<1x125xi32, #tpu.memory_space<vmem>> -> memref<125xi32, #tpu.memory_space<vmem>>
      %dma_wait3A_375 = arith.constant 0 : i32
      %dma_wait3A_376 = tpu.memref_slice %arg2[%arg0, %dma_wait3A_375] : memref<20000x64xf32, #tpu.memory_space<hbm>> -> memref<19999x64xf32, #tpu.memory_space<hbm>>
      %dma_wait3A_377 = arith.constant 0 : i32
      %dma_wait3A_378 = arith.constant 0 : i32
      %dma_wait3A_379 = tpu.memref_slice %dma_wait3A_376[%dma_wait3A_377, %dma_wait3A_378] : memref<19999x64xf32, #tpu.memory_space<hbm>> -> memref<19999x64xf32, #tpu.memory_space<hbm>>
      %dma_wait3A_380 = tpu.memref_slice %arg11[%dma_wait3A_367] : memref<5x!tpu.dma_semaphore, #tpu.memory_space<semaphore_mem>> -> memref<1x!tpu.dma_semaphore, #tpu.memory_space<semaphore_mem>>
      %dma_wait3A_381 = tpu.memref_squeeze %dma_wait3A_380 : memref<1x!tpu.dma_semaphore, #tpu.memory_space<semaphore_mem>> -> memref<!tpu.dma_semaphore, #tpu.memory_space<semaphore_mem>>
      tpu.wait_indirect_dma semaphore(%dma_wait3A_381 : memref<!tpu.dma_semaphore, #tpu.memory_space<semaphore_mem>>) src(%dma_wait3A_379 : memref<19999x64xf32, #tpu.memory_space<hbm>>) dst(%dma_wait3A_371 : memref<125x64xf32, #tpu.memory_space<vmem>>)
      %dma_start3A_382 = arith.constant 4 : i32
      %dma_start3A_383 = arith.constant 4 : i32
      %dma_start3A_384 = arith.constant 0 : i32
      %dma_start3A_385 = arith.constant 0 : i32
      %dma_start3A_386 = tpu.memref_slice %arg8[%dma_start3A_382, %dma_start3A_384, %dma_start3A_385] : memref<5x125x64xf32, #tpu.memory_space<vmem>> -> memref<1x125x64xf32, #tpu.memory_space<vmem>>
      %dma_start3A_387 = tpu.memref_squeeze %dma_start3A_386 : memref<1x125x64xf32, #tpu.memory_space<vmem>> -> memref<125x64xf32, #tpu.memory_space<vmem>>
      %dma_start3A_388 = arith.constant 0 : i32
      %dma_start3A_389 = tpu.memref_slice %arg7[%add3A_365, %dma_start3A_388] : memref<160x125xi32, #tpu.memory_space<vmem>> -> memref<1x125xi32, #tpu.memory_space<vmem>>
      %dma_start3A_390 = tpu.memref_squeeze %dma_start3A_389 : memref<1x125xi32, #tpu.memory_space<vmem>> -> memref<125xi32, #tpu.memory_space<vmem>>
      %dma_start3A_391 = arith.constant 0 : i32
      %dma_start3A_392 = arith.constant 0 : i32
      %dma_start3A_393 = tpu.memref_slice %arg10[%dma_start3A_391, %dma_start3A_392] : memref<10240x64xf32, #tpu.memory_space<vmem_shared>> -> memref<10240x64xf32, #tpu.memory_space<vmem_shared>>
      %dma_start3A_394 = tpu.memref_slice %arg12[%dma_start3A_383] : memref<5x!tpu.dma_semaphore, #tpu.memory_space<semaphore_mem>> -> memref<1x!tpu.dma_semaphore, #tpu.memory_space<semaphore_mem>>
      %dma_start3A_395 = tpu.memref_squeeze %dma_start3A_394 : memref<1x!tpu.dma_semaphore, #tpu.memory_space<semaphore_mem>> -> memref<!tpu.dma_semaphore, #tpu.memory_space<semaphore_mem>>
      tpu.enqueue_indirect_dma source(%dma_start3A_387 : memref<125x64xf32, #tpu.memory_space<vmem>>) target(%dma_start3A_393 : memref<10240x64xf32, #tpu.memory_space<vmem_shared>>) offsets(%dma_start3A_390 : memref<125xi32, #tpu.memory_space<vmem>>) semaphore(%dma_start3A_395 : memref<!tpu.dma_semaphore, #tpu.memory_space<semaphore_mem>>) {add = true}
      %add3A_396 = arith.constant 5 : i32
      %add3A_397 = arith.addi %add3A_365, %add3A_396 : i32
      %sub3A_398 = arith.constant 1 : i32
      %sub3A_399 = arith.subi %add3A_397, %sub3A_398 : i32
      %lt3A_400 = arith.constant 160 : i32
      %lt3A_401 = arith.cmpi slt, %sub3A_399, %lt3A_400 : i32
      %convert_element_type3A_402 = arith.extui %lt3A_401 : i1 to i32
      %cond3A_403 = arith.constant 0 : i32
      %cond3A_404 = arith.cmpi ne, %convert_element_type3A_402, %cond3A_403 : i32
      scf.if %cond3A_404 {
        %ge3A = arith.constant 1 : i32
        %ge3A_405 = arith.cmpi sge, %add3A_365, %ge3A : i32
        %convert_element_type3A_406 = arith.extui %ge3A_405 : i1 to i32
        %cond3A_407 = arith.constant 0 : i32
        %cond3A_408 = arith.cmpi ne, %convert_element_type3A_406, %cond3A_407 : i32
        scf.if %cond3A_408 {
          %sub3A_429 = arith.constant 1 : i32
          %sub3A_430 = arith.subi %add3A_365, %sub3A_429 : i32
          %dma_wait3A_431 = arith.constant 3 : i32
          %dma_wait3A_432 = arith.constant 3 : i32
          %dma_wait3A_433 = arith.constant 0 : i32
          %dma_wait3A_434 = arith.constant 0 : i32
          %dma_wait3A_435 = tpu.memref_slice %arg8[%dma_wait3A_431, %dma_wait3A_433, %dma_wait3A_434] : memref<5x125x64xf32, #tpu.memory_space<vmem>> -> memref<1x125x64xf32, #tpu.memory_space<vmem>>
          %dma_wait3A_436 = tpu.memref_squeeze %dma_wait3A_435 : memref<1x125x64xf32, #tpu.memory_space<vmem>> -> memref<125x64xf32, #tpu.memory_space<vmem>>
          %dma_wait3A_437 = arith.constant 0 : i32
          %dma_wait3A_438 = tpu.memref_slice %arg7[%sub3A_430, %dma_wait3A_437] : memref<160x125xi32, #tpu.memory_space<vmem>> -> memref<1x125xi32, #tpu.memory_space<vmem>>
          %dma_wait3A_439 = tpu.memref_squeeze %dma_wait3A_438 : memref<1x125xi32, #tpu.memory_space<vmem>> -> memref<125xi32, #tpu.memory_space<vmem>>
          %dma_wait3A_440 = arith.constant 0 : i32
          %dma_wait3A_441 = arith.constant 0 : i32
          %dma_wait3A_442 = tpu.memref_slice %arg10[%dma_wait3A_440, %dma_wait3A_441] : memref<10240x64xf32, #tpu.memory_space<vmem_shared>> -> memref<10240x64xf32, #tpu.memory_space<vmem_shared>>
          %dma_wait3A_443 = tpu.memref_slice %arg12[%dma_wait3A_432] : memref<5x!tpu.dma_semaphore, #tpu.memory_space<semaphore_mem>> -> memref<1x!tpu.dma_semaphore, #tpu.memory_space<semaphore_mem>>
          %dma_wait3A_444 = tpu.memref_squeeze %dma_wait3A_443 : memref<1x!tpu.dma_semaphore, #tpu.memory_space<semaphore_mem>> -> memref<!tpu.dma_semaphore, #tpu.memory_space<semaphore_mem>>
          tpu.wait_indirect_dma semaphore(%dma_wait3A_444 : memref<!tpu.dma_semaphore, #tpu.memory_space<semaphore_mem>>) src(%dma_wait3A_436 : memref<125x64xf32, #tpu.memory_space<vmem>>) dst(%dma_wait3A_442 : memref<10240x64xf32, #tpu.memory_space<vmem_shared>>)
        } else {
        }
        %add3A_409 = arith.constant 5 : i32
        %add3A_410 = arith.addi %add3A_365, %add3A_409 : i32
        %sub3A_411 = arith.constant 1 : i32
        %sub3A_412 = arith.subi %add3A_410, %sub3A_411 : i32
        %dma_start3A_413 = arith.constant 3 : i32
        %dma_start3A_414 = arith.constant 3 : i32
        %dma_start3A_415 = arith.constant 0 : i32
        %dma_start3A_416 = arith.constant 0 : i32
        %dma_start3A_417 = tpu.memref_slice %arg8[%dma_start3A_413, %dma_start3A_415, %dma_start3A_416] : memref<5x125x64xf32, #tpu.memory_space<vmem>> -> memref<1x125x64xf32, #tpu.memory_space<vmem>>
        %dma_start3A_418 = tpu.memref_squeeze %dma_start3A_417 : memref<1x125x64xf32, #tpu.memory_space<vmem>> -> memref<125x64xf32, #tpu.memory_space<vmem>>
        %dma_start3A_419 = arith.constant 0 : i32
        %dma_start3A_420 = tpu.memref_slice %arg6[%sub3A_412, %dma_start3A_419] : memref<160x125xi32, #tpu.memory_space<vmem>> -> memref<1x125xi32, #tpu.memory_space<vmem>>
        %dma_start3A_421 = tpu.memref_squeeze %dma_start3A_420 : memref<1x125xi32, #tpu.memory_space<vmem>> -> memref<125xi32, #tpu.memory_space<vmem>>
        %dma_start3A_422 = arith.constant 0 : i32
        %dma_start3A_423 = tpu.memref_slice %arg2[%arg0, %dma_start3A_422] : memref<20000x64xf32, #tpu.memory_space<hbm>> -> memref<19999x64xf32, #tpu.memory_space<hbm>>
        %dma_start3A_424 = arith.constant 0 : i32
        %dma_start3A_425 = arith.constant 0 : i32
        %dma_start3A_426 = tpu.memref_slice %dma_start3A_423[%dma_start3A_424, %dma_start3A_425] : memref<19999x64xf32, #tpu.memory_space<hbm>> -> memref<19999x64xf32, #tpu.memory_space<hbm>>
        %dma_start3A_427 = tpu.memref_slice %arg11[%dma_start3A_414] : memref<5x!tpu.dma_semaphore, #tpu.memory_space<semaphore_mem>> -> memref<1x!tpu.dma_semaphore, #tpu.memory_space<semaphore_mem>>
        %dma_start3A_428 = tpu.memref_squeeze %dma_start3A_427 : memref<1x!tpu.dma_semaphore, #tpu.memory_space<semaphore_mem>> -> memref<!tpu.dma_semaphore, #tpu.memory_space<semaphore_mem>>
        tpu.enqueue_indirect_dma source(%dma_start3A_426 : memref<19999x64xf32, #tpu.memory_space<hbm>>) target(%dma_start3A_418 : memref<125x64xf32, #tpu.memory_space<vmem>>) offsets(%dma_start3A_421 : memref<125xi32, #tpu.memory_space<vmem>>) semaphore(%dma_start3A_428 : memref<!tpu.dma_semaphore, #tpu.memory_space<semaphore_mem>>)
      } else {
      }
    }
    %scan3A_95 = arith.constant 32 : i32
    %dma_wait3A = arith.constant 0 : i32
    %dma_wait3A_96 = arith.constant 155 : i32
    %dma_wait3A_97 = arith.constant 0 : i32
    %dma_wait3A_98 = arith.constant 0 : i32
    %dma_wait3A_99 = arith.constant 0 : i32
    %dma_wait3A_100 = tpu.memref_slice %arg8[%dma_wait3A, %dma_wait3A_98, %dma_wait3A_99] : memref<5x125x64xf32, #tpu.memory_space<vmem>> -> memref<1x125x64xf32, #tpu.memory_space<vmem>>
    %dma_wait3A_101 = tpu.memref_squeeze %dma_wait3A_100 : memref<1x125x64xf32, #tpu.memory_space<vmem>> -> memref<125x64xf32, #tpu.memory_space<vmem>>
    %dma_wait3A_102 = arith.constant 0 : i32
    %dma_wait3A_103 = tpu.memref_slice %arg7[%dma_wait3A_96, %dma_wait3A_102] : memref<160x125xi32, #tpu.memory_space<vmem>> -> memref<1x125xi32, #tpu.memory_space<vmem>>
    %dma_wait3A_104 = tpu.memref_squeeze %dma_wait3A_103 : memref<1x125xi32, #tpu.memory_space<vmem>> -> memref<125xi32, #tpu.memory_space<vmem>>
    %dma_wait3A_105 = arith.constant 0 : i32
    %dma_wait3A_106 = arith.constant 0 : i32
    %dma_wait3A_107 = tpu.memref_slice %arg10[%dma_wait3A_105, %dma_wait3A_106] : memref<10240x64xf32, #tpu.memory_space<vmem_shared>> -> memref<10240x64xf32, #tpu.memory_space<vmem_shared>>
    %dma_wait3A_108 = tpu.memref_slice %arg12[%dma_wait3A_97] : memref<5x!tpu.dma_semaphore, #tpu.memory_space<semaphore_mem>> -> memref<1x!tpu.dma_semaphore, #tpu.memory_space<semaphore_mem>>
    %dma_wait3A_109 = tpu.memref_squeeze %dma_wait3A_108 : memref<1x!tpu.dma_semaphore, #tpu.memory_space<semaphore_mem>> -> memref<!tpu.dma_semaphore, #tpu.memory_space<semaphore_mem>>
    tpu.wait_indirect_dma semaphore(%dma_wait3A_109 : memref<!tpu.dma_semaphore, #tpu.memory_space<semaphore_mem>>) src(%dma_wait3A_101 : memref<125x64xf32, #tpu.memory_space<vmem>>) dst(%dma_wait3A_107 : memref<10240x64xf32, #tpu.memory_space<vmem_shared>>)
    %dma_wait3A_110 = arith.constant 1 : i32
    %dma_wait3A_111 = arith.constant 156 : i32
    %dma_wait3A_112 = arith.constant 1 : i32
    %dma_wait3A_113 = arith.constant 0 : i32
    %dma_wait3A_114 = arith.constant 0 : i32
    %dma_wait3A_115 = tpu.memref_slice %arg8[%dma_wait3A_110, %dma_wait3A_113, %dma_wait3A_114] : memref<5x125x64xf32, #tpu.memory_space<vmem>> -> memref<1x125x64xf32, #tpu.memory_space<vmem>>
    %dma_wait3A_116 = tpu.memref_squeeze %dma_wait3A_115 : memref<1x125x64xf32, #tpu.memory_space<vmem>> -> memref<125x64xf32, #tpu.memory_space<vmem>>
    %dma_wait3A_117 = arith.constant 0 : i32
    %dma_wait3A_118 = tpu.memref_slice %arg7[%dma_wait3A_111, %dma_wait3A_117] : memref<160x125xi32, #tpu.memory_space<vmem>> -> memref<1x125xi32, #tpu.memory_space<vmem>>
    %dma_wait3A_119 = tpu.memref_squeeze %dma_wait3A_118 : memref<1x125xi32, #tpu.memory_space<vmem>> -> memref<125xi32, #tpu.memory_space<vmem>>
    %dma_wait3A_120 = arith.constant 0 : i32
    %dma_wait3A_121 = arith.constant 0 : i32
    %dma_wait3A_122 = tpu.memref_slice %arg10[%dma_wait3A_120, %dma_wait3A_121] : memref<10240x64xf32, #tpu.memory_space<vmem_shared>> -> memref<10240x64xf32, #tpu.memory_space<vmem_shared>>
    %dma_wait3A_123 = tpu.memref_slice %arg12[%dma_wait3A_112] : memref<5x!tpu.dma_semaphore, #tpu.memory_space<semaphore_mem>> -> memref<1x!tpu.dma_semaphore, #tpu.memory_space<semaphore_mem>>
    %dma_wait3A_124 = tpu.memref_squeeze %dma_wait3A_123 : memref<1x!tpu.dma_semaphore, #tpu.memory_space<semaphore_mem>> -> memref<!tpu.dma_semaphore, #tpu.memory_space<semaphore_mem>>
    tpu.wait_indirect_dma semaphore(%dma_wait3A_124 : memref<!tpu.dma_semaphore, #tpu.memory_space<semaphore_mem>>) src(%dma_wait3A_116 : memref<125x64xf32, #tpu.memory_space<vmem>>) dst(%dma_wait3A_122 : memref<10240x64xf32, #tpu.memory_space<vmem_shared>>)
    %dma_wait3A_125 = arith.constant 2 : i32
    %dma_wait3A_126 = arith.constant 157 : i32
    %dma_wait3A_127 = arith.constant 2 : i32
    %dma_wait3A_128 = arith.constant 0 : i32
    %dma_wait3A_129 = arith.constant 0 : i32
    %dma_wait3A_130 = tpu.memref_slice %arg8[%dma_wait3A_125, %dma_wait3A_128, %dma_wait3A_129] : memref<5x125x64xf32, #tpu.memory_space<vmem>> -> memref<1x125x64xf32, #tpu.memory_space<vmem>>
    %dma_wait3A_131 = tpu.memref_squeeze %dma_wait3A_130 : memref<1x125x64xf32, #tpu.memory_space<vmem>> -> memref<125x64xf32, #tpu.memory_space<vmem>>
    %dma_wait3A_132 = arith.constant 0 : i32
    %dma_wait3A_133 = tpu.memref_slice %arg7[%dma_wait3A_126, %dma_wait3A_132] : memref<160x125xi32, #tpu.memory_space<vmem>> -> memref<1x125xi32, #tpu.memory_space<vmem>>
    %dma_wait3A_134 = tpu.memref_squeeze %dma_wait3A_133 : memref<1x125xi32, #tpu.memory_space<vmem>> -> memref<125xi32, #tpu.memory_space<vmem>>
    %dma_wait3A_135 = arith.constant 0 : i32
    %dma_wait3A_136 = arith.constant 0 : i32
    %dma_wait3A_137 = tpu.memref_slice %arg10[%dma_wait3A_135, %dma_wait3A_136] : memref<10240x64xf32, #tpu.memory_space<vmem_shared>> -> memref<10240x64xf32, #tpu.memory_space<vmem_shared>>
    %dma_wait3A_138 = tpu.memref_slice %arg12[%dma_wait3A_127] : memref<5x!tpu.dma_semaphore, #tpu.memory_space<semaphore_mem>> -> memref<1x!tpu.dma_semaphore, #tpu.memory_space<semaphore_mem>>
    %dma_wait3A_139 = tpu.memref_squeeze %dma_wait3A_138 : memref<1x!tpu.dma_semaphore, #tpu.memory_space<semaphore_mem>> -> memref<!tpu.dma_semaphore, #tpu.memory_space<semaphore_mem>>
    tpu.wait_indirect_dma semaphore(%dma_wait3A_139 : memref<!tpu.dma_semaphore, #tpu.memory_space<semaphore_mem>>) src(%dma_wait3A_131 : memref<125x64xf32, #tpu.memory_space<vmem>>) dst(%dma_wait3A_137 : memref<10240x64xf32, #tpu.memory_space<vmem_shared>>)
    %dma_wait3A_140 = arith.constant 3 : i32
    %dma_wait3A_141 = arith.constant 158 : i32
    %dma_wait3A_142 = arith.constant 3 : i32
    %dma_wait3A_143 = arith.constant 0 : i32
    %dma_wait3A_144 = arith.constant 0 : i32
    %dma_wait3A_145 = tpu.memref_slice %arg8[%dma_wait3A_140, %dma_wait3A_143, %dma_wait3A_144] : memref<5x125x64xf32, #tpu.memory_space<vmem>> -> memref<1x125x64xf32, #tpu.memory_space<vmem>>
    %dma_wait3A_146 = tpu.memref_squeeze %dma_wait3A_145 : memref<1x125x64xf32, #tpu.memory_space<vmem>> -> memref<125x64xf32, #tpu.memory_space<vmem>>
    %dma_wait3A_147 = arith.constant 0 : i32
    %dma_wait3A_148 = tpu.memref_slice %arg7[%dma_wait3A_141, %dma_wait3A_147] : memref<160x125xi32, #tpu.memory_space<vmem>> -> memref<1x125xi32, #tpu.memory_space<vmem>>
    %dma_wait3A_149 = tpu.memref_squeeze %dma_wait3A_148 : memref<1x125xi32, #tpu.memory_space<vmem>> -> memref<125xi32, #tpu.memory_space<vmem>>
    %dma_wait3A_150 = arith.constant 0 : i32
    %dma_wait3A_151 = arith.constant 0 : i32
    %dma_wait3A_152 = tpu.memref_slice %arg10[%dma_wait3A_150, %dma_wait3A_151] : memref<10240x64xf32, #tpu.memory_space<vmem_shared>> -> memref<10240x64xf32, #tpu.memory_space<vmem_shared>>
    %dma_wait3A_153 = tpu.memref_slice %arg12[%dma_wait3A_142] : memref<5x!tpu.dma_semaphore, #tpu.memory_space<semaphore_mem>> -> memref<1x!tpu.dma_semaphore, #tpu.memory_space<semaphore_mem>>
    %dma_wait3A_154 = tpu.memref_squeeze %dma_wait3A_153 : memref<1x!tpu.dma_semaphore, #tpu.memory_space<semaphore_mem>> -> memref<!tpu.dma_semaphore, #tpu.memory_space<semaphore_mem>>
    tpu.wait_indirect_dma semaphore(%dma_wait3A_154 : memref<!tpu.dma_semaphore, #tpu.memory_space<semaphore_mem>>) src(%dma_wait3A_146 : memref<125x64xf32, #tpu.memory_space<vmem>>) dst(%dma_wait3A_152 : memref<10240x64xf32, #tpu.memory_space<vmem_shared>>)
    %dma_wait3A_155 = arith.constant 4 : i32
    %dma_wait3A_156 = arith.constant 159 : i32
    %dma_wait3A_157 = arith.constant 4 : i32
    %dma_wait3A_158 = arith.constant 0 : i32
    %dma_wait3A_159 = arith.constant 0 : i32
    %dma_wait3A_160 = tpu.memref_slice %arg8[%dma_wait3A_155, %dma_wait3A_158, %dma_wait3A_159] : memref<5x125x64xf32, #tpu.memory_space<vmem>> -> memref<1x125x64xf32, #tpu.memory_space<vmem>>
    %dma_wait3A_161 = tpu.memref_squeeze %dma_wait3A_160 : memref<1x125x64xf32, #tpu.memory_space<vmem>> -> memref<125x64xf32, #tpu.memory_space<vmem>>
    %dma_wait3A_162 = arith.constant 0 : i32
    %dma_wait3A_163 = tpu.memref_slice %arg7[%dma_wait3A_156, %dma_wait3A_162] : memref<160x125xi32, #tpu.memory_space<vmem>> -> memref<1x125xi32, #tpu.memory_space<vmem>>
    %dma_wait3A_164 = tpu.memref_squeeze %dma_wait3A_163 : memref<1x125xi32, #tpu.memory_space<vmem>> -> memref<125xi32, #tpu.memory_space<vmem>>
    %dma_wait3A_165 = arith.constant 0 : i32
    %dma_wait3A_166 = arith.constant 0 : i32
    %dma_wait3A_167 = tpu.memref_slice %arg10[%dma_wait3A_165, %dma_wait3A_166] : memref<10240x64xf32, #tpu.memory_space<vmem_shared>> -> memref<10240x64xf32, #tpu.memory_space<vmem_shared>>
    %dma_wait3A_168 = tpu.memref_slice %arg12[%dma_wait3A_157] : memref<5x!tpu.dma_semaphore, #tpu.memory_space<semaphore_mem>> -> memref<1x!tpu.dma_semaphore, #tpu.memory_space<semaphore_mem>>
    %dma_wait3A_169 = tpu.memref_squeeze %dma_wait3A_168 : memref<1x!tpu.dma_semaphore, #tpu.memory_space<semaphore_mem>> -> memref<!tpu.dma_semaphore, #tpu.memory_space<semaphore_mem>>
    tpu.wait_indirect_dma semaphore(%dma_wait3A_169 : memref<!tpu.dma_semaphore, #tpu.memory_space<semaphore_mem>>) src(%dma_wait3A_161 : memref<125x64xf32, #tpu.memory_space<vmem>>) dst(%dma_wait3A_167 : memref<10240x64xf32, #tpu.memory_space<vmem_shared>>)
    %barrier3A_170 = arith.constant 0 : index
    tpu.barrier barrier_id(%barrier3A_170)
    %mul3A_171 = arith.constant 640 : i32
    %mul3A_172 = arith.muli %arg1, %mul3A_171 : i32
    %add3A_173 = arith.constant 0 : i32
    %add3A_174 = arith.addi %mul3A_172, %add3A_173 : i32
    %mul3A_175 = arith.constant 64 : i32
    %mul3A_176 = arith.muli %arg0, %mul3A_175 : i32
    "tpu.region"() ({
      %run_scoped3A = tpu.sem_alloc : memref<!tpu.dma_semaphore, #tpu.memory_space<semaphore_mem>>
      %dma_start3A_201 = tpu.memref_slice %arg5[%add3A_174, %mul3A_176] : memref<10240x128xf32, #tpu.memory_space<hbm>> -> memref<128x64xf32, #tpu.memory_space<hbm>>
      %dma_start3A_202 = arith.constant 0 : i32
      %dma_start3A_203 = tpu.memref_slice %arg10[%add3A_174, %dma_start3A_202] : memref<10240x64xf32, #tpu.memory_space<vmem_shared>> -> memref<128x64xf32, #tpu.memory_space<vmem_shared>>
      tpu.enqueue_dma source(%dma_start3A_203 : memref<128x64xf32, #tpu.memory_space<vmem_shared>>) target(%dma_start3A_201 : memref<128x64xf32, #tpu.memory_space<hbm>>) target_semaphore(%run_scoped3A : memref<!tpu.dma_semaphore, #tpu.memory_space<semaphore_mem>>)
      %dma_wait3A_204 = tpu.memref_slice %arg5[%add3A_174, %mul3A_176] : memref<10240x128xf32, #tpu.memory_space<hbm>> -> memref<128x64xf32, #tpu.memory_space<hbm>>
      %dma_wait3A_205 = arith.constant 0 : i32
      %dma_wait3A_206 = tpu.memref_slice %arg10[%add3A_174, %dma_wait3A_205] : memref<10240x64xf32, #tpu.memory_space<vmem_shared>> -> memref<128x64xf32, #tpu.memory_space<vmem_shared>>
      tpu.wait_dma2 semaphore(%run_scoped3A : memref<!tpu.dma_semaphore, #tpu.memory_space<semaphore_mem>>) src(%dma_wait3A_206 : memref<128x64xf32, #tpu.memory_space<vmem_shared>>) dst(%dma_wait3A_204 : memref<128x64xf32, #tpu.memory_space<hbm>>)
      tpu.yield
    }) : () -> ()
    %mul3A_177 = arith.constant 640 : i32
    %mul3A_178 = arith.muli %arg1, %mul3A_177 : i32
    %add3A_179 = arith.constant 128 : i32
    %add3A_180 = arith.addi %mul3A_178, %add3A_179 : i32
    %mul3A_181 = arith.constant 64 : i32
    %mul3A_182 = arith.muli %arg0, %mul3A_181 : i32
    "tpu.region"() ({
      %run_scoped3A = tpu.sem_alloc : memref<!tpu.dma_semaphore, #tpu.memory_space<semaphore_mem>>
      %dma_start3A_201 = tpu.memref_slice %arg5[%add3A_180, %mul3A_182] : memref<10240x128xf32, #tpu.memory_space<hbm>> -> memref<128x64xf32, #tpu.memory_space<hbm>>
      %dma_start3A_202 = arith.constant 0 : i32
      %dma_start3A_203 = tpu.memref_slice %arg10[%add3A_180, %dma_start3A_202] : memref<10240x64xf32, #tpu.memory_space<vmem_shared>> -> memref<128x64xf32, #tpu.memory_space<vmem_shared>>
      tpu.enqueue_dma source(%dma_start3A_203 : memref<128x64xf32, #tpu.memory_space<vmem_shared>>) target(%dma_start3A_201 : memref<128x64xf32, #tpu.memory_space<hbm>>) target_semaphore(%run_scoped3A : memref<!tpu.dma_semaphore, #tpu.memory_space<semaphore_mem>>)
      %dma_wait3A_204 = tpu.memref_slice %arg5[%add3A_180, %mul3A_182] : memref<10240x128xf32, #tpu.memory_space<hbm>> -> memref<128x64xf32, #tpu.memory_space<hbm>>
      %dma_wait3A_205 = arith.constant 0 : i32
      %dma_wait3A_206 = tpu.memref_slice %arg10[%add3A_180, %dma_wait3A_205] : memref<10240x64xf32, #tpu.memory_space<vmem_shared>> -> memref<128x64xf32, #tpu.memory_space<vmem_shared>>
      tpu.wait_dma2 semaphore(%run_scoped3A : memref<!tpu.dma_semaphore, #tpu.memory_space<semaphore_mem>>) src(%dma_wait3A_206 : memref<128x64xf32, #tpu.memory_space<vmem_shared>>) dst(%dma_wait3A_204 : memref<128x64xf32, #tpu.memory_space<hbm>>)
      tpu.yield
    }) : () -> ()
    %mul3A_183 = arith.constant 640 : i32
    %mul3A_184 = arith.muli %arg1, %mul3A_183 : i32
    %add3A_185 = arith.constant 256 : i32
    %add3A_186 = arith.addi %mul3A_184, %add3A_185 : i32
    %mul3A_187 = arith.constant 64 : i32
    %mul3A_188 = arith.muli %arg0, %mul3A_187 : i32
    "tpu.region"() ({
      %run_scoped3A = tpu.sem_alloc : memref<!tpu.dma_semaphore, #tpu.memory_space<semaphore_mem>>
      %dma_start3A_201 = tpu.memref_slice %arg5[%add3A_186, %mul3A_188] : memref<10240x128xf32, #tpu.memory_space<hbm>> -> memref<128x64xf32, #tpu.memory_space<hbm>>
      %dma_start3A_202 = arith.constant 0 : i32
      %dma_start3A_203 = tpu.memref_slice %arg10[%add3A_186, %dma_start3A_202] : memref<10240x64xf32, #tpu.memory_space<vmem_shared>> -> memref<128x64xf32, #tpu.memory_space<vmem_shared>>
      tpu.enqueue_dma source(%dma_start3A_203 : memref<128x64xf32, #tpu.memory_space<vmem_shared>>) target(%dma_start3A_201 : memref<128x64xf32, #tpu.memory_space<hbm>>) target_semaphore(%run_scoped3A : memref<!tpu.dma_semaphore, #tpu.memory_space<semaphore_mem>>)
      %dma_wait3A_204 = tpu.memref_slice %arg5[%add3A_186, %mul3A_188] : memref<10240x128xf32, #tpu.memory_space<hbm>> -> memref<128x64xf32, #tpu.memory_space<hbm>>
      %dma_wait3A_205 = arith.constant 0 : i32
      %dma_wait3A_206 = tpu.memref_slice %arg10[%add3A_186, %dma_wait3A_205] : memref<10240x64xf32, #tpu.memory_space<vmem_shared>> -> memref<128x64xf32, #tpu.memory_space<vmem_shared>>
      tpu.wait_dma2 semaphore(%run_scoped3A : memref<!tpu.dma_semaphore, #tpu.memory_space<semaphore_mem>>) src(%dma_wait3A_206 : memref<128x64xf32, #tpu.memory_space<vmem_shared>>) dst(%dma_wait3A_204 : memref<128x64xf32, #tpu.memory_space<hbm>>)
      tpu.yield
    }) : () -> ()
    %mul3A_189 = arith.constant 640 : i32
    %mul3A_190 = arith.muli %arg1, %mul3A_189 : i32
    %add3A_191 = arith.constant 384 : i32
    %add3A_192 = arith.addi %mul3A_190, %add3A_191 : i32
    %mul3A_193 = arith.constant 64 : i32
    %mul3A_194 = arith.muli %arg0, %mul3A_193 : i32
    "tpu.region"() ({
      %run_scoped3A = tpu.sem_alloc : memref<!tpu.dma_semaphore, #tpu.memory_space<semaphore_mem>>
      %dma_start3A_201 = tpu.memref_slice %arg5[%add3A_192, %mul3A_194] : memref<10240x128xf32, #tpu.memory_space<hbm>> -> memref<128x64xf32, #tpu.memory_space<hbm>>
      %dma_start3A_202 = arith.constant 0 : i32
      %dma_start3A_203 = tpu.memref_slice %arg10[%add3A_192, %dma_start3A_202] : memref<10240x64xf32, #tpu.memory_space<vmem_shared>> -> memref<128x64xf32, #tpu.memory_space<vmem_shared>>
      tpu.enqueue_dma source(%dma_start3A_203 : memref<128x64xf32, #tpu.memory_space<vmem_shared>>) target(%dma_start3A_201 : memref<128x64xf32, #tpu.memory_space<hbm>>) target_semaphore(%run_scoped3A : memref<!tpu.dma_semaphore, #tpu.memory_space<semaphore_mem>>)
      %dma_wait3A_204 = tpu.memref_slice %arg5[%add3A_192, %mul3A_194] : memref<10240x128xf32, #tpu.memory_space<hbm>> -> memref<128x64xf32, #tpu.memory_space<hbm>>
      %dma_wait3A_205 = arith.constant 0 : i32
      %dma_wait3A_206 = tpu.memref_slice %arg10[%add3A_192, %dma_wait3A_205] : memref<10240x64xf32, #tpu.memory_space<vmem_shared>> -> memref<128x64xf32, #tpu.memory_space<vmem_shared>>
      tpu.wait_dma2 semaphore(%run_scoped3A : memref<!tpu.dma_semaphore, #tpu.memory_space<semaphore_mem>>) src(%dma_wait3A_206 : memref<128x64xf32, #tpu.memory_space<vmem_shared>>) dst(%dma_wait3A_204 : memref<128x64xf32, #tpu.memory_space<hbm>>)
      tpu.yield
    }) : () -> ()
    %mul3A_195 = arith.constant 640 : i32
    %mul3A_196 = arith.muli %arg1, %mul3A_195 : i32
    %add3A_197 = arith.constant 512 : i32
    %add3A_198 = arith.addi %mul3A_196, %add3A_197 : i32
    %mul3A_199 = arith.constant 64 : i32
    %mul3A_200 = arith.muli %arg0, %mul3A_199 : i32
    "tpu.region"() ({
      %run_scoped3A = tpu.sem_alloc : memref<!tpu.dma_semaphore, #tpu.memory_space<semaphore_mem>>
      %dma_start3A_201 = tpu.memref_slice %arg5[%add3A_198, %mul3A_200] : memref<10240x128xf32, #tpu.memory_space<hbm>> -> memref<128x64xf32, #tpu.memory_space<hbm>>
      %dma_start3A_202 = arith.constant 0 : i32
      %dma_start3A_203 = tpu.memref_slice %arg10[%add3A_198, %dma_start3A_202] : memref<10240x64xf32, #tpu.memory_space<vmem_shared>> -> memref<128x64xf32, #tpu.memory_space<vmem_shared>>
      tpu.enqueue_dma source(%dma_start3A_203 : memref<128x64xf32, #tpu.memory_space<vmem_shared>>) target(%dma_start3A_201 : memref<128x64xf32, #tpu.memory_space<hbm>>) target_semaphore(%run_scoped3A : memref<!tpu.dma_semaphore, #tpu.memory_space<semaphore_mem>>)
      %dma_wait3A_204 = tpu.memref_slice %arg5[%add3A_198, %mul3A_200] : memref<10240x128xf32, #tpu.memory_space<hbm>> -> memref<128x64xf32, #tpu.memory_space<hbm>>
      %dma_wait3A_205 = arith.constant 0 : i32
      %dma_wait3A_206 = tpu.memref_slice %arg10[%add3A_198, %dma_wait3A_205] : memref<10240x64xf32, #tpu.memory_space<vmem_shared>> -> memref<128x64xf32, #tpu.memory_space<vmem_shared>>
      tpu.wait_dma2 semaphore(%run_scoped3A : memref<!tpu.dma_semaphore, #tpu.memory_space<semaphore_mem>>) src(%dma_wait3A_206 : memref<128x64xf32, #tpu.memory_space<vmem_shared>>) dst(%dma_wait3A_204 : memref<128x64xf32, #tpu.memory_space<hbm>>)
      tpu.yield
    }) : () -> ()
    return
  }
}

module attributes {stable_mosaic.version = 14 : i64} {
  func.func @_tc_layer_body(%arg0: memref<10000x128xf32, #tpu.memory_space<vmem>>, %arg1: memref<10240x128xf32, #tpu.memory_space<vmem>>, %arg2: memref<128x128xf32, #tpu.memory_space<vmem>>, %arg3: memref<1x128xf32, #tpu.memory_space<vmem>>, %arg4: memref<1x128xf32, #tpu.memory_space<vmem>>, %arg5: memref<1x128xf32, #tpu.memory_space<vmem>>, %arg6: memref<1x128xf32, #tpu.memory_space<vmem>>, %arg7: memref<128x128xf32, #tpu.memory_space<vmem>>, %arg8: memref<1x128xf32, #tpu.memory_space<vmem>>, %arg9: memref<10000x128xf32, #tpu.memory_space<vmem>>) attributes {dimension_semantics = [], scalar_prefetch = 0 : i64, scratch_operands = 0 : i64, tpu.core_type = #tpu.core_type<tc>} {
    %get3A = arith.constant 0 : index
    %get3A_0 = arith.constant 0 : index
    %get3A_1 = vector.load %arg0[%get3A, %get3A_0] : memref<10000x128xf32, #tpu.memory_space<vmem>>, vector<10000x128xf32>
    %get3A_2 = arith.constant 0 : index
    %get3A_3 = arith.constant 0 : index
    %get3A_4 = vector.load %arg1[%get3A_2, %get3A_3] : memref<10240x128xf32, #tpu.memory_space<vmem>>, vector<10000x128xf32>
    %add3A = arith.addf %get3A_1, %get3A_4 : vector<10000x128xf32>
    %get3A_5 = arith.constant 0 : index
    %get3A_6 = arith.constant 0 : index
    %get3A_7 = vector.load %arg2[%get3A_5, %get3A_6] : memref<128x128xf32, #tpu.memory_space<vmem>>, vector<128x128xf32>
    %dot_general3A = arith.constant dense<0.000000e+00> : vector<10000x128xf32>
    %dot_general3A_8 = tpu.matmul %add3A, %get3A_7, %dot_general3A {dimension_numbers = #tpu.dot_dimension_numbers<[1], [0], [0], [1], [0, 0, 1, 1], [], []>, transpose_lhs_hint = false} : vector<10000x128xf32>, vector<128x128xf32>, vector<10000x128xf32> -> vector<10000x128xf32>
    %get3A_9 = arith.constant 0 : index
    %get3A_10 = arith.constant 0 : index
    %get3A_11 = vector.load %arg3[%get3A_9, %get3A_10] : memref<1x128xf32, #tpu.memory_space<vmem>>, vector<1x128xf32>
    %add3A_12 = vector.broadcast %get3A_11 : vector<1x128xf32> to vector<10000x128xf32>
    %add3A_13 = arith.addf %dot_general3A_8, %add3A_12 : vector<10000x128xf32>
    %reduce_sum3A = arith.constant dense<0.000000e+00> : vector<128xf32>
    %reduce_sum3A_14 = vector.multi_reduction <add>, %add3A_13, %reduce_sum3A [0] : vector<10000x128xf32> to vector<128xf32>
    %broadcast_in_dim3A = vector.shape_cast %reduce_sum3A_14 : vector<128xf32> to vector<1x128xf32>
    %div3A = arith.constant 1.000000e+04 : f32
    %div3A_15 = vector.broadcast %div3A : f32 to vector<1x128xf32>
    %div3A_16 = arith.divf %broadcast_in_dim3A, %div3A_15 : vector<1x128xf32>
    %get3A_17 = arith.constant 0 : index
    %get3A_18 = arith.constant 0 : index
    %get3A_19 = vector.load %arg4[%get3A_17, %get3A_18] : memref<1x128xf32, #tpu.memory_space<vmem>>, vector<1x128xf32>
    %mul3A = arith.mulf %get3A_19, %div3A_16 : vector<1x128xf32>
    %sub3A = vector.broadcast %mul3A : vector<1x128xf32> to vector<10000x128xf32>
    %sub3A_20 = arith.subf %add3A_13, %sub3A : vector<10000x128xf32>
    %mul3A_21 = arith.mulf %sub3A_20, %sub3A_20 : vector<10000x128xf32>
    %reduce_sum3A_22 = arith.constant dense<0.000000e+00> : vector<128xf32>
    %reduce_sum3A_23 = vector.multi_reduction <add>, %mul3A_21, %reduce_sum3A_22 [0] : vector<10000x128xf32> to vector<128xf32>
    %broadcast_in_dim3A_24 = vector.shape_cast %reduce_sum3A_23 : vector<128xf32> to vector<1x128xf32>
    %div3A_25 = arith.constant 1.000000e+04 : f32
    %div3A_26 = vector.broadcast %div3A_25 : f32 to vector<1x128xf32>
    %div3A_27 = arith.divf %broadcast_in_dim3A_24, %div3A_26 : vector<1x128xf32>
    %get3A_28 = arith.constant 0 : index
    %get3A_29 = arith.constant 0 : index
    %get3A_30 = vector.load %arg5[%get3A_28, %get3A_29] : memref<1x128xf32, #tpu.memory_space<vmem>>, vector<1x128xf32>
    %mul3A_31 = vector.broadcast %get3A_30 : vector<1x128xf32> to vector<10000x128xf32>
    %mul3A_32 = arith.mulf %mul3A_31, %sub3A_20 : vector<10000x128xf32>
    %add3A_33 = arith.constant 9.99999974E-6 : f32
    %add3A_34 = vector.broadcast %add3A_33 : f32 to vector<1x128xf32>
    %add3A_35 = arith.addf %div3A_27, %add3A_34 : vector<1x128xf32>
    %rsqrt3A = math.rsqrt %add3A_35 : vector<1x128xf32>
    %mul3A_36 = vector.broadcast %rsqrt3A : vector<1x128xf32> to vector<10000x128xf32>
    %mul3A_37 = arith.mulf %mul3A_32, %mul3A_36 : vector<10000x128xf32>
    %get3A_38 = arith.constant 0 : index
    %get3A_39 = arith.constant 0 : index
    %get3A_40 = vector.load %arg6[%get3A_38, %get3A_39] : memref<1x128xf32, #tpu.memory_space<vmem>>, vector<1x128xf32>
    %add3A_41 = vector.broadcast %get3A_40 : vector<1x128xf32> to vector<10000x128xf32>
    %add3A_42 = arith.addf %mul3A_37, %add3A_41 : vector<10000x128xf32>
    %max3A = arith.constant 0.000000e+00 : f32
    %max3A_43 = vector.broadcast %max3A : f32 to vector<10000x128xf32>
    %max3A_44 = arith.maximumf %add3A_42, %max3A_43 : vector<10000x128xf32>
    %get3A_45 = arith.constant 0 : index
    %get3A_46 = arith.constant 0 : index
    %get3A_47 = vector.load %arg7[%get3A_45, %get3A_46] : memref<128x128xf32, #tpu.memory_space<vmem>>, vector<128x128xf32>
    %dot_general3A_48 = arith.constant dense<0.000000e+00> : vector<10000x128xf32>
    %dot_general3A_49 = tpu.matmul %max3A_44, %get3A_47, %dot_general3A_48 {dimension_numbers = #tpu.dot_dimension_numbers<[1], [0], [0], [1], [0, 0, 1, 1], [], []>, transpose_lhs_hint = false} : vector<10000x128xf32>, vector<128x128xf32>, vector<10000x128xf32> -> vector<10000x128xf32>
    %get3A_50 = arith.constant 0 : index
    %get3A_51 = arith.constant 0 : index
    %get3A_52 = vector.load %arg8[%get3A_50, %get3A_51] : memref<1x128xf32, #tpu.memory_space<vmem>>, vector<1x128xf32>
    %add3A_53 = vector.broadcast %get3A_52 : vector<1x128xf32> to vector<10000x128xf32>
    %add3A_54 = arith.addf %dot_general3A_49, %add3A_53 : vector<10000x128xf32>
    %max3A_55 = arith.constant 0.000000e+00 : f32
    %max3A_56 = vector.broadcast %max3A_55 : f32 to vector<10000x128xf32>
    %max3A_57 = arith.maximumf %add3A_54, %max3A_56 : vector<10000x128xf32>
    %swap3A = arith.constant 0 : index
    %swap3A_58 = arith.constant 0 : index
    %swap3A_59 = vector.load %arg9[%swap3A, %swap3A_58] : memref<10000x128xf32, #tpu.memory_space<vmem>>, vector<10000x128xf32>
    tpu.vector_store %arg9[%swap3A, %swap3A_58], %max3A_57 {strides = array<i32>} : memref<10000x128xf32, #tpu.memory_space<vmem>>, vector<10000x128xf32>,
    return
  }
}

module attributes {stable_mosaic.version = 14 : i64} {
  func.func @_tc_layer_body(%arg0: memref<10000x128xf32, #tpu.memory_space<vmem>>, %arg1: memref<10240x128xf32, #tpu.memory_space<vmem>>, %arg2: memref<128x128xf32, #tpu.memory_space<vmem>>, %arg3: memref<1x128xf32, #tpu.memory_space<vmem>>, %arg4: memref<1x128xf32, #tpu.memory_space<vmem>>, %arg5: memref<1x128xf32, #tpu.memory_space<vmem>>, %arg6: memref<1x128xf32, #tpu.memory_space<vmem>>, %arg7: memref<128x128xf32, #tpu.memory_space<vmem>>, %arg8: memref<1x128xf32, #tpu.memory_space<vmem>>, %arg9: memref<10000x128xf32, #tpu.memory_space<vmem>>) attributes {dimension_semantics = [], scalar_prefetch = 0 : i64, scratch_operands = 0 : i64, tpu.core_type = #tpu.core_type<tc>} {
    %get3A = arith.constant 0 : index
    %get3A_0 = arith.constant 0 : index
    %get3A_1 = vector.load %arg0[%get3A, %get3A_0] : memref<10000x128xf32, #tpu.memory_space<vmem>>, vector<10000x128xf32>
    %get3A_2 = arith.constant 0 : index
    %get3A_3 = arith.constant 0 : index
    %get3A_4 = vector.load %arg1[%get3A_2, %get3A_3] : memref<10240x128xf32, #tpu.memory_space<vmem>>, vector<10000x128xf32>
    %add3A = arith.addf %get3A_1, %get3A_4 : vector<10000x128xf32>
    %get3A_5 = arith.constant 0 : index
    %get3A_6 = arith.constant 0 : index
    %get3A_7 = vector.load %arg2[%get3A_5, %get3A_6] : memref<128x128xf32, #tpu.memory_space<vmem>>, vector<128x128xf32>
    %dot_general3A = arith.constant dense<0.000000e+00> : vector<10000x128xf32>
    %dot_general3A_8 = tpu.matmul %add3A, %get3A_7, %dot_general3A {dimension_numbers = #tpu.dot_dimension_numbers<[1], [0], [0], [1], [0, 0, 1, 1], [], []>, transpose_lhs_hint = false} : vector<10000x128xf32>, vector<128x128xf32>, vector<10000x128xf32> -> vector<10000x128xf32>
    %get3A_9 = arith.constant 0 : index
    %get3A_10 = arith.constant 0 : index
    %get3A_11 = vector.load %arg3[%get3A_9, %get3A_10] : memref<1x128xf32, #tpu.memory_space<vmem>>, vector<1x128xf32>
    %add3A_12 = vector.broadcast %get3A_11 : vector<1x128xf32> to vector<10000x128xf32>
    %add3A_13 = arith.addf %dot_general3A_8, %add3A_12 : vector<10000x128xf32>
    %reduce_sum3A = arith.constant dense<0.000000e+00> : vector<128xf32>
    %reduce_sum3A_14 = vector.multi_reduction <add>, %add3A_13, %reduce_sum3A [0] : vector<10000x128xf32> to vector<128xf32>
    %broadcast_in_dim3A = vector.shape_cast %reduce_sum3A_14 : vector<128xf32> to vector<1x128xf32>
    %div3A = arith.constant 1.000000e+04 : f32
    %div3A_15 = vector.broadcast %div3A : f32 to vector<1x128xf32>
    %div3A_16 = arith.divf %broadcast_in_dim3A, %div3A_15 : vector<1x128xf32>
    %get3A_17 = arith.constant 0 : index
    %get3A_18 = arith.constant 0 : index
    %get3A_19 = vector.load %arg4[%get3A_17, %get3A_18] : memref<1x128xf32, #tpu.memory_space<vmem>>, vector<1x128xf32>
    %mul3A = arith.mulf %get3A_19, %div3A_16 : vector<1x128xf32>
    %sub3A = vector.broadcast %mul3A : vector<1x128xf32> to vector<10000x128xf32>
    %sub3A_20 = arith.subf %add3A_13, %sub3A : vector<10000x128xf32>
    %mul3A_21 = arith.mulf %sub3A_20, %sub3A_20 : vector<10000x128xf32>
    %reduce_sum3A_22 = arith.constant dense<0.000000e+00> : vector<128xf32>
    %reduce_sum3A_23 = vector.multi_reduction <add>, %mul3A_21, %reduce_sum3A_22 [0] : vector<10000x128xf32> to vector<128xf32>
    %broadcast_in_dim3A_24 = vector.shape_cast %reduce_sum3A_23 : vector<128xf32> to vector<1x128xf32>
    %div3A_25 = arith.constant 1.000000e+04 : f32
    %div3A_26 = vector.broadcast %div3A_25 : f32 to vector<1x128xf32>
    %div3A_27 = arith.divf %broadcast_in_dim3A_24, %div3A_26 : vector<1x128xf32>
    %get3A_28 = arith.constant 0 : index
    %get3A_29 = arith.constant 0 : index
    %get3A_30 = vector.load %arg5[%get3A_28, %get3A_29] : memref<1x128xf32, #tpu.memory_space<vmem>>, vector<1x128xf32>
    %mul3A_31 = vector.broadcast %get3A_30 : vector<1x128xf32> to vector<10000x128xf32>
    %mul3A_32 = arith.mulf %mul3A_31, %sub3A_20 : vector<10000x128xf32>
    %add3A_33 = arith.constant 9.99999974E-6 : f32
    %add3A_34 = vector.broadcast %add3A_33 : f32 to vector<1x128xf32>
    %add3A_35 = arith.addf %div3A_27, %add3A_34 : vector<1x128xf32>
    %rsqrt3A = math.rsqrt %add3A_35 : vector<1x128xf32>
    %mul3A_36 = vector.broadcast %rsqrt3A : vector<1x128xf32> to vector<10000x128xf32>
    %mul3A_37 = arith.mulf %mul3A_32, %mul3A_36 : vector<10000x128xf32>
    %get3A_38 = arith.constant 0 : index
    %get3A_39 = arith.constant 0 : index
    %get3A_40 = vector.load %arg6[%get3A_38, %get3A_39] : memref<1x128xf32, #tpu.memory_space<vmem>>, vector<1x128xf32>
    %add3A_41 = vector.broadcast %get3A_40 : vector<1x128xf32> to vector<10000x128xf32>
    %add3A_42 = arith.addf %mul3A_37, %add3A_41 : vector<10000x128xf32>
    %max3A = arith.constant 0.000000e+00 : f32
    %max3A_43 = vector.broadcast %max3A : f32 to vector<10000x128xf32>
    %max3A_44 = arith.maximumf %add3A_42, %max3A_43 : vector<10000x128xf32>
    %get3A_45 = arith.constant 0 : index
    %get3A_46 = arith.constant 0 : index
    %get3A_47 = vector.load %arg7[%get3A_45, %get3A_46] : memref<128x128xf32, #tpu.memory_space<vmem>>, vector<128x128xf32>
    %dot_general3A_48 = arith.constant dense<0.000000e+00> : vector<10000x128xf32>
    %dot_general3A_49 = tpu.matmul %max3A_44, %get3A_47, %dot_general3A_48 {dimension_numbers = #tpu.dot_dimension_numbers<[1], [0], [0], [1], [0, 0, 1, 1], [], []>, transpose_lhs_hint = false} : vector<10000x128xf32>, vector<128x128xf32>, vector<10000x128xf32> -> vector<10000x128xf32>
    %get3A_50 = arith.constant 0 : index
    %get3A_51 = arith.constant 0 : index
    %get3A_52 = vector.load %arg8[%get3A_50, %get3A_51] : memref<1x128xf32, #tpu.memory_space<vmem>>, vector<1x128xf32>
    %add3A_53 = vector.broadcast %get3A_52 : vector<1x128xf32> to vector<10000x128xf32>
    %add3A_54 = arith.addf %dot_general3A_49, %add3A_53 : vector<10000x128xf32>
    %max3A_55 = arith.constant 0.000000e+00 : f32
    %max3A_56 = vector.broadcast %max3A_55 : f32 to vector<10000x128xf32>
    %max3A_57 = arith.maximumf %add3A_54, %max3A_56 : vector<10000x128xf32>
    %swap3A = arith.constant 0 : index
    %swap3A_58 = arith.constant 0 : index
    %swap3A_59 = vector.load %arg9[%swap3A, %swap3A_58] : memref<10000x128xf32, #tpu.memory_space<vmem>>, vector<10000x128xf32>
    tpu.vector_store %arg9[%swap3A, %swap3A_58], %max3A_57 {strides = array<i32>} : memref<10000x128xf32, #tpu.memory_space<vmem>>, vector<10000x128xf32>,
    return
  }
}

</mosaic_0001>

<sc_bundles>
// kernel: kernel.6.cloned.1.call-start
scs
__scs_entry_jumppad:
0x0: {  	(pc) =	sbr.rel $0x88, $3  }
0x1: {  	(tag) =	ssettag $0x0;
	lr =	simm.s32 $0x1  }
0x2: {  	[smem:$0x3F91] =	sst lr;
	_ =	strace $0xD0000000  }
0x3: {  	_ = 	snop  }
0x4: {  	_ = 	snop  }
0x5: {  	_ = 	snop  }
0x6: {  	_ = 	snop  }
0x7: {  	_ = 	snop  }
__scs_overlays_trampoline_lowered:
0x8: {  	[smem:$0x3FA0] =	sst s0  }
0x9: {  	[smem:$0x3FA1] =	sst s1  }
0xa: {  	[smem:$0x3FA2] =	sst s2  }
0xb: {  	[smem:$0x3FA3] =	sst s3  }
0xc: {  	[smem:$0x3FA4] =	sst s4  }
0xd: {  	[smem:$0x3FA5] =	sst s5  }
0xe: {  	[smem:$0x3FA6] =	sst s6  }
0xf: {  	[smem:$0x3FA7] =	sst s7  }
0x10: {  	[smem:$0x3FA8] =	sst s8  }
0x11: {  	[smem:$0x3FA9] =	sst s9;
	s0 =	simm.s32 @!p0 $0x0  }
0x12: {  	s1 =	sld [smem:$0x3F8F];
	s0 =	simm.s32 @p0 $0x1  }
0x13: {  	[smem:$0x3FAA] =	sst s0;
	s0 =	simm.s32 @!p1 $0x0  }
0x14: {  	s2 =	sld [smem:$0x3F8E];
	s0 =	simm.s32 @p1 $0x1  }
0x15: {  	[smem:$0x3FAB] =	sst s0;
	s0 =	simm.s32 @!p2 $0x0  }
0x16: {  	s3 =	sld [smem:$0x3FDB];
	s0 =	simm.s32 @p2 $0x1  }
0x17: {  	s4 =	simm.s32 $0x1BF5;
	[smem:$0x3FAD] =	sst s0  }
0x18: {  	s0 =	sld [smem:$0x3F90];
	_ =	swait.ge [sflag:s4], $0x0  }
0x19: {  	s7 =	sld [smem:$0x3F91]  }
0x1a: {  	s8 =	sadd.s32 $0xFFFFE003, lr  }
0x1b: {  	s9 =	sadd.s32 $0xFFFFFEF7, lr;
	s5 =	simm.s32 $0xFFFFFFFF;
	p2 =	slt.u32 s8, $0xFFFFF086  }
0x1c: {  	p1 =	slt.u32 s9, $0xF7A;
	s5 =	simm.s32 @!p2 $0x0  }
0x1d: {  	s5 =	simm.s32 @p1 $0x1;
	p0 =	seq.s32 s7, s2  }
0x1e: {  	s7 =	smul.u32 @!p0 $0xF7A, s2;
	p2 =	seq.s32 @!p0 s5, $0x0  }
0x1f: {  	s9 =	smul.u32 $0xF7A, s1;
	s8 =	simm.s32 @!p0 $0x1BF5;
	p2 =	por !p2, p0  }
0x20: {  	[sflag:s8] =	ssyncset.s32 @!p0 $0xFFFFF086;
	s6 =	sadd.s32 @!p0 s3, s7;
	s7 =	simm.s32 @!p0 $0x108  }
0x21: {  	s3 =	sadd.s32 s3, s9;
	s6 =	sadd.s32 @!p0 $0x88, s6;
	s7 =	simm.s32 @p2 $0x1082  }
0x22: {  	[simem:s7], [sflag:s8] =	dma.local @!p0 [hbm:s6], $0xF7A  }
0x23: {  	s9 =	sor.u32 $0xD0000000, s2;
	s6 =	simm.s32 $0x108;
	_ =	swait.ge @!p0 [sflag:s8], $0x0  }
0x24: {  	s3 =	sadd.s32 $0x88, s3;
	s6 =	simm.s32 @!p1 $0x1082;
	[sflag:s4] =	ssyncset.s32 $0xFFFFF086  }
0x25: {  	[simem:s6], [sflag:s4] =	dma.local [hbm:s3], $0xF7A  }
0x26: {  	[smem:$0x3F91] =	sst s1;
	(tag) =	ssettag s2;
	_ =	strace s9  }
0x27: {  	s1 =	sld [smem:$0x3FA1]  }
0x28: {  	s2 =	sld [smem:$0x3FA2]  }
0x29: {  	s4 =	sld [smem:$0x3FA4]  }
0x2a: {  	p0 =	seq.s32 s5, $0x0;
	s5 =	sld [smem:$0x3FA5]  }
0x2b: {  	s6 =	sld [smem:$0x3FA6]  }
0x2c: {  	s7 =	sld [smem:$0x3FA7]  }
0x2d: {  	s3 =	simm.s32 $0x108;
	s8 =	sld [smem:$0x3FA8]  }
0x2e: {  	s3 =	simm.s32 @!p0 $0x1082;
	s9 =	sld [smem:$0x3FA9]  }
0x2f: {  	lr =	sadd.s32 s0, s3;
	s0 =	sld [smem:$0x3FA0]  }
0x30: {  	s3 =	sld [smem:$0x3FA3]  }
0x31: {  	[smem:$0x3FAC] =	sst s10  }
0x32: {  	s10 =	sld [smem:$0x3FAA];
	_ =	sdelay $0x3  }
0x33: {  	p0 =	seq.s32 s10, $0x1;
	s10 =	sld [smem:$0x3FAC];
	_ =	sdelay $0x3  }
0x34: {  	[smem:$0x3FAC] =	sst s10  }
0x35: {  	s10 =	sld [smem:$0x3FAB];
	_ =	sdelay $0x3  }
0x36: {  	p1 =	seq.s32 s10, $0x1;
	s10 =	sld [smem:$0x3FAC];
	_ =	sdelay $0x3  }
0x37: {  	[smem:$0x3FAC] =	sst s10  }
0x38: {  	s10 =	sld [smem:$0x3FAD]  }
0x39: {  	_ = 	snop;
	(pc) =	sbr.ind lr, $3  }
0x3a: {  	_ = 	snop  }
0x3b: {  	_ = 	snop  }
0x3c: {  	p2 =	seq.s32 s10, $0x1;
	s10 =	sld [smem:$0x3FAC]  }
0x3d: {  	_ =	shalt  }
0x3e: {  	_ =	shalt  }
0x3f: {  	_ =	shalt  }
0x40: {  	_ =	shalt  }
0x41: {  	_ =	shalt  }
0x42: {  	_ =	shalt  }
0x43: {  	_ =	shalt  }
0x44: {  	_ =	shalt  }
0x45: {  	_ =	shalt  }
0x46: {  	_ =	shalt  }
0x47: {  	_ =	shalt  }
0x48: {  	_ =	shalt  }
0x49: {  	_ =	shalt  }
0x4a: {  	_ =	shalt  }
0x4b: {  	_ =	shalt  }
0x4c: {  	_ =	shalt  }
0x4d: {  	_ =	shalt  }
0x4e: {  	_ =	shalt  }
0x4f: {  	_ =	shalt  }
0x50: {  	_ =	shalt  }
0x51: {  	_ =	shalt  }
0x52: {  	_ =	shalt  }
0x53: {  	_ =	shalt  }
0x54: {  	_ =	shalt  }
0x55: {  	_ =	shalt  }
0x56: {  	_ =	shalt  }
0x57: {  	_ =	shalt  }
0x58: {  	_ =	shalt  }
0x59: {  	_ =	shalt  }
0x5a: {  	_ =	shalt  }
0x5b: {  	_ =	shalt  }
0x5c: {  	_ =	shalt  }
0x5d: {  	_ =	shalt  }
0x5e: {  	_ =	shalt  }
0x5f: {  	_ =	shalt  }
0x60: {  	_ =	shalt  }
0x61: {  	_ =	shalt  }
0x62: {  	_ =	shalt  }
0x63: {  	_ =	shalt  }
0x64: {  	_ =	shalt  }
0x65: {  	_ =	shalt  }
0x66: {  	_ =	shalt  }
0x67: {  	_ =	shalt  }
0x68: {  	_ =	shalt  }
0x69: {  	_ =	shalt  }
0x6a: {  	_ =	shalt  }
0x6b: {  	_ =	shalt  }
0x6c: {  	_ =	shalt  }
0x6d: {  	_ =	shalt  }
0x6e: {  	_ =	shalt  }
0x6f: {  	_ =	shalt  }
0x70: {  	_ =	shalt  }
0x71: {  	_ =	shalt  }
0x72: {  	_ =	shalt  }
0x73: {  	_ =	shalt  }
0x74: {  	_ =	shalt  }
0x75: {  	_ =	shalt  }
0x76: {  	_ =	shalt  }
0x77: {  	_ =	shalt  }
0x78: {  	_ =	shalt  }
0x79: {  	_ =	shalt  }
0x7a: {  	_ =	shalt  }
0x7b: {  	_ =	shalt  }
0x7c: {  	_ =	shalt  }
0x7d: {  	_ =	shalt  }
0x7e: {  	_ =	shalt  }
0x7f: {  	_ =	shalt  }
0x80: {  	_ =	shalt  }
0x81: {  	_ =	shalt  }
0x82: {  	_ =	shalt  }
0x83: {  	_ =	shalt  }
0x84: {  	_ =	shalt  }
0x85: {  	_ =	shalt  }
0x86: {  	_ =	shalt  }
0x87: {  	_ =	shalt  }
.Lfunc_end0:
.L_simem_size_0:
called_computation_lowered:
.L_overlay_start_0:
0x88: {  	s2 =	sld [smem:$0x3FD9]  }
0x89: {  	s3 =	sld [smem:$0x3FFE];
	_ =	sdelay $0x1  }
0x8a: {  	s1 =	srdreg.scid  }
0x8b: {  	s0 =	sand.u32 $0x1, s1  }
0x8c: {  	s17 =	sshll.u32 s0, $0xA;
	s2 =	sadd.s32 s3, s2  }
0x8d: {  	s2 =	sadd.s32 s2, s17  }
0x8e: {  	[smem:$0x3FB8] =	sst s2  }
0x8f: {  	_ = 	snop  }
0x90: {  	s2 =	sld [smem:$0x3FC9];
	(tm) =	ssettm $0x1  }
0x91: {  	s18 =	sld [smem:$0x3FFB];
	_ =	sdelay $0x3  }
0x92: {  	_ =	strace s18  }
0x93: {  	s3 =	sld [smem:$0x3FFC];
	_ =	sdelay $0x3  }
0x94: {  	_ =	strace s3  }
0x95: {  	s3 =	sld [smem:$0x3FFD];
	_ =	sdelay $0x3  }
0x96: {  	_ =	strace s3  }
0x97: {  	_ =	strace $0x8FFFFFFF  }
0x98: {  	s19 =	sld [smem:$0x3FDB];
	_ =	sdelay $0x1  }
0x99: {  	s4 =	simm.s32 $_scs_section_size  }
0x9a: {  	s5 =	simm.s32 $_size__tile_overlayer_lowered;
	s6 =	simm.s32 $_tile_overlayer_lowered  }
0x9b: {  	s22 =	simm.s32 $0x1BFF;
	s21 =	sshll.u32 s6, $0x1;
	s3 =	sadd.s32 s4, s19  }
0x9c: {  	s7 =	simm.s32 $0x0;
	s20 =	sshll.u32 s5, $0x1;
	s5 =	sadd.s32 s21, s3  }
0x9d: {  	[timem:s7], [sflag:s22] =	dma.local [hbm:s5], s20  }
0x9e: {  	_ =	swait.ge [sflag:s22], s20  }
0x9f: {  	s4 =	ssub.s32 $0x0, s20;
	[sflag:s22] =	ssyncset.done $0x0  }
0xa0: {  	[sflag:s22] =	ssyncadd.s32 s4;
	_ =	sdelay $0x1  }
0xa1: {  	s23 =	simm.s32 $0x1B8B  }
0xa2: {  	_ =	swait.ge [sflag:s23], $0x1  }
0xa3: {  	[sflag:s23] =	ssyncset.done $0x0  }
0xa4: {  	s25 =	simm.s32 $0x1B8E;
	s24 =	sld [smem:$0x3FFE];
	[sflag:s23] =	ssyncadd.s32 $0xFFFFFFFF  }
0xa5: {  	s26 =	simm.s32 $execute0_lowered;
	[smem:$0x3FD2] =	sst s25  }
0xa6: {  	s5 =	sshll.u32 s26, $0x1;
	_ =	strace $0x80000046;
	[dreg:$0x1] =	wrdreg $0xFFFFFFFF  }
0xa7: {  	s28 =	simm.s32 $_size_execute0_lowered;
	s3 =	sadd.s32 s3, s5;
	[dreg:$0x0] =	wrdreg $0x0  }
0xa8: {  	s5 =	sshll.u32 s28, $0x1;
	[dreg:$0x2] =	wrdreg s3  }
0xa9: {  	[dreg:$0x3] =	wrdreg s5  }
0xaa: {  	[dreg:$0x4] =	wrdreg $0xC0  }
0xab: {  	_ =	task [dreg:s7], $0x5FFFF  }
0xac: {  	[dreg:$0x1] =	wrdreg $0xFFFFFFFF  }
0xad: {  	[dreg:$0x0] =	wrdreg $0x60  }
0xae: {  	[dreg:$0x2] =	wrdreg s2  }
0xaf: {  	[dreg:$0x3] =	wrdreg s24  }
0xb0: {  	[dreg:$0x4] =	wrdreg $0x15C400  }
0xb1: {  	[dreg:$0x5] =	wrdreg $0x9  }
0xb2: {  	_ =	task.clear_ibuf [dreg:s7], $0x6FFFF;
	_ =	strace $0x90000046  }
0xb3: {  	s29 =	simm.s32 $0x9;
	_ =	strace $0x80000048  }
0xb4: {  	_ =	swait.ge [sflag:s29], $0x1  }
0xb5: {  	[sflag:s29] =	ssyncadd.s32 $0xFFFFFFFF  }
0xb6: {  	_ =	strace $0x90000048  }
0xb7: {  	_ =	sfence  }
0xb8: {  	s30 =	sld [smem:$0x0];
	_ =	sdelay $0x2  }
0xb9: {  	s31 =	sshll.u32 s1, $0xD;
	s1 =	sshrl.u32 s1, $0x2  }
0xba: {  	s3 =	sand.u32 $0x4000, s31;
	s1 =	sadd.s32 s1, s30  }
0xbb: {  	s0 =	sor.u32 s3, s0;
	s1 =	sshll.u32 s1, $0x11  }
0xbc: {  	s0 =	sor.u32 s1, s0  }
0xbd: {  	s0 =	sadd.s32 $0x8F2B, s0  }
0xbe: {  	[sflag:s0] =	ssyncadd.remote.s32 $0x1  }
0xbf: {  	_ =	sfence.sel $0xFFFF  }
0xc0: {  	[dreg:$0x0] =	wrdreg $0xFFFFFFFF;
	(pc) =	sbr.abs _section_cstart, $3  }
0xc1: {  	[dreg:$0x1] =	wrdreg $0xFFFFFFFF  }
0xc2: {  	_ =	task.clear_ibuf [dreg:s7], $0x2FFFF;
	_ =	strace $0x9FFFFFFF  }
0xc3: {  	(tm) =	ssettm $0x7FFFFFFF  }
tec
execute0_lowered:
.L_overlay_start_1:
0x0: {  	(tag) =	ssettag $0x1  }
0x1: {  	s0 =	rddreg [dreg:$0x0]  }
0x2: {  	s1 =	rddreg [dreg:$0x1]  }
0x3: {  	s2 =	rddreg [dreg:$0x2];
	s10 =	stileid.u32  }
0x4: {  	s3 =	simm.s32 $0x0;
	s5 =	srdreg.scid;
	s4 =	smul.u32 $0xA00, s10  }
0x5: {  	s28 =	simm.s32 $0xFDC0;
	s29 =	simm.s32 $0x13C40;
	s11 =	smul.u32 $0x280, s10  }
0x6: {  	s30 =	simm.s32 $0x1;
	s31 =	simm.s32 $0x3;
	s25 =	smul.u32 $0x28000, s10  }
0x7: {  	[smem:$0x7FF] =	sst s3;
	s5 =	sand.u32 $0x1, s5;
	s15 =	smul.u32 $0x14000, s10  }
0x8: {  	_ =	strace $0x80000047;
	s6 =	ssub.s32 $0x2, s5;
	s26 =	sshll.u32 s5, $0x6  }
0x9: {  	s5 =	sshll.u32 s5, $0x3;
	s4 =	sadd.s32 s4, s1;
	s1 =	sadd.s32 $0x17200, s1  }
0xa: {  	s7 =	sshrl.u32 s6, $0x1;
	s16 =	sshrl.u32 s25, $0x2;
	s17 =	sadd.s32 $0x80, s11  }
0xb: {  	s13 =	sadd.s32 $0x100, s11;
	s14 =	sadd.s32 $0x180, s11;
	s21 =	sadd.s32 $0x200, s11  }
0xc: {  	s15 =	sor.u32 s26, s15;
	s12 =	ssub.s32 s6, s7;
	s24 =	sadd.s32 $0xD200, s4  }
0xd: {  	s4 =	sadd.s32 $0x3200, s4;
	s6 =	sadd.s32 s0, s5;
	s7 =	sadd.s32 s16, s2  }
0xe: {  	s18 =	sshll.u32 s17, $0x6;
	s19 =	sshll.u32 s13, $0x6;
	s20 =	sshll.u32 s14, $0x6  }
0xf: {  	s5 =	sshll.u32 s17, $0x7;
	s11 =	sshll.u32 s21, $0x6;
	s15 =	sshrl.u32 s15, $0x3  }
0x10: {  	s22 =	sshll.u32 s13, $0x7;
	s23 =	sshll.u32 s14, $0x7;
	s0 =	sshll.u32 s21, $0x7  }
0x11: {  	s21 =	simm.s32 $0xA000;
	s14 =	simm.s32 $0x10;
	[dreg:$0x4] =	wrdreg s24  }
0x12: {  	[dreg:$0x5] =	wrdreg s4;
	s8 =	sadd.s32 s18, s2;
	s9 =	sadd.s32 s19, s2  }
0x13: {  	s10 =	sadd.s32 s20, s2;
	s5 =	sor.u32 s26, s5;
	s11 =	sadd.s32 s11, s2  }
0x14: {  	s15 =	sadd.s32 s1, s15;
	s13 =	sor.u32 s26, s23;
	s0 =	sor.u32 s26, s0  }
0x15: {  	s18 =	simm.s32 $0xB;
	s20 =	simm.s32 $0x7D;
	s23 =	simm.s32 $0xBF40  }
0x16: {  	s19 =	simm.s32 $0x0;
	s5 =	sshrl.u32 s5, $0x3;
	[dreg:$0x6] =	wrdreg s15  }
0x17: {  	s25 =	sshrl.u32 s13, $0x3;
	s0 =	sshrl.u32 s0, $0x3;
	s5 =	sadd.s32 s1, s5  }
0x18: {  	s13 =	simm.s32 $0xA;
	s4 =	sadd.s32 s1, s25;
	[dreg:$0x7] =	wrdreg s5  }
0x19: {  	s0 =	sadd.s32 s1, s0;
	s25 =	simm.s32 $0xDE80;
	[dreg:$0x9] =	wrdreg s4  }
0x1a: {  	s5 =	sor.u32 s26, s22;
	[dreg:$0xa] =	wrdreg s0;
	s26 =	smax.u32 s12, $0x1  }
0x1b: {  	s0 =	simm.s32 $0x11D00;
	s22 =	simm.s32 $0x4;
	s4 =	simm.s32 $0x8  }
0x1c: {  	s12 =	simm.s32 $0x9;
	s5 =	sshrl.u32 s5, $0x3;
	[dreg:$0xb] =	wrdreg s26  }
0x1d: {  	s26 =	simm.s32 $0x7;
	s24 =	sadd.s32 s1, s5;
	s1 =	simm.s32 $0x2  }
0x1e: {  	v0 =	vimm.f32 $0.0e+00;
	s5 =	simm.s32 $0x5;
	[dreg:$0x8] =	wrdreg s24;
	s24 =	simm.s32 $0x6  }
.LBB2_1:
0x1f: {  	s15 =	rddreg [dreg:$0x4]  }
0x20: {  	[tilespmem:s3], [sflag:$0xB] =	stream.linear.gather [hbm4b:s15+s3], $0x5000, $0x38;
	[tilespmem:$0x1FC40] =	vst v63  }
0x21: {  	_ =	swait.ge [sflag:s18], $0x5000  }
0x22: {  	[sflag:s18] =	ssyncset.done $0x0  }
0x23: {  	s16 =	simm.s32 $0x5000;
	s17 =	rddreg [dreg:$0x5];
	[sflag:s18] =	ssyncadd.s32 $0xFFFFB000  }
0x24: {  	[tilespmem:s16], [sflag:$0xB] =	stream.linear.gather [hbm4b:s17+s3], $0x5000, $0x38;
	[tilespmem:$0x1FC40] =	vst v63  }
0x25: {  	_ =	swait.ge [sflag:s18], $0x5000  }
0x26: {  	[sflag:s18] =	ssyncset.done $0x0  }
0x27: {  	[sflag:s18] =	ssyncadd.s32 $0xFFFFB000  }
0x28: {  	[tilespmem:s21], [sflag:$0x1] =	stream.indirect.gather [hbm4b:s6+s20], $0x40, s3, s20, $0xb8;
	[tilespmem:$0x1FC40] =	vst v63  }
0x29: {  	s17 =	simm.s32 $0x80  }
0x2a: {  	[tilespmem:s23], [sflag:$0x2] =	stream.indirect.gather [hbm4b:s6+s20], $0x40, s17, s20, $0xb8;
	[tilespmem:$0x1FC40] =	vst v63  }
0x2b: {  	s16 =	simm.s32 $0x100  }
0x2c: {  	[tilespmem:s25], [sflag:$0x3] =	stream.indirect.gather [hbm4b:s6+s20], $0x40, s16, s20, $0xb8;
	[tilespmem:$0x1FC40] =	vst v63  }
0x2d: {  	s15 =	simm.s32 $0x0;
	s17 =	simm.s32 $0x180;
	s16 =	simm.s32 $0x100  }
0x2e: {  	[tilespmem:s28], [sflag:$0x4] =	stream.indirect.gather [hbm4b:s6+s20], $0x40, s17, s20, $0xb8;
	[tilespmem:$0x1FC40] =	vst v63  }
.LBB2_2:
0x2f: {  	p0 =	sne.s32 s16, $0x7F00;
	[tilespmem:s15+$0x13C70] =	vst v0;
	s17 =	smov.u32 s16;
	s16 =	sadd.s32 $0x100, s16  }
.Ltmp0:
0x30: {  	[tilespmem:s15+$0x13C60] =	vst v0;
	(pc) =	sbr.rel @p0 .LBB2_2-.Ltmp0, $3  }
0x31: {  	[tilespmem:s15+$0x13C40] =	vst v0  }
0x32: {  	[tilespmem:s15+$0x13C50] =	vst v0;
	_ =	sdelay $0x1  }
0x33: {  	s15 =	sshra.s32 s17, $0x2  }
0x34: {  	[tilespmem:s15+$0x13C70] =	vst v0  }
0x35: {  	[tilespmem:s15+$0x13C60] =	vst v0  }
0x36: {  	[tilespmem:s15+$0x13C40] =	vst v0  }
0x37: {  	[tilespmem:s15+$0x13C50] =	vst v0  }
0x38: {  	[spmem:s7] =	stream.linear.scatter [tilespmem:s29], [sflag:$0xB], $0x2000, $0x38;
	[tilespmem:$0x1FC40] =	vst v63  }
0x39: {  	_ =	swait.ge [sflag:s18], $0x2000  }
0x3a: {  	[sflag:s18] =	ssyncset.done $0x0  }
0x3b: {  	[sflag:s18] =	ssyncadd.s32 $0xFFFFE000  }
0x3c: {  	[spmem:s8] =	stream.linear.scatter [tilespmem:s29], [sflag:$0xB], $0x2000, $0x38;
	[tilespmem:$0x1FC40] =	vst v63  }
0x3d: {  	_ =	swait.ge [sflag:s18], $0x2000  }
0x3e: {  	[sflag:s18] =	ssyncset.done $0x0  }
0x3f: {  	[sflag:s18] =	ssyncadd.s32 $0xFFFFE000  }
0x40: {  	[spmem:s9] =	stream.linear.scatter [tilespmem:s29], [sflag:$0xB], $0x2000, $0x38;
	[tilespmem:$0x1FC40] =	vst v63  }
0x41: {  	_ =	swait.ge [sflag:s18], $0x2000  }
0x42: {  	[sflag:s18] =	ssyncset.done $0x0  }
0x43: {  	[sflag:s18] =	ssyncadd.s32 $0xFFFFE000  }
0x44: {  	[spmem:s10] =	stream.linear.scatter [tilespmem:s29], [sflag:$0xB], $0x2000, $0x38;
	[tilespmem:$0x1FC40] =	vst v63  }
0x45: {  	_ =	swait.ge [sflag:s18], $0x2000  }
0x46: {  	[sflag:s18] =	ssyncset.done $0x0  }
0x47: {  	[sflag:s18] =	ssyncadd.s32 $0xFFFFE000  }
0x48: {  	[spmem:s11] =	stream.linear.scatter [tilespmem:s29], [sflag:$0xB], $0x2000, $0x38;
	[tilespmem:$0x1FC40] =	vst v63  }
0x49: {  	_ =	swait.ge [sflag:s18], $0x2000  }
0x4a: {  	[sflag:s18] =	ssyncset.done $0x0  }
0x4b: {  	[sflag:s18] =	ssyncadd.s32 $0xFFFFE000  }
0x4c: {  	[bflag:$0x0] =	sbarrier.arrive $0xFFFF  }
0x4d: {  	_ =	swait.ge [sflag:s30], $0x1F40  }
0x4e: {  	[sflag:s30] =	ssyncset.done $0x0  }
0x4f: {  	s16 =	simm.s32 $0x5000;
	[sflag:s30] =	ssyncadd.s32 $0xFFFFE0C0  }
0x50: {  	[spmem:s2] =	stream.indirect.scatter.add.f32 [tilespmem:s21], [sflag:$0x6], $0x40, s16, s20, $0xb8;
	[tilespmem:$0x1FC40] =	vst v63  }
0x51: {  	s17 =	simm.s32 $0x200  }
0x52: {  	[tilespmem:s0], [sflag:$0x5] =	stream.indirect.gather [hbm4b:s6+s20], $0x40, s17, s20, $0xb8;
	[tilespmem:$0x1FC40] =	vst v63  }
0x53: {  	_ =	swait.ge [sflag:s1], $0x1F40  }
0x54: {  	[sflag:s1] =	ssyncset.done $0x0  }
0x55: {  	s16 =	simm.s32 $0x5080;
	[sflag:s1] =	ssyncadd.s32 $0xFFFFE0C0  }
0x56: {  	[spmem:s2] =	stream.indirect.scatter.add.f32 [tilespmem:s23], [sflag:$0x7], $0x40, s16, s20, $0xb8;
	[tilespmem:$0x1FC40] =	vst v63  }
0x57: {  	_ =	swait.ge [sflag:s24], $0x1F40  }
0x58: {  	[sflag:s24] =	ssyncset.done $0x0  }
0x59: {  	s17 =	simm.s32 $0x280;
	[sflag:s24] =	ssyncadd.s32 $0xFFFFE0C0  }
0x5a: {  	[tilespmem:s21], [sflag:$0x1] =	stream.indirect.gather [hbm4b:s6+s20], $0x40, s17, s20, $0xb8;
	[tilespmem:$0x1FC40] =	vst v63  }
0x5b: {  	_ =	swait.ge [sflag:s31], $0x1F40  }
0x5c: {  	[sflag:s31] =	ssyncset.done $0x0  }
0x5d: {  	s16 =	simm.s32 $0x5100;
	[sflag:s31] =	ssyncadd.s32 $0xFFFFE0C0  }
0x5e: {  	[spmem:s2] =	stream.indirect.scatter.add.f32 [tilespmem:s25], [sflag:$0x8], $0x40, s16, s20, $0xb8;
	[tilespmem:$0x1FC40] =	vst v63  }
0x5f: {  	_ =	swait.ge [sflag:s26], $0x1F40  }
0x60: {  	[sflag:s26] =	ssyncset.done $0x0  }
0x61: {  	s17 =	simm.s32 $0x300;
	[sflag:s26] =	ssyncadd.s32 $0xFFFFE0C0  }
0x62: {  	[tilespmem:s23], [sflag:$0x2] =	stream.indirect.gather [hbm4b:s6+s20], $0x40, s17, s20, $0xb8;
	[tilespmem:$0x1FC40] =	vst v63  }
0x63: {  	_ =	swait.ge [sflag:s22], $0x1F40  }
0x64: {  	[sflag:s22] =	ssyncset.done $0x0  }
0x65: {  	s16 =	simm.s32 $0x5180;
	[sflag:s22] =	ssyncadd.s32 $0xFFFFE0C0  }
0x66: {  	[spmem:s2] =	stream.indirect.scatter.add.f32 [tilespmem:s28], [sflag:$0x9], $0x40, s16, s20, $0xb8;
	[tilespmem:$0x1FC40] =	vst v63  }
0x67: {  	_ =	swait.ge [sflag:s4], $0x1F40  }
0x68: {  	[sflag:s4] =	ssyncset.done $0x0  }
0x69: {  	s17 =	simm.s32 $0x380;
	[sflag:s4] =	ssyncadd.s32 $0xFFFFE0C0  }
0x6a: {  	[tilespmem:s25], [sflag:$0x3] =	stream.indirect.gather [hbm4b:s6+s20], $0x40, s17, s20, $0xb8;
	[tilespmem:$0x1FC40] =	vst v63  }
0x6b: {  	_ =	swait.ge [sflag:s5], $0x1F40  }
0x6c: {  	[sflag:s5] =	ssyncset.done $0x0  }
0x6d: {  	s16 =	simm.s32 $0x5200;
	[sflag:s5] =	ssyncadd.s32 $0xFFFFE0C0  }
0x6e: {  	[spmem:s2] =	stream.indirect.scatter.add.f32 [tilespmem:s0], [sflag:$0xA], $0x40, s16, s20, $0xb8;
	[tilespmem:$0x1FC40] =	vst v63  }
0x6f: {  	_ =	swait.ge [sflag:s12], $0x1F40  }
0x70: {  	[sflag:s12] =	ssyncset.done $0x0  }
0x71: {  	s17 =	simm.s32 $0x400;
	[sflag:s12] =	ssyncadd.s32 $0xFFFFE0C0  }
0x72: {  	[tilespmem:s28], [sflag:$0x4] =	stream.indirect.gather [hbm4b:s6+s20], $0x40, s17, s20, $0xb8;
	[tilespmem:$0x1FC40] =	vst v63  }
0x73: {  	_ =	swait.ge [sflag:s30], $0x1F40  }
0x74: {  	[sflag:s30] =	ssyncset.done $0x0  }
0x75: {  	s16 =	simm.s32 $0x5280;
	[sflag:s30] =	ssyncadd.s32 $0xFFFFE0C0  }
0x76: {  	[spmem:s2] =	stream.indirect.scatter.add.f32 [tilespmem:s21], [sflag:$0x6], $0x40, s16, s20, $0xb8;
	[tilespmem:$0x1FC40] =	vst v63  }
0x77: {  	_ =	swait.ge [sflag:s13], $0x1F40  }
0x78: {  	[sflag:s13] =	ssyncset.done $0x0  }
0x79: {  	s17 =	simm.s32 $0x480;
	[sflag:s13] =	ssyncadd.s32 $0xFFFFE0C0  }
0x7a: {  	[tilespmem:s0], [sflag:$0x5] =	stream.indirect.gather [hbm4b:s6+s20], $0x40, s17, s20, $0xb8;
	[tilespmem:$0x1FC40] =	vst v63  }
0x7b: {  	_ =	swait.ge [sflag:s1], $0x1F40  }
0x7c: {  	[sflag:s1] =	ssyncset.done $0x0  }
0x7d: {  	s16 =	simm.s32 $0x5300;
	[sflag:s1] =	ssyncadd.s32 $0xFFFFE0C0  }
0x7e: {  	[spmem:s2] =	stream.indirect.scatter.add.f32 [tilespmem:s23], [sflag:$0x7], $0x40, s16, s20, $0xb8;
	[tilespmem:$0x1FC40] =	vst v63  }
0x7f: {  	_ =	swait.ge [sflag:s24], $0x1F40  }
0x80: {  	[sflag:s24] =	ssyncset.done $0x0  }
0x81: {  	s17 =	simm.s32 $0x500;
	[sflag:s24] =	ssyncadd.s32 $0xFFFFE0C0  }
0x82: {  	[tilespmem:s21], [sflag:$0x1] =	stream.indirect.gather [hbm4b:s6+s20], $0x40, s17, s20, $0xb8;
	[tilespmem:$0x1FC40] =	vst v63  }
0x83: {  	_ =	swait.ge [sflag:s31], $0x1F40  }
0x84: {  	[sflag:s31] =	ssyncset.done $0x0  }
0x85: {  	s16 =	simm.s32 $0x5380;
	[sflag:s31] =	ssyncadd.s32 $0xFFFFE0C0  }
0x86: {  	[spmem:s2] =	stream.indirect.scatter.add.f32 [tilespmem:s25], [sflag:$0x8], $0x40, s16, s20, $0xb8;
	[tilespmem:$0x1FC40] =	vst v63  }
0x87: {  	_ =	swait.ge [sflag:s26], $0x1F40  }
0x88: {  	[sflag:s26] =	ssyncset.done $0x0  }
0x89: {  	s17 =	simm.s32 $0x580;
	[sflag:s26] =	ssyncadd.s32 $0xFFFFE0C0  }
0x8a: {  	[tilespmem:s23], [sflag:$0x2] =	stream.indirect.gather [hbm4b:s6+s20], $0x40, s17, s20, $0xb8;
	[tilespmem:$0x1FC40] =	vst v63  }
0x8b: {  	_ =	swait.ge [sflag:s22], $0x1F40  }
0x8c: {  	[sflag:s22] =	ssyncset.done $0x0  }
0x8d: {  	s16 =	simm.s32 $0x5400;
	[sflag:s22] =	ssyncadd.s32 $0xFFFFE0C0  }
0x8e: {  	[spmem:s2] =	stream.indirect.scatter.add.f32 [tilespmem:s28], [sflag:$0x9], $0x40, s16, s20, $0xb8;
	[tilespmem:$0x1FC40] =	vst v63  }
0x8f: {  	_ =	swait.ge [sflag:s4], $0x1F40  }
0x90: {  	[sflag:s4] =	ssyncset.done $0x0  }
0x91: {  	s17 =	simm.s32 $0x600;
	[sflag:s4] =	ssyncadd.s32 $0xFFFFE0C0  }
0x92: {  	[tilespmem:s25], [sflag:$0x3] =	stream.indirect.gather [hbm4b:s6+s20], $0x40, s17, s20, $0xb8;
	[tilespmem:$0x1FC40] =	vst v63  }
0x93: {  	_ =	swait.ge [sflag:s5], $0x1F40  }
0x94: {  	[sflag:s5] =	ssyncset.done $0x0  }
0x95: {  	s16 =	simm.s32 $0x5480;
	[sflag:s5] =	ssyncadd.s32 $0xFFFFE0C0  }
0x96: {  	[spmem:s2] =	stream.indirect.scatter.add.f32 [tilespmem:s0], [sflag:$0xA], $0x40, s16, s20, $0xb8;
	[tilespmem:$0x1FC40] =	vst v63  }
0x97: {  	_ =	swait.ge [sflag:s12], $0x1F40  }
0x98: {  	[sflag:s12] =	ssyncset.done $0x0  }
0x99: {  	s17 =	simm.s32 $0x680;
	[sflag:s12] =	ssyncadd.s32 $0xFFFFE0C0  }
0x9a: {  	[tilespmem:s28], [sflag:$0x4] =	stream.indirect.gather [hbm4b:s6+s20], $0x40, s17, s20, $0xb8;
	[tilespmem:$0x1FC40] =	vst v63  }
0x9b: {  	_ =	swait.ge [sflag:s30], $0x1F40  }
0x9c: {  	[sflag:s30] =	ssyncset.done $0x0  }
0x9d: {  	s16 =	simm.s32 $0x5500;
	[sflag:s30] =	ssyncadd.s32 $0xFFFFE0C0  }
0x9e: {  	[spmem:s2] =	stream.indirect.scatter.add.f32 [tilespmem:s21], [sflag:$0x6], $0x40, s16, s20, $0xb8;
	[tilespmem:$0x1FC40] =	vst v63  }
0x9f: {  	_ =	swait.ge [sflag:s13], $0x1F40  }
0xa0: {  	[sflag:s13] =	ssyncset.done $0x0  }
0xa1: {  	s17 =	simm.s32 $0x700;
	[sflag:s13] =	ssyncadd.s32 $0xFFFFE0C0  }
0xa2: {  	[tilespmem:s0], [sflag:$0x5] =	stream.indirect.gather [hbm4b:s6+s20], $0x40, s17, s20, $0xb8;
	[tilespmem:$0x1FC40] =	vst v63  }
0xa3: {  	_ =	swait.ge [sflag:s1], $0x1F40  }
0xa4: {  	[sflag:s1] =	ssyncset.done $0x0  }
0xa5: {  	s15 =	simm.s32 $0xA00;
	s16 =	simm.s32 $0x5580;
	[sflag:s1] =	ssyncadd.s32 $0xFFFFE0C0  }
.LBB2_4:
0xa6: {  	[spmem:s2] =	stream.indirect.scatter.add.f32 [tilespmem:s23], [sflag:$0x7], $0x40, s16, s20, $0xb8;
	[tilespmem:$0x1FC40] =	vst v63  }
0xa7: {  	s16 =	smov.u32 s15;
	s15 =	sadd.s32 $0xA00, s15;
	_ =	swait.ge [sflag:s24], $0x1F40  }
0xa8: {  	s16 =	sshra.s32 s16, $0x2;
	p0 =	sne.s32 s15, $0x12C00;
	[sflag:s24] =	ssyncset.done $0x0  }
0xa9: {  	s17 =	sadd.s32 $0x500, s16;
	[sflag:s24] =	ssyncadd.s32 $0xFFFFE0C0  }
0xaa: {  	[tilespmem:s21], [sflag:$0x1] =	stream.indirect.gather [hbm4b:s6+s20], $0x40, s17, s20, $0xb8;
	[tilespmem:$0x1FC40] =	vst v63  }
0xab: {  	_ =	swait.ge [sflag:s31], $0x1F40  }
0xac: {  	[sflag:s31] =	ssyncset.done $0x0  }
0xad: {  	s17 =	sadd.s32 $0x5380, s16;
	[sflag:s31] =	ssyncadd.s32 $0xFFFFE0C0  }
0xae: {  	[spmem:s2] =	stream.indirect.scatter.add.f32 [tilespmem:s25], [sflag:$0x8], $0x40, s17, s20, $0xb8;
	[tilespmem:$0x1FC40] =	vst v63  }
0xaf: {  	_ =	swait.ge [sflag:s26], $0x1F40  }
0xb0: {  	[sflag:s26] =	ssyncset.done $0x0  }
0xb1: {  	s17 =	sadd.s32 $0x580, s16;
	[sflag:s26] =	ssyncadd.s32 $0xFFFFE0C0  }
0xb2: {  	[tilespmem:s23], [sflag:$0x2] =	stream.indirect.gather [hbm4b:s6+s20], $0x40, s17, s20, $0xb8;
	[tilespmem:$0x1FC40] =	vst v63  }
0xb3: {  	_ =	swait.ge [sflag:s22], $0x1F40  }
0xb4: {  	[sflag:s22] =	ssyncset.done $0x0  }
0xb5: {  	s17 =	sadd.s32 $0x5400, s16;
	[sflag:s22] =	ssyncadd.s32 $0xFFFFE0C0  }
0xb6: {  	[spmem:s2] =	stream.indirect.scatter.add.f32 [tilespmem:s28], [sflag:$0x9], $0x40, s17, s20, $0xb8;
	[tilespmem:$0x1FC40] =	vst v63  }
0xb7: {  	_ =	swait.ge [sflag:s4], $0x1F40  }
0xb8: {  	[sflag:s4] =	ssyncset.done $0x0  }
0xb9: {  	s17 =	sadd.s32 $0x600, s16;
	[sflag:s4] =	ssyncadd.s32 $0xFFFFE0C0  }
0xba: {  	[tilespmem:s25], [sflag:$0x3] =	stream.indirect.gather [hbm4b:s6+s20], $0x40, s17, s20, $0xb8;
	[tilespmem:$0x1FC40] =	vst v63  }
0xbb: {  	_ =	swait.ge [sflag:s5], $0x1F40  }
0xbc: {  	[sflag:s5] =	ssyncset.done $0x0  }
0xbd: {  	s17 =	sadd.s32 $0x5480, s16;
	[sflag:s5] =	ssyncadd.s32 $0xFFFFE0C0  }
0xbe: {  	[spmem:s2] =	stream.indirect.scatter.add.f32 [tilespmem:s0], [sflag:$0xA], $0x40, s17, s20, $0xb8;
	[tilespmem:$0x1FC40] =	vst v63  }
0xbf: {  	_ =	swait.ge [sflag:s12], $0x1F40  }
0xc0: {  	[sflag:s12] =	ssyncset.done $0x0  }
0xc1: {  	s17 =	sadd.s32 $0x680, s16;
	[sflag:s12] =	ssyncadd.s32 $0xFFFFE0C0  }
0xc2: {  	[tilespmem:s28], [sflag:$0x4] =	stream.indirect.gather [hbm4b:s6+s20], $0x40, s17, s20, $0xb8;
	[tilespmem:$0x1FC40] =	vst v63  }
0xc3: {  	_ =	swait.ge [sflag:s30], $0x1F40  }
0xc4: {  	[sflag:s30] =	ssyncset.done $0x0  }
0xc5: {  	s17 =	sadd.s32 $0x5500, s16;
	[sflag:s30] =	ssyncadd.s32 $0xFFFFE0C0  }
0xc6: {  	[spmem:s2] =	stream.indirect.scatter.add.f32 [tilespmem:s21], [sflag:$0x6], $0x40, s17, s20, $0xb8;
	[tilespmem:$0x1FC40] =	vst v63  }
0xc7: {  	_ =	swait.ge [sflag:s13], $0x1F40  }
0xc8: {  	[sflag:s13] =	ssyncset.done $0x0  }
.Ltmp1:
0xc9: {  	s17 =	sadd.s32 $0x700, s16;
	[sflag:s13] =	ssyncadd.s32 $0xFFFFE0C0;
	(pc) =	sbr.rel @p0 .LBB2_4-.Ltmp1, $4  }
0xca: {  	[tilespmem:s0], [sflag:$0x5] =	stream.indirect.gather [hbm4b:s6+s20], $0x40, s17, s20, $0xb8;
	[tilespmem:$0x1FC40] =	vst v63  }
0xcb: {  	_ =	swait.ge [sflag:s1], $0x1F40  }
0xcc: {  	[sflag:s1] =	ssyncset.done $0x0  }
0xcd: {  	s16 =	sadd.s32 $0x5580, s16;
	[sflag:s1] =	ssyncadd.s32 $0xFFFFE0C0  }
0xce: {  	[spmem:s2] =	stream.indirect.scatter.add.f32 [tilespmem:s23], [sflag:$0x7], $0x40, s16, s20, $0xb8;
	[tilespmem:$0x1FC40] =	vst v63  }
0xcf: {  	_ =	swait.ge [sflag:s31], $0x1F40  }
0xd0: {  	s15 =	sshra.s32 s15, $0x2;
	[sflag:s31] =	ssyncset.done $0x0  }
0xd1: {  	s17 =	sadd.s32 $0x5380, s15;
	[sflag:s31] =	ssyncadd.s32 $0xFFFFE0C0  }
0xd2: {  	[spmem:s2] =	stream.indirect.scatter.add.f32 [tilespmem:s25], [sflag:$0x8], $0x40, s17, s20, $0xb8;
	[tilespmem:$0x1FC40] =	vst v63  }
0xd3: {  	_ =	swait.ge [sflag:s22], $0x1F40  }
0xd4: {  	[sflag:s22] =	ssyncset.done $0x0  }
0xd5: {  	s17 =	sadd.s32 $0x5400, s15;
	[sflag:s22] =	ssyncadd.s32 $0xFFFFE0C0  }
0xd6: {  	[spmem:s2] =	stream.indirect.scatter.add.f32 [tilespmem:s28], [sflag:$0x9], $0x40, s17, s20, $0xb8;
	[tilespmem:$0x1FC40] =	vst v63  }
0xd7: {  	_ =	swait.ge [sflag:s5], $0x1F40  }
0xd8: {  	[sflag:s5] =	ssyncset.done $0x0  }
0xd9: {  	s15 =	sadd.s32 $0x5480, s15;
	[sflag:s5] =	ssyncadd.s32 $0xFFFFE0C0  }
0xda: {  	[spmem:s2] =	stream.indirect.scatter.add.f32 [tilespmem:s0], [sflag:$0xA], $0x40, s15, s20, $0xb8;
	[tilespmem:$0x1FC40] =	vst v63  }
0xdb: {  	_ =	swait.ge [sflag:s24], $0x1F40  }
0xdc: {  	[sflag:s24] =	ssyncset.done $0x0  }
0xdd: {  	[sflag:s24] =	ssyncadd.s32 $0xFFFFE0C0  }
0xde: {  	_ =	swait.ge [sflag:s26], $0x1F40  }
0xdf: {  	[sflag:s26] =	ssyncset.done $0x0  }
0xe0: {  	[sflag:s26] =	ssyncadd.s32 $0xFFFFE0C0  }
0xe1: {  	_ =	swait.ge [sflag:s4], $0x1F40  }
0xe2: {  	[sflag:s4] =	ssyncset.done $0x0  }
0xe3: {  	[sflag:s4] =	ssyncadd.s32 $0xFFFFE0C0  }
0xe4: {  	_ =	swait.ge [sflag:s12], $0x1F40  }
0xe5: {  	[sflag:s12] =	ssyncset.done $0x0  }
0xe6: {  	[sflag:s12] =	ssyncadd.s32 $0xFFFFE0C0  }
0xe7: {  	_ =	swait.ge [sflag:s13], $0x1F40  }
0xe8: {  	[sflag:s13] =	ssyncset.done $0x0  }
0xe9: {  	s16 =	stileid.u32;
	[sflag:s13] =	ssyncadd.s32 $0xFFFFE0C0  }
0xea: {  	s15 =	sshll.u32 s16, $0x6;
	[bflag:$0x0] =	sbarrier.arrive $0xFFFF  }
0xeb: {  	s16 =	sshrl.u32 s7, $0x3;
	s15 =	sor.u32 $0x1C0B, s15;
	s17 =	rddreg [dreg:$0x6]  }
0xec: {  	[hbm:s17@s14], [sflag:s15] =	dma.strided [spmem:s16@s4], $0x400, s30, $0x8   }
0xed: {  	_ =	swait.ge [sflag:s18], $0x400  }
0xee: {  	[sflag:s18] =	ssyncset.done $0x0  }
0xef: {  	s16 =	sshrl.u32 s8, $0x3;
	s17 =	rddreg [dreg:$0x7];
	[sflag:s18] =	ssyncadd.s32 $0xFFFFFC00  }
0xf0: {  	[hbm:s17@s14], [sflag:s15] =	dma.strided [spmem:s16@s4], $0x400, s30, $0x8   }
0xf1: {  	_ =	swait.ge [sflag:s18], $0x400  }
0xf2: {  	[sflag:s18] =	ssyncset.done $0x0  }
0xf3: {  	s16 =	sshrl.u32 s9, $0x3;
	s17 =	rddreg [dreg:$0x8];
	[sflag:s18] =	ssyncadd.s32 $0xFFFFFC00  }
0xf4: {  	[hbm:s17@s14], [sflag:s15] =	dma.strided [spmem:s16@s4], $0x400, s30, $0x8   }
0xf5: {  	_ =	swait.ge [sflag:s18], $0x400  }
0xf6: {  	[sflag:s18] =	ssyncset.done $0x0  }
0xf7: {  	s16 =	sshrl.u32 s10, $0x3;
	s17 =	rddreg [dreg:$0x9];
	[sflag:s18] =	ssyncadd.s32 $0xFFFFFC00  }
0xf8: {  	[hbm:s17@s14], [sflag:s15] =	dma.strided [spmem:s16@s4], $0x400, s30, $0x8   }
0xf9: {  	_ =	swait.ge [sflag:s18], $0x400  }
0xfa: {  	[sflag:s18] =	ssyncset.done $0x0  }
0xfb: {  	s16 =	sshrl.u32 s11, $0x3;
	s17 =	rddreg [dreg:$0xa];
	[sflag:s18] =	ssyncadd.s32 $0xFFFFFC00  }
0xfc: {  	[hbm:s17@s14], [sflag:s15] =	dma.strided [spmem:s16@s4], $0x400, s30, $0x8   }
0xfd: {  	_ =	swait.ge [sflag:s18], $0x400  }
0xfe: {  	s19 =	sadd.s32 $0x1, s19;
	s17 =	rddreg [dreg:$0xb]  }
0xff: {  	p0 =	sne.s32 s19, s17  }
.Ltmp2:
0x100: {  	_ = 	snop;
	(pc) =	sbr.rel @p0 .LBB2_1-.Ltmp2, $3  }
0x101: {  	_ =	sdelay $0x1  }
0x102: {  	[sflag:s18] =	ssyncset.done $0x0  }
0x103: {  	[sflag:s18] =	ssyncadd.s32 $0xFFFFFC00  }
0x104: {  	_ =	sfence.sel $0x180000  }
0x105: {  	[bflag:$0x0] =	sbarrier.arrive $0xFFFF  }
0x106: {  	_ =	strace $0x90000047  }
0x107: {  	s0 =	stileid.u32;
	[bflag:$0x2] =	sbarrier.arrive $0xFFFF  }
0x108: {  	p0 =	sne.s32 s0, $0x0;
	s0 =	rddreg [dreg:$0x3]  }
0x109: {  	s0 =	sadd.s32 @!p0 $0x100000, s0  }
0x10a: {  	[sflag:s0] =	ssyncadd.tile.s32 @!p0 $0x1;
	_ =	shalt  }
.Lfunc_end2:
_tile_overlayer_lowered:
.L_overlay_start_2:
0x10b: {  	(tag) =	ssettag $0x2  }
0x10c: {  	s0 =	rddreg [dreg:$0x0];
	s2 =	stileid.u32  }
0x10d: {  	s1 =	rddreg [dreg:$0x1];
	p0 =	sne.s32 s2, $0x0  }
0x10e: {  	s3 =	rddreg [dreg:$0x2];
	[bflag:$0x3] =	sbarrier.arrive $0xFFFF;
	s2 =	simm.s32 @!p0 $0x1C0B  }
0x10f: {  	[timem:s3], [sflag:s2] =	dma.local @!p0 [hbm:s0], s1  }
0x110: {  	s0 =	simm.s32 @!p0 $0xB  }
0x111: {  	_ =	swait.ge @!p0 [sflag:s0], s1  }
0x112: {  	s1 =	ssub.s32 @!p0 $0x0, s1;
	[sflag:s0] =	ssyncset.done @!p0 $0x0  }
0x113: {  	[sflag:s0] =	ssyncadd.s32 @!p0 s1  }
0x114: {  	[bflag:$0x3] =	sbarrier.arrive $0xFFFF  }
0x115: {  	_ =	shalt  }

// kernel: kernel.9.cloned.1.call-start
scs
__scs_entry_jumppad:
0x0: {  	(pc) =	sbr.rel $0x88, $3  }
0x1: {  	(tag) =	ssettag $0x0;
	lr =	simm.s32 $0x1  }
0x2: {  	[smem:$0x3F91] =	sst lr;
	_ =	strace $0xD0000000  }
0x3: {  	_ = 	snop  }
0x4: {  	_ = 	snop  }
0x5: {  	_ = 	snop  }
0x6: {  	_ = 	snop  }
0x7: {  	_ = 	snop  }
__scs_overlays_trampoline_lowered:
0x8: {  	[smem:$0x3FA0] =	sst s0  }
0x9: {  	[smem:$0x3FA1] =	sst s1  }
0xa: {  	[smem:$0x3FA2] =	sst s2  }
0xb: {  	[smem:$0x3FA3] =	sst s3  }
0xc: {  	[smem:$0x3FA4] =	sst s4  }
0xd: {  	[smem:$0x3FA5] =	sst s5  }
0xe: {  	[smem:$0x3FA6] =	sst s6  }
0xf: {  	[smem:$0x3FA7] =	sst s7  }
0x10: {  	[smem:$0x3FA8] =	sst s8  }
0x11: {  	[smem:$0x3FA9] =	sst s9;
	s0 =	simm.s32 @!p0 $0x0  }
0x12: {  	s1 =	sld [smem:$0x3F8F];
	s0 =	simm.s32 @p0 $0x1  }
0x13: {  	[smem:$0x3FAA] =	sst s0;
	s0 =	simm.s32 @!p1 $0x0  }
0x14: {  	s2 =	sld [smem:$0x3F8E];
	s0 =	simm.s32 @p1 $0x1  }
0x15: {  	[smem:$0x3FAB] =	sst s0;
	s0 =	simm.s32 @!p2 $0x0  }
0x16: {  	s3 =	sld [smem:$0x3FDB];
	s0 =	simm.s32 @p2 $0x1  }
0x17: {  	s4 =	simm.s32 $0x1BF5;
	[smem:$0x3FAD] =	sst s0  }
0x18: {  	s0 =	sld [smem:$0x3F90];
	_ =	swait.ge [sflag:s4], $0x0  }
0x19: {  	s7 =	sld [smem:$0x3F91]  }
0x1a: {  	s8 =	sadd.s32 $0xFFFFE003, lr  }
0x1b: {  	s9 =	sadd.s32 $0xFFFFFEF7, lr;
	s5 =	simm.s32 $0xFFFFFFFF;
	p2 =	slt.u32 s8, $0xFFFFF086  }
0x1c: {  	p1 =	slt.u32 s9, $0xF7A;
	s5 =	simm.s32 @!p2 $0x0  }
0x1d: {  	s5 =	simm.s32 @p1 $0x1;
	p0 =	seq.s32 s7, s2  }
0x1e: {  	s7 =	smul.u32 @!p0 $0xF7A, s2;
	p2 =	seq.s32 @!p0 s5, $0x0  }
0x1f: {  	s9 =	smul.u32 $0xF7A, s1;
	s8 =	simm.s32 @!p0 $0x1BF5;
	p2 =	por !p2, p0  }
0x20: {  	[sflag:s8] =	ssyncset.s32 @!p0 $0xFFFFF086;
	s6 =	sadd.s32 @!p0 s3, s7;
	s7 =	simm.s32 @!p0 $0x108  }
0x21: {  	s3 =	sadd.s32 s3, s9;
	s6 =	sadd.s32 @!p0 $0x88, s6;
	s7 =	simm.s32 @p2 $0x1082  }
0x22: {  	[simem:s7], [sflag:s8] =	dma.local @!p0 [hbm:s6], $0xF7A  }
0x23: {  	s9 =	sor.u32 $0xD0000000, s2;
	s6 =	simm.s32 $0x108;
	_ =	swait.ge @!p0 [sflag:s8], $0x0  }
0x24: {  	s3 =	sadd.s32 $0x88, s3;
	s6 =	simm.s32 @!p1 $0x1082;
	[sflag:s4] =	ssyncset.s32 $0xFFFFF086  }
0x25: {  	[simem:s6], [sflag:s4] =	dma.local [hbm:s3], $0xF7A  }
0x26: {  	[smem:$0x3F91] =	sst s1;
	(tag) =	ssettag s2;
	_ =	strace s9  }
0x27: {  	s1 =	sld [smem:$0x3FA1]  }
0x28: {  	s2 =	sld [smem:$0x3FA2]  }
0x29: {  	s4 =	sld [smem:$0x3FA4]  }
0x2a: {  	p0 =	seq.s32 s5, $0x0;
	s5 =	sld [smem:$0x3FA5]  }
0x2b: {  	s6 =	sld [smem:$0x3FA6]  }
0x2c: {  	s7 =	sld [smem:$0x3FA7]  }
0x2d: {  	s3 =	simm.s32 $0x108;
	s8 =	sld [smem:$0x3FA8]  }
0x2e: {  	s3 =	simm.s32 @!p0 $0x1082;
	s9 =	sld [smem:$0x3FA9]  }
0x2f: {  	lr =	sadd.s32 s0, s3;
	s0 =	sld [smem:$0x3FA0]  }
0x30: {  	s3 =	sld [smem:$0x3FA3]  }
0x31: {  	[smem:$0x3FAC] =	sst s10  }
0x32: {  	s10 =	sld [smem:$0x3FAA];
	_ =	sdelay $0x3  }
0x33: {  	p0 =	seq.s32 s10, $0x1;
	s10 =	sld [smem:$0x3FAC];
	_ =	sdelay $0x3  }
0x34: {  	[smem:$0x3FAC] =	sst s10  }
0x35: {  	s10 =	sld [smem:$0x3FAB];
	_ =	sdelay $0x3  }
0x36: {  	p1 =	seq.s32 s10, $0x1;
	s10 =	sld [smem:$0x3FAC];
	_ =	sdelay $0x3  }
0x37: {  	[smem:$0x3FAC] =	sst s10  }
0x38: {  	s10 =	sld [smem:$0x3FAD]  }
0x39: {  	_ = 	snop;
	(pc) =	sbr.ind lr, $3  }
0x3a: {  	_ = 	snop  }
0x3b: {  	_ = 	snop  }
0x3c: {  	p2 =	seq.s32 s10, $0x1;
	s10 =	sld [smem:$0x3FAC]  }
0x3d: {  	_ =	shalt  }
0x3e: {  	_ =	shalt  }
0x3f: {  	_ =	shalt  }
0x40: {  	_ =	shalt  }
0x41: {  	_ =	shalt  }
0x42: {  	_ =	shalt  }
0x43: {  	_ =	shalt  }
0x44: {  	_ =	shalt  }
0x45: {  	_ =	shalt  }
0x46: {  	_ =	shalt  }
0x47: {  	_ =	shalt  }
0x48: {  	_ =	shalt  }
0x49: {  	_ =	shalt  }
0x4a: {  	_ =	shalt  }
0x4b: {  	_ =	shalt  }
0x4c: {  	_ =	shalt  }
0x4d: {  	_ =	shalt  }
0x4e: {  	_ =	shalt  }
0x4f: {  	_ =	shalt  }
0x50: {  	_ =	shalt  }
0x51: {  	_ =	shalt  }
0x52: {  	_ =	shalt  }
0x53: {  	_ =	shalt  }
0x54: {  	_ =	shalt  }
0x55: {  	_ =	shalt  }
0x56: {  	_ =	shalt  }
0x57: {  	_ =	shalt  }
0x58: {  	_ =	shalt  }
0x59: {  	_ =	shalt  }
0x5a: {  	_ =	shalt  }
0x5b: {  	_ =	shalt  }
0x5c: {  	_ =	shalt  }
0x5d: {  	_ =	shalt  }
0x5e: {  	_ =	shalt  }
0x5f: {  	_ =	shalt  }
0x60: {  	_ =	shalt  }
0x61: {  	_ =	shalt  }
0x62: {  	_ =	shalt  }
0x63: {  	_ =	shalt  }
0x64: {  	_ =	shalt  }
0x65: {  	_ =	shalt  }
0x66: {  	_ =	shalt  }
0x67: {  	_ =	shalt  }
0x68: {  	_ =	shalt  }
0x69: {  	_ =	shalt  }
0x6a: {  	_ =	shalt  }
0x6b: {  	_ =	shalt  }
0x6c: {  	_ =	shalt  }
0x6d: {  	_ =	shalt  }
0x6e: {  	_ =	shalt  }
0x6f: {  	_ =	shalt  }
0x70: {  	_ =	shalt  }
0x71: {  	_ =	shalt  }
0x72: {  	_ =	shalt  }
0x73: {  	_ =	shalt  }
0x74: {  	_ =	shalt  }
0x75: {  	_ =	shalt  }
0x76: {  	_ =	shalt  }
0x77: {  	_ =	shalt  }
0x78: {  	_ =	shalt  }
0x79: {  	_ =	shalt  }
0x7a: {  	_ =	shalt  }
0x7b: {  	_ =	shalt  }
0x7c: {  	_ =	shalt  }
0x7d: {  	_ =	shalt  }
0x7e: {  	_ =	shalt  }
0x7f: {  	_ =	shalt  }
0x80: {  	_ =	shalt  }
0x81: {  	_ =	shalt  }
0x82: {  	_ =	shalt  }
0x83: {  	_ =	shalt  }
0x84: {  	_ =	shalt  }
0x85: {  	_ =	shalt  }
0x86: {  	_ =	shalt  }
0x87: {  	_ =	shalt  }
.Lfunc_end0:
.L_simem_size_0:
called_computation.1_lowered:
.L_overlay_start_0:
0x88: {  	s2 =	sld [smem:$0x3FD9]  }
0x89: {  	s3 =	sld [smem:$0x3FFE];
	_ =	sdelay $0x1  }
0x8a: {  	s1 =	srdreg.scid  }
0x8b: {  	s0 =	sand.u32 $0x1, s1  }
0x8c: {  	s17 =	sshll.u32 s0, $0xA;
	s2 =	sadd.s32 s3, s2  }
0x8d: {  	s2 =	sadd.s32 s2, s17  }
0x8e: {  	[smem:$0x3FB8] =	sst s2  }
0x8f: {  	_ = 	snop  }
0x90: {  	s2 =	sld [smem:$0x3FD0];
	(tm) =	ssettm $0x1  }
0x91: {  	s18 =	sld [smem:$0x3FFB];
	_ =	sdelay $0x3  }
0x92: {  	_ =	strace s18  }
0x93: {  	s3 =	sld [smem:$0x3FFC];
	_ =	sdelay $0x3  }
0x94: {  	_ =	strace s3  }
0x95: {  	s3 =	sld [smem:$0x3FFD];
	_ =	sdelay $0x3  }
0x96: {  	_ =	strace s3  }
0x97: {  	_ =	strace $0x8FFFFFFF  }
0x98: {  	s19 =	sld [smem:$0x3FDB];
	_ =	sdelay $0x1  }
0x99: {  	s4 =	simm.s32 $_scs_section_size  }
0x9a: {  	s5 =	simm.s32 $_size__tile_overlayer_lowered;
	s6 =	simm.s32 $_tile_overlayer_lowered  }
0x9b: {  	s22 =	simm.s32 $0x1BFF;
	s21 =	sshll.u32 s6, $0x1;
	s3 =	sadd.s32 s4, s19  }
0x9c: {  	s7 =	simm.s32 $0x0;
	s20 =	sshll.u32 s5, $0x1;
	s5 =	sadd.s32 s21, s3  }
0x9d: {  	[timem:s7], [sflag:s22] =	dma.local [hbm:s5], s20  }
0x9e: {  	_ =	swait.ge [sflag:s22], s20  }
0x9f: {  	s4 =	ssub.s32 $0x0, s20;
	[sflag:s22] =	ssyncset.done $0x0  }
0xa0: {  	[sflag:s22] =	ssyncadd.s32 s4;
	_ =	sdelay $0x1  }
0xa1: {  	s23 =	simm.s32 $0x1B8B  }
0xa2: {  	_ =	swait.ge [sflag:s23], $0x1  }
0xa3: {  	[sflag:s23] =	ssyncset.done $0x0  }
0xa4: {  	s25 =	simm.s32 $0x1B8E;
	s24 =	sld [smem:$0x3FFE];
	[sflag:s23] =	ssyncadd.s32 $0xFFFFFFFF  }
0xa5: {  	s26 =	simm.s32 $execute0_lowered;
	[smem:$0x3FD2] =	sst s25  }
0xa6: {  	s5 =	sshll.u32 s26, $0x1;
	_ =	strace $0x80000049;
	[dreg:$0x1] =	wrdreg $0xFFFFFFFF  }
0xa7: {  	s28 =	simm.s32 $_size_execute0_lowered;
	s3 =	sadd.s32 s3, s5;
	[dreg:$0x0] =	wrdreg $0x0  }
0xa8: {  	s5 =	sshll.u32 s28, $0x1;
	[dreg:$0x2] =	wrdreg s3  }
0xa9: {  	[dreg:$0x3] =	wrdreg s5  }
0xaa: {  	[dreg:$0x4] =	wrdreg $0xC0  }
0xab: {  	_ =	task [dreg:s7], $0x5FFFF  }
0xac: {  	[dreg:$0x1] =	wrdreg $0xFFFFFFFF  }
0xad: {  	[dreg:$0x0] =	wrdreg $0x60  }
0xae: {  	[dreg:$0x2] =	wrdreg s2  }
0xaf: {  	[dreg:$0x3] =	wrdreg s24  }
0xb0: {  	[dreg:$0x4] =	wrdreg $0x15C400  }
0xb1: {  	[dreg:$0x5] =	wrdreg $0x9  }
0xb2: {  	_ =	task.clear_ibuf [dreg:s7], $0x6FFFF;
	_ =	strace $0x90000049  }
0xb3: {  	s29 =	simm.s32 $0x9;
	_ =	strace $0x8000004B  }
0xb4: {  	_ =	swait.ge [sflag:s29], $0x1  }
0xb5: {  	[sflag:s29] =	ssyncadd.s32 $0xFFFFFFFF  }
0xb6: {  	_ =	strace $0x9000004B  }
0xb7: {  	_ =	sfence  }
0xb8: {  	s30 =	sld [smem:$0x0];
	_ =	sdelay $0x2  }
0xb9: {  	s31 =	sshll.u32 s1, $0xD;
	s1 =	sshrl.u32 s1, $0x2  }
0xba: {  	s3 =	sand.u32 $0x4000, s31;
	s1 =	sadd.s32 s1, s30  }
0xbb: {  	s0 =	sor.u32 s3, s0;
	s1 =	sshll.u32 s1, $0x11  }
0xbc: {  	s0 =	sor.u32 s1, s0  }
0xbd: {  	s0 =	sadd.s32 $0x8F2B, s0  }
0xbe: {  	[sflag:s0] =	ssyncadd.remote.s32 $0x1  }
0xbf: {  	_ =	sfence.sel $0xFFFF  }
0xc0: {  	[dreg:$0x0] =	wrdreg $0xFFFFFFFF;
	(pc) =	sbr.abs _section_cstart, $3  }
0xc1: {  	[dreg:$0x1] =	wrdreg $0xFFFFFFFF  }
0xc2: {  	_ =	task.clear_ibuf [dreg:s7], $0x2FFFF;
	_ =	strace $0x9FFFFFFF  }
0xc3: {  	(tm) =	ssettm $0x7FFFFFFF  }
tec
execute0_lowered:
.L_overlay_start_1:
0x0: {  	(tag) =	ssettag $0x1  }
0x1: {  	s0 =	rddreg [dreg:$0x0]  }
0x2: {  	s1 =	rddreg [dreg:$0x1]  }
0x3: {  	s2 =	rddreg [dreg:$0x2];
	s10 =	stileid.u32  }
0x4: {  	s3 =	simm.s32 $0x0;
	s5 =	srdreg.scid;
	s4 =	smul.u32 $0xA00, s10  }
0x5: {  	s28 =	simm.s32 $0xFDC0;
	s29 =	simm.s32 $0x13C40;
	s11 =	smul.u32 $0x280, s10  }
0x6: {  	s30 =	simm.s32 $0x1;
	s31 =	simm.s32 $0x3;
	s25 =	smul.u32 $0x28000, s10  }
0x7: {  	[smem:$0x7FF] =	sst s3;
	s5 =	sand.u32 $0x1, s5;
	s15 =	smul.u32 $0x14000, s10  }
0x8: {  	_ =	strace $0x8000004A;
	s6 =	ssub.s32 $0x2, s5;
	s26 =	sshll.u32 s5, $0x6  }
0x9: {  	s5 =	sshll.u32 s5, $0x3;
	s4 =	sadd.s32 s4, s1;
	s1 =	sadd.s32 $0x17200, s1  }
0xa: {  	s7 =	sshrl.u32 s6, $0x1;
	s16 =	sshrl.u32 s25, $0x2;
	s17 =	sadd.s32 $0x80, s11  }
0xb: {  	s13 =	sadd.s32 $0x100, s11;
	s14 =	sadd.s32 $0x180, s11;
	s21 =	sadd.s32 $0x200, s11  }
0xc: {  	s15 =	sor.u32 s26, s15;
	s12 =	ssub.s32 s6, s7;
	s24 =	sadd.s32 $0xD200, s4  }
0xd: {  	s4 =	sadd.s32 $0x3200, s4;
	s6 =	sadd.s32 s0, s5;
	s7 =	sadd.s32 s16, s2  }
0xe: {  	s18 =	sshll.u32 s17, $0x6;
	s19 =	sshll.u32 s13, $0x6;
	s20 =	sshll.u32 s14, $0x6  }
0xf: {  	s5 =	sshll.u32 s17, $0x7;
	s11 =	sshll.u32 s21, $0x6;
	s15 =	sshrl.u32 s15, $0x3  }
0x10: {  	s22 =	sshll.u32 s13, $0x7;
	s23 =	sshll.u32 s14, $0x7;
	s0 =	sshll.u32 s21, $0x7  }
0x11: {  	s21 =	simm.s32 $0xA000;
	s14 =	simm.s32 $0x10;
	[dreg:$0x4] =	wrdreg s24  }
0x12: {  	[dreg:$0x5] =	wrdreg s4;
	s8 =	sadd.s32 s18, s2;
	s9 =	sadd.s32 s19, s2  }
0x13: {  	s10 =	sadd.s32 s20, s2;
	s5 =	sor.u32 s26, s5;
	s11 =	sadd.s32 s11, s2  }
0x14: {  	s15 =	sadd.s32 s1, s15;
	s13 =	sor.u32 s26, s23;
	s0 =	sor.u32 s26, s0  }
0x15: {  	s18 =	simm.s32 $0xB;
	s20 =	simm.s32 $0x7D;
	s23 =	simm.s32 $0xBF40  }
0x16: {  	s19 =	simm.s32 $0x0;
	s5 =	sshrl.u32 s5, $0x3;
	[dreg:$0x6] =	wrdreg s15  }
0x17: {  	s25 =	sshrl.u32 s13, $0x3;
	s0 =	sshrl.u32 s0, $0x3;
	s5 =	sadd.s32 s1, s5  }
0x18: {  	s13 =	simm.s32 $0xA;
	s4 =	sadd.s32 s1, s25;
	[dreg:$0x7] =	wrdreg s5  }
0x19: {  	s0 =	sadd.s32 s1, s0;
	s25 =	simm.s32 $0xDE80;
	[dreg:$0x9] =	wrdreg s4  }
0x1a: {  	s5 =	sor.u32 s26, s22;
	[dreg:$0xa] =	wrdreg s0;
	s26 =	smax.u32 s12, $0x1  }
0x1b: {  	s0 =	simm.s32 $0x11D00;
	s22 =	simm.s32 $0x4;
	s4 =	simm.s32 $0x8  }
0x1c: {  	s12 =	simm.s32 $0x9;
	s5 =	sshrl.u32 s5, $0x3;
	[dreg:$0xb] =	wrdreg s26  }
0x1d: {  	s26 =	simm.s32 $0x7;
	s24 =	sadd.s32 s1, s5;
	s1 =	simm.s32 $0x2  }
0x1e: {  	v0 =	vimm.f32 $0.0e+00;
	s5 =	simm.s32 $0x5;
	[dreg:$0x8] =	wrdreg s24;
	s24 =	simm.s32 $0x6  }
.LBB2_1:
0x1f: {  	s15 =	rddreg [dreg:$0x4]  }
0x20: {  	[tilespmem:s3], [sflag:$0xB] =	stream.linear.gather [hbm4b:s15+s3], $0x5000, $0x38;
	[tilespmem:$0x1FC40] =	vst v63  }
0x21: {  	_ =	swait.ge [sflag:s18], $0x5000  }
0x22: {  	[sflag:s18] =	ssyncset.done $0x0  }
0x23: {  	s16 =	simm.s32 $0x5000;
	s17 =	rddreg [dreg:$0x5];
	[sflag:s18] =	ssyncadd.s32 $0xFFFFB000  }
0x24: {  	[tilespmem:s16], [sflag:$0xB] =	stream.linear.gather [hbm4b:s17+s3], $0x5000, $0x38;
	[tilespmem:$0x1FC40] =	vst v63  }
0x25: {  	_ =	swait.ge [sflag:s18], $0x5000  }
0x26: {  	[sflag:s18] =	ssyncset.done $0x0  }
0x27: {  	[sflag:s18] =	ssyncadd.s32 $0xFFFFB000  }
0x28: {  	[tilespmem:s21], [sflag:$0x1] =	stream.indirect.gather [hbm4b:s6+s20], $0x40, s3, s20, $0xb8;
	[tilespmem:$0x1FC40] =	vst v63  }
0x29: {  	s17 =	simm.s32 $0x80  }
0x2a: {  	[tilespmem:s23], [sflag:$0x2] =	stream.indirect.gather [hbm4b:s6+s20], $0x40, s17, s20, $0xb8;
	[tilespmem:$0x1FC40] =	vst v63  }
0x2b: {  	s16 =	simm.s32 $0x100  }
0x2c: {  	[tilespmem:s25], [sflag:$0x3] =	stream.indirect.gather [hbm4b:s6+s20], $0x40, s16, s20, $0xb8;
	[tilespmem:$0x1FC40] =	vst v63  }
0x2d: {  	s15 =	simm.s32 $0x0;
	s17 =	simm.s32 $0x180;
	s16 =	simm.s32 $0x100  }
0x2e: {  	[tilespmem:s28], [sflag:$0x4] =	stream.indirect.gather [hbm4b:s6+s20], $0x40, s17, s20, $0xb8;
	[tilespmem:$0x1FC40] =	vst v63  }
.LBB2_2:
0x2f: {  	p0 =	sne.s32 s16, $0x7F00;
	[tilespmem:s15+$0x13C70] =	vst v0;
	s17 =	smov.u32 s16;
	s16 =	sadd.s32 $0x100, s16  }
.Ltmp0:
0x30: {  	[tilespmem:s15+$0x13C60] =	vst v0;
	(pc) =	sbr.rel @p0 .LBB2_2-.Ltmp0, $3  }
0x31: {  	[tilespmem:s15+$0x13C40] =	vst v0  }
0x32: {  	[tilespmem:s15+$0x13C50] =	vst v0;
	_ =	sdelay $0x1  }
0x33: {  	s15 =	sshra.s32 s17, $0x2  }
0x34: {  	[tilespmem:s15+$0x13C70] =	vst v0  }
0x35: {  	[tilespmem:s15+$0x13C60] =	vst v0  }
0x36: {  	[tilespmem:s15+$0x13C40] =	vst v0  }
0x37: {  	[tilespmem:s15+$0x13C50] =	vst v0  }
0x38: {  	[spmem:s7] =	stream.linear.scatter [tilespmem:s29], [sflag:$0xB], $0x2000, $0x38;
	[tilespmem:$0x1FC40] =	vst v63  }
0x39: {  	_ =	swait.ge [sflag:s18], $0x2000  }
0x3a: {  	[sflag:s18] =	ssyncset.done $0x0  }
0x3b: {  	[sflag:s18] =	ssyncadd.s32 $0xFFFFE000  }
0x3c: {  	[spmem:s8] =	stream.linear.scatter [tilespmem:s29], [sflag:$0xB], $0x2000, $0x38;
	[tilespmem:$0x1FC40] =	vst v63  }
0x3d: {  	_ =	swait.ge [sflag:s18], $0x2000  }
0x3e: {  	[sflag:s18] =	ssyncset.done $0x0  }
0x3f: {  	[sflag:s18] =	ssyncadd.s32 $0xFFFFE000  }
0x40: {  	[spmem:s9] =	stream.linear.scatter [tilespmem:s29], [sflag:$0xB], $0x2000, $0x38;
	[tilespmem:$0x1FC40] =	vst v63  }
0x41: {  	_ =	swait.ge [sflag:s18], $0x2000  }
0x42: {  	[sflag:s18] =	ssyncset.done $0x0  }
0x43: {  	[sflag:s18] =	ssyncadd.s32 $0xFFFFE000  }
0x44: {  	[spmem:s10] =	stream.linear.scatter [tilespmem:s29], [sflag:$0xB], $0x2000, $0x38;
	[tilespmem:$0x1FC40] =	vst v63  }
0x45: {  	_ =	swait.ge [sflag:s18], $0x2000  }
0x46: {  	[sflag:s18] =	ssyncset.done $0x0  }
0x47: {  	[sflag:s18] =	ssyncadd.s32 $0xFFFFE000  }
0x48: {  	[spmem:s11] =	stream.linear.scatter [tilespmem:s29], [sflag:$0xB], $0x2000, $0x38;
	[tilespmem:$0x1FC40] =	vst v63  }
0x49: {  	_ =	swait.ge [sflag:s18], $0x2000  }
0x4a: {  	[sflag:s18] =	ssyncset.done $0x0  }
0x4b: {  	[sflag:s18] =	ssyncadd.s32 $0xFFFFE000  }
0x4c: {  	[bflag:$0x0] =	sbarrier.arrive $0xFFFF  }
0x4d: {  	_ =	swait.ge [sflag:s30], $0x1F40  }
0x4e: {  	[sflag:s30] =	ssyncset.done $0x0  }
0x4f: {  	s16 =	simm.s32 $0x5000;
	[sflag:s30] =	ssyncadd.s32 $0xFFFFE0C0  }
0x50: {  	[spmem:s2] =	stream.indirect.scatter.add.f32 [tilespmem:s21], [sflag:$0x6], $0x40, s16, s20, $0xb8;
	[tilespmem:$0x1FC40] =	vst v63  }
0x51: {  	s17 =	simm.s32 $0x200  }
0x52: {  	[tilespmem:s0], [sflag:$0x5] =	stream.indirect.gather [hbm4b:s6+s20], $0x40, s17, s20, $0xb8;
	[tilespmem:$0x1FC40] =	vst v63  }
0x53: {  	_ =	swait.ge [sflag:s1], $0x1F40  }
0x54: {  	[sflag:s1] =	ssyncset.done $0x0  }
0x55: {  	s16 =	simm.s32 $0x5080;
	[sflag:s1] =	ssyncadd.s32 $0xFFFFE0C0  }
0x56: {  	[spmem:s2] =	stream.indirect.scatter.add.f32 [tilespmem:s23], [sflag:$0x7], $0x40, s16, s20, $0xb8;
	[tilespmem:$0x1FC40] =	vst v63  }
0x57: {  	_ =	swait.ge [sflag:s24], $0x1F40  }
0x58: {  	[sflag:s24] =	ssyncset.done $0x0  }
0x59: {  	s17 =	simm.s32 $0x280;
	[sflag:s24] =	ssyncadd.s32 $0xFFFFE0C0  }
0x5a: {  	[tilespmem:s21], [sflag:$0x1] =	stream.indirect.gather [hbm4b:s6+s20], $0x40, s17, s20, $0xb8;
	[tilespmem:$0x1FC40] =	vst v63  }
0x5b: {  	_ =	swait.ge [sflag:s31], $0x1F40  }
0x5c: {  	[sflag:s31] =	ssyncset.done $0x0  }
0x5d: {  	s16 =	simm.s32 $0x5100;
	[sflag:s31] =	ssyncadd.s32 $0xFFFFE0C0  }
0x5e: {  	[spmem:s2] =	stream.indirect.scatter.add.f32 [tilespmem:s25], [sflag:$0x8], $0x40, s16, s20, $0xb8;
	[tilespmem:$0x1FC40] =	vst v63  }
0x5f: {  	_ =	swait.ge [sflag:s26], $0x1F40  }
0x60: {  	[sflag:s26] =	ssyncset.done $0x0  }
0x61: {  	s17 =	simm.s32 $0x300;
	[sflag:s26] =	ssyncadd.s32 $0xFFFFE0C0  }
0x62: {  	[tilespmem:s23], [sflag:$0x2] =	stream.indirect.gather [hbm4b:s6+s20], $0x40, s17, s20, $0xb8;
	[tilespmem:$0x1FC40] =	vst v63  }
0x63: {  	_ =	swait.ge [sflag:s22], $0x1F40  }
0x64: {  	[sflag:s22] =	ssyncset.done $0x0  }
0x65: {  	s16 =	simm.s32 $0x5180;
	[sflag:s22] =	ssyncadd.s32 $0xFFFFE0C0  }
0x66: {  	[spmem:s2] =	stream.indirect.scatter.add.f32 [tilespmem:s28], [sflag:$0x9], $0x40, s16, s20, $0xb8;
	[tilespmem:$0x1FC40] =	vst v63  }
0x67: {  	_ =	swait.ge [sflag:s4], $0x1F40  }
0x68: {  	[sflag:s4] =	ssyncset.done $0x0  }
0x69: {  	s17 =	simm.s32 $0x380;
	[sflag:s4] =	ssyncadd.s32 $0xFFFFE0C0  }
0x6a: {  	[tilespmem:s25], [sflag:$0x3] =	stream.indirect.gather [hbm4b:s6+s20], $0x40, s17, s20, $0xb8;
	[tilespmem:$0x1FC40] =	vst v63  }
0x6b: {  	_ =	swait.ge [sflag:s5], $0x1F40  }
0x6c: {  	[sflag:s5] =	ssyncset.done $0x0  }
0x6d: {  	s16 =	simm.s32 $0x5200;
	[sflag:s5] =	ssyncadd.s32 $0xFFFFE0C0  }
0x6e: {  	[spmem:s2] =	stream.indirect.scatter.add.f32 [tilespmem:s0], [sflag:$0xA], $0x40, s16, s20, $0xb8;
	[tilespmem:$0x1FC40] =	vst v63  }
0x6f: {  	_ =	swait.ge [sflag:s12], $0x1F40  }
0x70: {  	[sflag:s12] =	ssyncset.done $0x0  }
0x71: {  	s17 =	simm.s32 $0x400;
	[sflag:s12] =	ssyncadd.s32 $0xFFFFE0C0  }
0x72: {  	[tilespmem:s28], [sflag:$0x4] =	stream.indirect.gather [hbm4b:s6+s20], $0x40, s17, s20, $0xb8;
	[tilespmem:$0x1FC40] =	vst v63  }
0x73: {  	_ =	swait.ge [sflag:s30], $0x1F40  }
0x74: {  	[sflag:s30] =	ssyncset.done $0x0  }
0x75: {  	s16 =	simm.s32 $0x5280;
	[sflag:s30] =	ssyncadd.s32 $0xFFFFE0C0  }
0x76: {  	[spmem:s2] =	stream.indirect.scatter.add.f32 [tilespmem:s21], [sflag:$0x6], $0x40, s16, s20, $0xb8;
	[tilespmem:$0x1FC40] =	vst v63  }
0x77: {  	_ =	swait.ge [sflag:s13], $0x1F40  }
0x78: {  	[sflag:s13] =	ssyncset.done $0x0  }
0x79: {  	s17 =	simm.s32 $0x480;
	[sflag:s13] =	ssyncadd.s32 $0xFFFFE0C0  }
0x7a: {  	[tilespmem:s0], [sflag:$0x5] =	stream.indirect.gather [hbm4b:s6+s20], $0x40, s17, s20, $0xb8;
	[tilespmem:$0x1FC40] =	vst v63  }
0x7b: {  	_ =	swait.ge [sflag:s1], $0x1F40  }
0x7c: {  	[sflag:s1] =	ssyncset.done $0x0  }
0x7d: {  	s16 =	simm.s32 $0x5300;
	[sflag:s1] =	ssyncadd.s32 $0xFFFFE0C0  }
0x7e: {  	[spmem:s2] =	stream.indirect.scatter.add.f32 [tilespmem:s23], [sflag:$0x7], $0x40, s16, s20, $0xb8;
	[tilespmem:$0x1FC40] =	vst v63  }
0x7f: {  	_ =	swait.ge [sflag:s24], $0x1F40  }
0x80: {  	[sflag:s24] =	ssyncset.done $0x0  }
0x81: {  	s17 =	simm.s32 $0x500;
	[sflag:s24] =	ssyncadd.s32 $0xFFFFE0C0  }
0x82: {  	[tilespmem:s21], [sflag:$0x1] =	stream.indirect.gather [hbm4b:s6+s20], $0x40, s17, s20, $0xb8;
	[tilespmem:$0x1FC40] =	vst v63  }
0x83: {  	_ =	swait.ge [sflag:s31], $0x1F40  }
0x84: {  	[sflag:s31] =	ssyncset.done $0x0  }
0x85: {  	s16 =	simm.s32 $0x5380;
	[sflag:s31] =	ssyncadd.s32 $0xFFFFE0C0  }
0x86: {  	[spmem:s2] =	stream.indirect.scatter.add.f32 [tilespmem:s25], [sflag:$0x8], $0x40, s16, s20, $0xb8;
	[tilespmem:$0x1FC40] =	vst v63  }
0x87: {  	_ =	swait.ge [sflag:s26], $0x1F40  }
0x88: {  	[sflag:s26] =	ssyncset.done $0x0  }
0x89: {  	s17 =	simm.s32 $0x580;
	[sflag:s26] =	ssyncadd.s32 $0xFFFFE0C0  }
0x8a: {  	[tilespmem:s23], [sflag:$0x2] =	stream.indirect.gather [hbm4b:s6+s20], $0x40, s17, s20, $0xb8;
	[tilespmem:$0x1FC40] =	vst v63  }
0x8b: {  	_ =	swait.ge [sflag:s22], $0x1F40  }
0x8c: {  	[sflag:s22] =	ssyncset.done $0x0  }
0x8d: {  	s16 =	simm.s32 $0x5400;
	[sflag:s22] =	ssyncadd.s32 $0xFFFFE0C0  }
0x8e: {  	[spmem:s2] =	stream.indirect.scatter.add.f32 [tilespmem:s28], [sflag:$0x9], $0x40, s16, s20, $0xb8;
	[tilespmem:$0x1FC40] =	vst v63  }
0x8f: {  	_ =	swait.ge [sflag:s4], $0x1F40  }
0x90: {  	[sflag:s4] =	ssyncset.done $0x0  }
0x91: {  	s17 =	simm.s32 $0x600;
	[sflag:s4] =	ssyncadd.s32 $0xFFFFE0C0  }
0x92: {  	[tilespmem:s25], [sflag:$0x3] =	stream.indirect.gather [hbm4b:s6+s20], $0x40, s17, s20, $0xb8;
	[tilespmem:$0x1FC40] =	vst v63  }
0x93: {  	_ =	swait.ge [sflag:s5], $0x1F40  }
0x94: {  	[sflag:s5] =	ssyncset.done $0x0  }
0x95: {  	s16 =	simm.s32 $0x5480;
	[sflag:s5] =	ssyncadd.s32 $0xFFFFE0C0  }
0x96: {  	[spmem:s2] =	stream.indirect.scatter.add.f32 [tilespmem:s0], [sflag:$0xA], $0x40, s16, s20, $0xb8;
	[tilespmem:$0x1FC40] =	vst v63  }
0x97: {  	_ =	swait.ge [sflag:s12], $0x1F40  }
0x98: {  	[sflag:s12] =	ssyncset.done $0x0  }
0x99: {  	s17 =	simm.s32 $0x680;
	[sflag:s12] =	ssyncadd.s32 $0xFFFFE0C0  }
0x9a: {  	[tilespmem:s28], [sflag:$0x4] =	stream.indirect.gather [hbm4b:s6+s20], $0x40, s17, s20, $0xb8;
	[tilespmem:$0x1FC40] =	vst v63  }
0x9b: {  	_ =	swait.ge [sflag:s30], $0x1F40  }
0x9c: {  	[sflag:s30] =	ssyncset.done $0x0  }
0x9d: {  	s16 =	simm.s32 $0x5500;
	[sflag:s30] =	ssyncadd.s32 $0xFFFFE0C0  }
0x9e: {  	[spmem:s2] =	stream.indirect.scatter.add.f32 [tilespmem:s21], [sflag:$0x6], $0x40, s16, s20, $0xb8;
	[tilespmem:$0x1FC40] =	vst v63  }
0x9f: {  	_ =	swait.ge [sflag:s13], $0x1F40  }
0xa0: {  	[sflag:s13] =	ssyncset.done $0x0  }
0xa1: {  	s17 =	simm.s32 $0x700;
	[sflag:s13] =	ssyncadd.s32 $0xFFFFE0C0  }
0xa2: {  	[tilespmem:s0], [sflag:$0x5] =	stream.indirect.gather [hbm4b:s6+s20], $0x40, s17, s20, $0xb8;
	[tilespmem:$0x1FC40] =	vst v63  }
0xa3: {  	_ =	swait.ge [sflag:s1], $0x1F40  }
0xa4: {  	[sflag:s1] =	ssyncset.done $0x0  }
0xa5: {  	s15 =	simm.s32 $0xA00;
	s16 =	simm.s32 $0x5580;
	[sflag:s1] =	ssyncadd.s32 $0xFFFFE0C0  }
.LBB2_4:
0xa6: {  	[spmem:s2] =	stream.indirect.scatter.add.f32 [tilespmem:s23], [sflag:$0x7], $0x40, s16, s20, $0xb8;
	[tilespmem:$0x1FC40] =	vst v63  }
0xa7: {  	s16 =	smov.u32 s15;
	s15 =	sadd.s32 $0xA00, s15;
	_ =	swait.ge [sflag:s24], $0x1F40  }
0xa8: {  	s16 =	sshra.s32 s16, $0x2;
	p0 =	sne.s32 s15, $0x12C00;
	[sflag:s24] =	ssyncset.done $0x0  }
0xa9: {  	s17 =	sadd.s32 $0x500, s16;
	[sflag:s24] =	ssyncadd.s32 $0xFFFFE0C0  }
0xaa: {  	[tilespmem:s21], [sflag:$0x1] =	stream.indirect.gather [hbm4b:s6+s20], $0x40, s17, s20, $0xb8;
	[tilespmem:$0x1FC40] =	vst v63  }
0xab: {  	_ =	swait.ge [sflag:s31], $0x1F40  }
0xac: {  	[sflag:s31] =	ssyncset.done $0x0  }
0xad: {  	s17 =	sadd.s32 $0x5380, s16;
	[sflag:s31] =	ssyncadd.s32 $0xFFFFE0C0  }
0xae: {  	[spmem:s2] =	stream.indirect.scatter.add.f32 [tilespmem:s25], [sflag:$0x8], $0x40, s17, s20, $0xb8;
	[tilespmem:$0x1FC40] =	vst v63  }
0xaf: {  	_ =	swait.ge [sflag:s26], $0x1F40  }
0xb0: {  	[sflag:s26] =	ssyncset.done $0x0  }
0xb1: {  	s17 =	sadd.s32 $0x580, s16;
	[sflag:s26] =	ssyncadd.s32 $0xFFFFE0C0  }
0xb2: {  	[tilespmem:s23], [sflag:$0x2] =	stream.indirect.gather [hbm4b:s6+s20], $0x40, s17, s20, $0xb8;
	[tilespmem:$0x1FC40] =	vst v63  }
0xb3: {  	_ =	swait.ge [sflag:s22], $0x1F40  }
0xb4: {  	[sflag:s22] =	ssyncset.done $0x0  }
0xb5: {  	s17 =	sadd.s32 $0x5400, s16;
	[sflag:s22] =	ssyncadd.s32 $0xFFFFE0C0  }
0xb6: {  	[spmem:s2] =	stream.indirect.scatter.add.f32 [tilespmem:s28], [sflag:$0x9], $0x40, s17, s20, $0xb8;
	[tilespmem:$0x1FC40] =	vst v63  }
0xb7: {  	_ =	swait.ge [sflag:s4], $0x1F40  }
0xb8: {  	[sflag:s4] =	ssyncset.done $0x0  }
0xb9: {  	s17 =	sadd.s32 $0x600, s16;
	[sflag:s4] =	ssyncadd.s32 $0xFFFFE0C0  }
0xba: {  	[tilespmem:s25], [sflag:$0x3] =	stream.indirect.gather [hbm4b:s6+s20], $0x40, s17, s20, $0xb8;
	[tilespmem:$0x1FC40] =	vst v63  }
0xbb: {  	_ =	swait.ge [sflag:s5], $0x1F40  }
0xbc: {  	[sflag:s5] =	ssyncset.done $0x0  }
0xbd: {  	s17 =	sadd.s32 $0x5480, s16;
	[sflag:s5] =	ssyncadd.s32 $0xFFFFE0C0  }
0xbe: {  	[spmem:s2] =	stream.indirect.scatter.add.f32 [tilespmem:s0], [sflag:$0xA], $0x40, s17, s20, $0xb8;
	[tilespmem:$0x1FC40] =	vst v63  }
0xbf: {  	_ =	swait.ge [sflag:s12], $0x1F40  }
0xc0: {  	[sflag:s12] =	ssyncset.done $0x0  }
0xc1: {  	s17 =	sadd.s32 $0x680, s16;
	[sflag:s12] =	ssyncadd.s32 $0xFFFFE0C0  }
0xc2: {  	[tilespmem:s28], [sflag:$0x4] =	stream.indirect.gather [hbm4b:s6+s20], $0x40, s17, s20, $0xb8;
	[tilespmem:$0x1FC40] =	vst v63  }
0xc3: {  	_ =	swait.ge [sflag:s30], $0x1F40  }
0xc4: {  	[sflag:s30] =	ssyncset.done $0x0  }
0xc5: {  	s17 =	sadd.s32 $0x5500, s16;
	[sflag:s30] =	ssyncadd.s32 $0xFFFFE0C0  }
0xc6: {  	[spmem:s2] =	stream.indirect.scatter.add.f32 [tilespmem:s21], [sflag:$0x6], $0x40, s17, s20, $0xb8;
	[tilespmem:$0x1FC40] =	vst v63  }
0xc7: {  	_ =	swait.ge [sflag:s13], $0x1F40  }
0xc8: {  	[sflag:s13] =	ssyncset.done $0x0  }
.Ltmp1:
0xc9: {  	s17 =	sadd.s32 $0x700, s16;
	[sflag:s13] =	ssyncadd.s32 $0xFFFFE0C0;
	(pc) =	sbr.rel @p0 .LBB2_4-.Ltmp1, $4  }
0xca: {  	[tilespmem:s0], [sflag:$0x5] =	stream.indirect.gather [hbm4b:s6+s20], $0x40, s17, s20, $0xb8;
	[tilespmem:$0x1FC40] =	vst v63  }
0xcb: {  	_ =	swait.ge [sflag:s1], $0x1F40  }
0xcc: {  	[sflag:s1] =	ssyncset.done $0x0  }
0xcd: {  	s16 =	sadd.s32 $0x5580, s16;
	[sflag:s1] =	ssyncadd.s32 $0xFFFFE0C0  }
0xce: {  	[spmem:s2] =	stream.indirect.scatter.add.f32 [tilespmem:s23], [sflag:$0x7], $0x40, s16, s20, $0xb8;
	[tilespmem:$0x1FC40] =	vst v63  }
0xcf: {  	_ =	swait.ge [sflag:s31], $0x1F40  }
0xd0: {  	s15 =	sshra.s32 s15, $0x2;
	[sflag:s31] =	ssyncset.done $0x0  }
0xd1: {  	s17 =	sadd.s32 $0x5380, s15;
	[sflag:s31] =	ssyncadd.s32 $0xFFFFE0C0  }
0xd2: {  	[spmem:s2] =	stream.indirect.scatter.add.f32 [tilespmem:s25], [sflag:$0x8], $0x40, s17, s20, $0xb8;
	[tilespmem:$0x1FC40] =	vst v63  }
0xd3: {  	_ =	swait.ge [sflag:s22], $0x1F40  }
0xd4: {  	[sflag:s22] =	ssyncset.done $0x0  }
0xd5: {  	s17 =	sadd.s32 $0x5400, s15;
	[sflag:s22] =	ssyncadd.s32 $0xFFFFE0C0  }
0xd6: {  	[spmem:s2] =	stream.indirect.scatter.add.f32 [tilespmem:s28], [sflag:$0x9], $0x40, s17, s20, $0xb8;
	[tilespmem:$0x1FC40] =	vst v63  }
0xd7: {  	_ =	swait.ge [sflag:s5], $0x1F40  }
0xd8: {  	[sflag:s5] =	ssyncset.done $0x0  }
0xd9: {  	s15 =	sadd.s32 $0x5480, s15;
	[sflag:s5] =	ssyncadd.s32 $0xFFFFE0C0  }
0xda: {  	[spmem:s2] =	stream.indirect.scatter.add.f32 [tilespmem:s0], [sflag:$0xA], $0x40, s15, s20, $0xb8;
	[tilespmem:$0x1FC40] =	vst v63  }
0xdb: {  	_ =	swait.ge [sflag:s24], $0x1F40  }
0xdc: {  	[sflag:s24] =	ssyncset.done $0x0  }
0xdd: {  	[sflag:s24] =	ssyncadd.s32 $0xFFFFE0C0  }
0xde: {  	_ =	swait.ge [sflag:s26], $0x1F40  }
0xdf: {  	[sflag:s26] =	ssyncset.done $0x0  }
0xe0: {  	[sflag:s26] =	ssyncadd.s32 $0xFFFFE0C0  }
0xe1: {  	_ =	swait.ge [sflag:s4], $0x1F40  }
0xe2: {  	[sflag:s4] =	ssyncset.done $0x0  }
0xe3: {  	[sflag:s4] =	ssyncadd.s32 $0xFFFFE0C0  }
0xe4: {  	_ =	swait.ge [sflag:s12], $0x1F40  }
0xe5: {  	[sflag:s12] =	ssyncset.done $0x0  }
0xe6: {  	[sflag:s12] =	ssyncadd.s32 $0xFFFFE0C0  }
0xe7: {  	_ =	swait.ge [sflag:s13], $0x1F40  }
0xe8: {  	[sflag:s13] =	ssyncset.done $0x0  }
0xe9: {  	s16 =	stileid.u32;
	[sflag:s13] =	ssyncadd.s32 $0xFFFFE0C0  }
0xea: {  	s15 =	sshll.u32 s16, $0x6;
	[bflag:$0x0] =	sbarrier.arrive $0xFFFF  }
0xeb: {  	s16 =	sshrl.u32 s7, $0x3;
	s15 =	sor.u32 $0x1C0B, s15;
	s17 =	rddreg [dreg:$0x6]  }
0xec: {  	[hbm:s17@s14], [sflag:s15] =	dma.strided [spmem:s16@s4], $0x400, s30, $0x8   }
0xed: {  	_ =	swait.ge [sflag:s18], $0x400  }
0xee: {  	[sflag:s18] =	ssyncset.done $0x0  }
0xef: {  	s16 =	sshrl.u32 s8, $0x3;
	s17 =	rddreg [dreg:$0x7];
	[sflag:s18] =	ssyncadd.s32 $0xFFFFFC00  }
0xf0: {  	[hbm:s17@s14], [sflag:s15] =	dma.strided [spmem:s16@s4], $0x400, s30, $0x8   }
0xf1: {  	_ =	swait.ge [sflag:s18], $0x400  }
0xf2: {  	[sflag:s18] =	ssyncset.done $0x0  }
0xf3: {  	s16 =	sshrl.u32 s9, $0x3;
	s17 =	rddreg [dreg:$0x8];
	[sflag:s18] =	ssyncadd.s32 $0xFFFFFC00  }
0xf4: {  	[hbm:s17@s14], [sflag:s15] =	dma.strided [spmem:s16@s4], $0x400, s30, $0x8   }
0xf5: {  	_ =	swait.ge [sflag:s18], $0x400  }
0xf6: {  	[sflag:s18] =	ssyncset.done $0x0  }
0xf7: {  	s16 =	sshrl.u32 s10, $0x3;
	s17 =	rddreg [dreg:$0x9];
	[sflag:s18] =	ssyncadd.s32 $0xFFFFFC00  }
0xf8: {  	[hbm:s17@s14], [sflag:s15] =	dma.strided [spmem:s16@s4], $0x400, s30, $0x8   }
0xf9: {  	_ =	swait.ge [sflag:s18], $0x400  }
0xfa: {  	[sflag:s18] =	ssyncset.done $0x0  }
0xfb: {  	s16 =	sshrl.u32 s11, $0x3;
	s17 =	rddreg [dreg:$0xa];
	[sflag:s18] =	ssyncadd.s32 $0xFFFFFC00  }
0xfc: {  	[hbm:s17@s14], [sflag:s15] =	dma.strided [spmem:s16@s4], $0x400, s30, $0x8   }
0xfd: {  	_ =	swait.ge [sflag:s18], $0x400  }
0xfe: {  	s19 =	sadd.s32 $0x1, s19;
	s17 =	rddreg [dreg:$0xb]  }
0xff: {  	p0 =	sne.s32 s19, s17  }
.Ltmp2:
0x100: {  	_ = 	snop;
	(pc) =	sbr.rel @p0 .LBB2_1-.Ltmp2, $3  }
0x101: {  	_ =	sdelay $0x1  }
0x102: {  	[sflag:s18] =	ssyncset.done $0x0  }
0x103: {  	[sflag:s18] =	ssyncadd.s32 $0xFFFFFC00  }
0x104: {  	_ =	sfence.sel $0x180000  }
0x105: {  	[bflag:$0x0] =	sbarrier.arrive $0xFFFF  }
0x106: {  	_ =	strace $0x9000004A  }
0x107: {  	s0 =	stileid.u32;
	[bflag:$0x2] =	sbarrier.arrive $0xFFFF  }
0x108: {  	p0 =	sne.s32 s0, $0x0;
	s0 =	rddreg [dreg:$0x3]  }
0x109: {  	s0 =	sadd.s32 @!p0 $0x100000, s0  }
0x10a: {  	[sflag:s0] =	ssyncadd.tile.s32 @!p0 $0x1;
	_ =	shalt  }
.Lfunc_end2:
_tile_overlayer_lowered:
.L_overlay_start_2:
0x10b: {  	(tag) =	ssettag $0x2  }
0x10c: {  	s0 =	rddreg [dreg:$0x0];
	s2 =	stileid.u32  }
0x10d: {  	s1 =	rddreg [dreg:$0x1];
	p0 =	sne.s32 s2, $0x0  }
0x10e: {  	s3 =	rddreg [dreg:$0x2];
	[bflag:$0x3] =	sbarrier.arrive $0xFFFF;
	s2 =	simm.s32 @!p0 $0x1C0B  }
0x10f: {  	[timem:s3], [sflag:s2] =	dma.local @!p0 [hbm:s0], s1  }
0x110: {  	s0 =	simm.s32 @!p0 $0xB  }
0x111: {  	_ =	swait.ge @!p0 [sflag:s0], s1  }
0x112: {  	s1 =	ssub.s32 @!p0 $0x0, s1;
	[sflag:s0] =	ssyncset.done @!p0 $0x0  }
0x113: {  	[sflag:s0] =	ssyncadd.s32 @!p0 s1  }
0x114: {  	[bflag:$0x3] =	sbarrier.arrive $0xFFFF  }
0x115: {  	_ =	shalt  }

</sc_bundles>
